<compile_context>
chip_gen: v7x
topology: tpu7x:2x2x1
jax: 0.10.2.dev20260603
libtpu: 0.0.44.dev20260713+nightly
codegen_flags: <defaults>
</compile_context>

<pallas_src>
import jax
import jax.numpy as jnp
from jax import lax
from jax.experimental import pallas as pl
from jax.experimental.pallas import tpu as pltpu, tpu_sc as plsc

_B, _R, _P, _C = 2, 16384, 64, 4
_D, _Hh, _W = 64, 64, 64
_DHW = _D * _Hh * _W
_NVOL = _DHW * _C

_NS = 16
_RT = _R // _NS
_RC = 128
_NSUB = _RT // _RC
_NPW = _P // 16
_NE = 2048
_SLICE = _NVOL // _NS


def _body(geo_hbm, len_hbm, feat_hbm, out_hbm,
          vol_sh, geo_v, len_v, feat_v, idx_c, idx_a, val_a, idx_b, val_b,
          zb, wx0, wx1, wy0, wy1, wz0, wz1, sem_a, sem_b):
    c = lax.axis_index("c")
    s = lax.axis_index("s")
    iota = lax.iota(jnp.int32, 16)
    row_e = iota >> 2
    col_e = iota & 3
    fzero = jnp.zeros((16,), jnp.float32)

    def zb_init(i, carry):
        zb[pl.ds(i * 16, 16)] = fzero
        return carry
    lax.fori_loop(0, 4096 // 16, zb_init, 0)
    base = s * _SLICE

    def zdma(j, carry):
        pltpu.sync_copy(zb, vol_sh.at[pl.ds(base + j * 4096, 4096)])
        return carry
    lax.fori_loop(0, _SLICE // 4096, zdma, 0)
    plsc.subcore_barrier()

    r0_tile = s * _RT

    def sub_body(sub, carry):
        r0 = r0_tile + sub * _RC
        pltpu.sync_copy(geo_hbm.at[c, pl.ds(r0 * 6, _RC * 6)],
                        geo_v.at[pl.ds(0, _RC * 6)])
        pltpu.sync_copy(len_hbm.at[c, pl.ds(r0, _RC)], len_v)
        pltpu.sync_copy(feat_hbm.at[c, pl.ds(r0, _RC)], feat_v)

        def pair_body(rp, carry2):
            for half, (idx_e, val_e, sem) in enumerate(
                    ((idx_a, val_a, sem_a), (idx_b, val_b, sem_b))):
                r = rp * 2 + half
                @pl.when((sub > 0) | (rp > 0))
                def _():
                    pltpu.make_async_copy(
                        val_e, vol_sh.at[idx_e], sem).wait()
                _fill_ray(r, idx_e, val_e)
                pltpu.async_copy(val_e, vol_sh.at[idx_e], sem, add=True)
            return carry2

        def _fill_ray(r, idx_e, val_e):
            g = geo_v[pl.ds(r * 6, 16)]
            ox = g[0] * 32.0 + 31.5
            oy = g[1] * 32.0 + 31.5
            oz = g[2] * 32.0 + 31.5
            dx = g[3] * 32.0
            dy = g[4] * 32.0
            dz = g[5] * 32.0
            oxv = jnp.full((16,), ox, jnp.float32)
            oyv = jnp.full((16,), oy, jnp.float32)
            ozv = jnp.full((16,), oz, jnp.float32)
            dxv = jnp.full((16,), dx, jnp.float32)
            dyv = jnp.full((16,), dy, jnp.float32)
            dzv = jnp.full((16,), dz, jnp.float32)

            def pw_body(pw, carry3):
                t = len_v[r, pl.ds(pw * 16, 16)]

                def axis(ov, dv, scale):
                    v = ov + dv * t
                    i0 = v.astype(jnp.int32)
                    f0 = i0.astype(jnp.float32)
                    bi = i0 - jnp.where(f0 > v, 1, 0)
                    fr = v - bi.astype(jnp.float32)
                    va0 = (bi >= 0) & (bi <= 63)
                    va1 = (bi >= -1) & (bi <= 62)
                    w0 = jnp.where(va0, 1.0 - fr, 0.0)
                    w1 = jnp.where(va1, fr, 0.0)
                    c0 = jnp.minimum(jnp.maximum(bi, 0), 63) * scale
                    c1 = jnp.minimum(jnp.maximum(bi + 1, 0), 63) * scale
                    return w0, w1, c0, c1

                x0w, x1w, ix0, ix1 = axis(oxv, dxv, 1)
                y0w, y1w, iy0, iy1 = axis(oyv, dyv, 64)
                z0w, z1w, iz0, iz1 = axis(ozv, dzv, 4096)
                wx0[...] = x0w
                wx1[...] = x1w
                wy0[...] = y0w
                wy1[...] = y1w
                wz0[...] = z0w
                wz1[...] = z1w

                izy = (iz0 + iy0, iz0 + iy1, iz1 + iy0, iz1 + iy1)
                k = 0
                for a in range(4):
                    for dxi in (ix0, ix1):
                        idx_c[pl.ds(k * 16, 16)] = izy[a] + dxi
                        k += 1

                for q in range(4):
                    e = row_e + q * 4
                    gx0 = plsc.load_gather(wx0, [e])
                    gx1 = plsc.load_gather(wx1, [e])
                    gy0 = plsc.load_gather(wy0, [e])
                    gy1 = plsc.load_gather(wy1, [e])
                    gz0 = plsc.load_gather(wz0, [e])
                    gz1 = plsc.load_gather(wz1, [e])
                    f16 = feat_v[r, pl.ds(pw * 64 + q * 16, 16)]
                    wzy = (gz0 * gy0, gz0 * gy1, gz1 * gy0, gz1 * gy1)
                    k = 0
                    for a in range(4):
                        for gx in (gx0, gx1):
                            off = pw * 512 + k * 64 + q * 16
                            gi = plsc.load_gather(idx_c, [e + k * 16])
                            idx_e[pl.ds(off, 16)] = (gi << 2) | col_e
                            val_e[pl.ds(off, 16)] = f16 * (wzy[a] * gx)
                            k += 1
                return carry3

            lax.fori_loop(0, _NPW, pw_body, 0)

        lax.fori_loop(0, _RC // 2, pair_body, 0)
        return carry

    lax.fori_loop(0, _NSUB, sub_body, 0)

    pltpu.make_async_copy(val_a, vol_sh.at[idx_a], sem_a).wait()
    pltpu.make_async_copy(val_b, vol_sh.at[idx_b], sem_b).wait()
    plsc.subcore_barrier()
    pltpu.sync_copy(vol_sh.at[pl.ds(base, _SLICE)],
                    out_hbm.at[c, pl.ds(base, _SLICE)])


_sc_call = pl.kernel(
    _body,
    out_type=jax.ShapeDtypeStruct((_B, _NVOL), jnp.float32),
    mesh=plsc.VectorSubcoreMesh(core_axis_name="c", subcore_axis_name="s"),
    compiler_params=pltpu.CompilerParams(
        needs_layout_passes=False, use_tc_tiling_on_sc=False),
    scratch_types=[
        pltpu.VMEM_SHARED((_NVOL,), jnp.float32),
        pltpu.VMEM((_RC * 6 + 16,), jnp.float32),
        pltpu.VMEM((_RC, _P), jnp.float32),
        pltpu.VMEM((_RC, _P * _C), jnp.float32),
        pltpu.VMEM((128,), jnp.int32),
        pltpu.VMEM((_NE,), jnp.int32),
        pltpu.VMEM((_NE,), jnp.float32),
        pltpu.VMEM((_NE,), jnp.int32),
        pltpu.VMEM((_NE,), jnp.float32),
        pltpu.VMEM((4096,), jnp.float32),
        pltpu.VMEM((16,), jnp.float32),
        pltpu.VMEM((16,), jnp.float32),
        pltpu.VMEM((16,), jnp.float32),
        pltpu.VMEM((16,), jnp.float32),
        pltpu.VMEM((16,), jnp.float32),
        pltpu.VMEM((16,), jnp.float32),
        pltpu.SemaphoreType.DMA,
        pltpu.SemaphoreType.DMA,
    ],
)


@jax.jit
def kernel(rays_origins, rays_directions, rays_lengths, rays_features):
    geo = jnp.concatenate(
        [rays_origins, rays_directions], axis=-1).reshape(_B, _R * 6)
    ft = rays_features.reshape(_B, _R, _P * _C)
    vol = _sc_call(geo, rays_lengths, ft)
    return vol.reshape(_B, _D, _Hh, _W, _C).transpose(0, 4, 1, 2, 3)

# --- scband reference (transcript-rebuilt; emitter-appended) ---
"""Pipeline reference for scband-frustum-sampler-50354196578763 (READ-ONLY COPY).

The authoritative reference and input builder live on the scoring server;
editing this copy changes nothing except your own understanding.
"""

import jax, jax.numpy as jnp
import numpy as np

B, R, P, C = 2, 16384, 64, 4
D, H, W = 64, 64, 64


def setup_inputs(seed: int = 0) -> dict:
    key = jax.random.key(seed)
    k1, k2, k3, k4 = jax.random.split(key, 4)
    rays_origins = jax.random.normal(k1, (B, R, 3), dtype=jnp.float32) * 0.5
    rays_directions = jax.random.normal(k2, (B, R, 3), dtype=jnp.float32)
    rays_lengths = jax.random.uniform(k3, (B, R, P), dtype=jnp.float32) * 2.0
    rays_features = jax.random.normal(k4, (B, R, P, C), dtype=jnp.float32)
    return {
        "rays_origins": rays_origins,
        "rays_directions": rays_directions,
        "rays_lengths": rays_lengths,
        "rays_features": rays_features,
    }


def _backproject(rays_origins, rays_directions, rays_lengths, rays_features):
    # ray_bundle_variables_to_ray_points: origins + directions * lengths
    pts = rays_origins[:, :, None, :] + rays_directions[:, :, None, :] * rays_lengths[..., None]  # [B,R,P,3]
    pts = pts.reshape(B, R * P, 3)
    feat = rays_features.reshape(B, R * P, C)
    # inverse grid_sample (trilinear scatter), align_corners=False.
    # grid last dim ordered (x, y, z) matching (W, H, D), coords in [-1, 1].
    sizes = jnp.array([W, H, D], dtype=jnp.float32)
    vox = (pts + 1.0) * sizes * 0.5 - 0.5
    base = jnp.floor(vox)
    frac = vox - base
    base_i = base.astype(jnp.int32)
    vol_flat = jnp.zeros((B, D * H * W, C), dtype=jnp.float32)
    b_idx = jnp.arange(B)[:, None]
    for dz in (0, 1):
        for dy in (0, 1):
            for dx in (0, 1):
                cx = base_i[..., 0] + dx
                cy = base_i[..., 1] + dy
                cz = base_i[..., 2] + dz
                wx = frac[..., 0] if dx == 1 else 1.0 - frac[..., 0]
                wy = frac[..., 1] if dy == 1 else 1.0 - frac[..., 1]
                wz = frac[..., 2] if dz == 1 else 1.0 - frac[..., 2]
                w = wx * wy * wz
                valid = (cx >= 0) & (cx < W) & (cy >= 0) & (cy < H) & (cz >= 0) & (cz < D)
                w = jnp.where(valid, w, 0.0)
                idx = (jnp.clip(cz, 0, D - 1) * H + jnp.clip(cy, 0, H - 1)) * W + jnp.clip(cx, 0, W - 1)
                vol_flat = vol_flat.at[b_idx, idx].add(feat * w[..., None])
    return vol_flat.reshape(B, D, H, W, C).transpose(0, 4, 1, 2, 3)


def reference(rays_origins, rays_directions, rays_lengths, rays_features):
    return _backproject(rays_origins, rays_directions, rays_lengths, rays_features)

if __name__ == "__main__":
    import jax
    _d = setup_inputs()
    print(jax.jit(kernel)(*tuple(_d.values())))

</pallas_src>

<mosaic_0001>
#map = affine_map<(d0, d1) -> (0, 0)>
#map1 = affine_map<(d0, d1) -> (0, 0, 0)>
module attributes {stable_mosaic.version = 14 : i64} {
  func.func @_body(%arg0: i32, %arg1: i32, %arg2: memref<2x98304xf32, #tpu.memory_space<hbm>>, %arg3: memref<2x16384x64xf32, #tpu.memory_space<hbm>>, %arg4: memref<2x16384x256xf32, #tpu.memory_space<hbm>>, %arg5: memref<2x1048576xf32, #tpu.memory_space<hbm>>, %arg6: memref<1048576xf32, #tpu.memory_space<vmem_shared>>, %arg7: memref<784xf32, #tpu.memory_space<vmem>>, %arg8: memref<128x64xf32, #tpu.memory_space<vmem>>, %arg9: memref<128x256xf32, #tpu.memory_space<vmem>>, %arg10: memref<128xi32, #tpu.memory_space<vmem>>, %arg11: memref<2048xi32, #tpu.memory_space<vmem>>, %arg12: memref<2048xf32, #tpu.memory_space<vmem>>, %arg13: memref<2048xi32, #tpu.memory_space<vmem>>, %arg14: memref<2048xf32, #tpu.memory_space<vmem>>, %arg15: memref<4096xf32, #tpu.memory_space<vmem>>, %arg16: memref<16xf32, #tpu.memory_space<vmem>>, %arg17: memref<16xf32, #tpu.memory_space<vmem>>, %arg18: memref<16xf32, #tpu.memory_space<vmem>>, %arg19: memref<16xf32, #tpu.memory_space<vmem>>, %arg20: memref<16xf32, #tpu.memory_space<vmem>>, %arg21: memref<16xf32, #tpu.memory_space<vmem>>, %arg22: memref<!tpu.dma_semaphore, #tpu.memory_space<semaphore_mem>>, %arg23: memref<!tpu.dma_semaphore, #tpu.memory_space<semaphore_mem>>) attributes {dimension_semantics = [#tpu.dimension_semantics<core_parallel>, #tpu.dimension_semantics<subcore_parallel>], iteration_bounds = array<i64: 2, 16>, scalar_prefetch = 0 : i64, scratch_operands = 18 : i64, tpu.core_type = #tpu.core_type<sc_vector_subcore>, window_params = [{transform_indices = #map}, {transform_indices = #map1}, {transform_indices = #map1}, {transform_indices = #map}]} {
    %iota3A = tpu.iota {dimensions = array<i32: 0>} : vector<16xi32>
    %shift_right_arithmetic3A = arith.constant 2 : i32
    %shift_right_arithmetic3A_0 = vector.broadcast %shift_right_arithmetic3A : i32 to vector<16xi32>
    %shift_right_arithmetic3A_1 = arith.shrsi %iota3A, %shift_right_arithmetic3A_0 : vector<16xi32>
    %and3A = arith.constant 3 : i32
    %and3A_2 = vector.broadcast %and3A : i32 to vector<16xi32>
    %and3A_3 = arith.andi %iota3A, %and3A_2 : vector<16xi32>
    %broadcast_in_dim3A = arith.constant 0.000000e+00 : f32
    %broadcast_in_dim3A_4 = vector.broadcast %broadcast_in_dim3A : f32 to vector<16xf32>
    %scan3A = arith.constant 0 : i32
    %scan3A_5 = arith.constant 0 : i32
    %scan3A_6 = arith.constant 256 : i32
    %scan3A_7 = arith.addi %scan3A_5, %scan3A_6 : i32
    %scan3A_8 = arith.constant 1 : i32
    scf.for %scan3A_29 = %scan3A_5 to %scan3A_7 step %scan3A_8  : i32 {
      %mul3A_30 = arith.constant 16 : i32
      %mul3A_31 = arith.muli %scan3A_29, %mul3A_30 : i32
      %swap3A = arith.index_cast %mul3A_31 : i32 to index
      %swap3A_32 = tpu.vector_load %arg15[%swap3A] {strides = array<i32>} : memref<4096xf32, #tpu.memory_space<vmem>>, vector<16xf32>,
      tpu.vector_store %arg15[%swap3A], %broadcast_in_dim3A_4 {strides = array<i32>} : memref<4096xf32, #tpu.memory_space<vmem>>, vector<16xf32>,
    }
    %scan3A_9 = arith.constant 256 : i32
    %mul3A = arith.constant 65536 : i32
    %mul3A_10 = arith.muli %arg1, %mul3A : i32
    %scan3A_11 = arith.constant 0 : i32
    %scan3A_12 = arith.constant 0 : i32
    %scan3A_13 = arith.constant 16 : i32
    %scan3A_14 = arith.addi %scan3A_12, %scan3A_13 : i32
    %scan3A_15 = arith.constant 1 : i32
    scf.for %scan3A_29 = %scan3A_12 to %scan3A_14 step %scan3A_15  : i32 {
      %mul3A_30 = arith.constant 4096 : i32
      %mul3A_31 = arith.muli %scan3A_29, %mul3A_30 : i32
      %add3A = arith.addi %mul3A_10, %mul3A_31 : i32
      "tpu.region"() ({
        %run_scoped3A = tpu.sem_alloc : memref<!tpu.dma_semaphore, #tpu.memory_space<semaphore_mem>>
        %dma_start3A = tpu.memref_slice %arg6[%add3A] : memref<1048576xf32, #tpu.memory_space<vmem_shared>> -> memref<4096xf32, #tpu.memory_space<vmem_shared>>
        %dma_start3A_32 = tpu.memref_slice %arg6[%add3A] : memref<1048576xf32, #tpu.memory_space<vmem_shared>> -> memref<4096xf32, #tpu.memory_space<vmem_shared>>
        tpu.enqueue_dma source(%arg15 : memref<4096xf32, #tpu.memory_space<vmem>>) target(%dma_start3A_32 : memref<4096xf32, #tpu.memory_space<vmem_shared>>) target_semaphore(%run_scoped3A : memref<!tpu.dma_semaphore, #tpu.memory_space<semaphore_mem>>)
        %dma_wait3A_33 = tpu.memref_slice %arg6[%add3A] : memref<1048576xf32, #tpu.memory_space<vmem_shared>> -> memref<4096xf32, #tpu.memory_space<vmem_shared>>
        %dma_wait3A_34 = tpu.memref_slice %arg6[%add3A] : memref<1048576xf32, #tpu.memory_space<vmem_shared>> -> memref<4096xf32, #tpu.memory_space<vmem_shared>>
        tpu.wait_dma2 semaphore(%run_scoped3A : memref<!tpu.dma_semaphore, #tpu.memory_space<semaphore_mem>>) src(%arg15 : memref<4096xf32, #tpu.memory_space<vmem>>) dst(%dma_wait3A_34 : memref<4096xf32, #tpu.memory_space<vmem_shared>>)
        tpu.yield
      }) : () -> ()
    }
    %scan3A_16 = arith.constant 16 : i32
    %barrier3A = arith.constant 0 : index
    tpu.barrier barrier_id(%barrier3A)
    %mul3A_17 = arith.constant 1024 : i32
    %mul3A_18 = arith.muli %arg1, %mul3A_17 : i32
    %scan3A_19 = arith.constant 0 : i32
    %scan3A_20 = arith.constant 0 : i32
    %scan3A_21 = arith.constant 8 : i32
    %scan3A_22 = arith.addi %scan3A_20, %scan3A_21 : i32
    %scan3A_23 = arith.constant 1 : i32
    scf.for %scan3A_29 = %scan3A_20 to %scan3A_22 step %scan3A_23  : i32 {
      %mul3A_30 = arith.constant 128 : i32
      %mul3A_31 = arith.muli %scan3A_29, %mul3A_30 : i32
      %add3A = arith.addi %mul3A_18, %mul3A_31 : i32
      %mul3A_32 = arith.constant 6 : i32
      %mul3A_33 = arith.muli %add3A, %mul3A_32 : i32
      "tpu.region"() ({
        %run_scoped3A = tpu.sem_alloc : memref<!tpu.dma_semaphore, #tpu.memory_space<semaphore_mem>>
        %dma_start3A = arith.constant 0 : i32
        %dma_start3A_40 = tpu.memref_slice %arg7[%dma_start3A] : memref<784xf32, #tpu.memory_space<vmem>> -> memref<768xf32, #tpu.memory_space<vmem>>
        %dma_start3A_41 = tpu.memref_slice %arg2[%arg0, %mul3A_33] : memref<2x98304xf32, #tpu.memory_space<hbm>> -> memref<1x768xf32, #tpu.memory_space<hbm>>
        %dma_start3A_42 = tpu.memref_squeeze %dma_start3A_41 : memref<1x768xf32, #tpu.memory_space<hbm>> -> memref<768xf32, #tpu.memory_space<hbm>>
        %dma_start3A_43 = arith.constant 0 : i32
        %dma_start3A_44 = tpu.memref_slice %arg7[%dma_start3A_43] : memref<784xf32, #tpu.memory_space<vmem>> -> memref<768xf32, #tpu.memory_space<vmem>>
        %dma_start3A_45 = tpu.memref_slice %arg2[%arg0, %mul3A_33] : memref<2x98304xf32, #tpu.memory_space<hbm>> -> memref<1x768xf32, #tpu.memory_space<hbm>>
        %dma_start3A_46 = tpu.memref_squeeze %dma_start3A_45 : memref<1x768xf32, #tpu.memory_space<hbm>> -> memref<768xf32, #tpu.memory_space<hbm>>
        tpu.enqueue_dma source(%dma_start3A_46 : memref<768xf32, #tpu.memory_space<hbm>>) target(%dma_start3A_44 : memref<768xf32, #tpu.memory_space<vmem>>) target_semaphore(%run_scoped3A : memref<!tpu.dma_semaphore, #tpu.memory_space<semaphore_mem>>)
        %dma_wait3A_47 = arith.constant 0 : i32
        %dma_wait3A_48 = tpu.memref_slice %arg7[%dma_wait3A_47] : memref<784xf32, #tpu.memory_space<vmem>> -> memref<768xf32, #tpu.memory_space<vmem>>
        %dma_wait3A_49 = tpu.memref_slice %arg2[%arg0, %mul3A_33] : memref<2x98304xf32, #tpu.memory_space<hbm>> -> memref<1x768xf32, #tpu.memory_space<hbm>>
        %dma_wait3A_50 = tpu.memref_squeeze %dma_wait3A_49 : memref<1x768xf32, #tpu.memory_space<hbm>> -> memref<768xf32, #tpu.memory_space<hbm>>
        %dma_wait3A_51 = arith.constant 0 : i32
        %dma_wait3A_52 = tpu.memref_slice %arg7[%dma_wait3A_51] : memref<784xf32, #tpu.memory_space<vmem>> -> memref<768xf32, #tpu.memory_space<vmem>>
        %dma_wait3A_53 = tpu.memref_slice %arg2[%arg0, %mul3A_33] : memref<2x98304xf32, #tpu.memory_space<hbm>> -> memref<1x768xf32, #tpu.memory_space<hbm>>
        %dma_wait3A_54 = tpu.memref_squeeze %dma_wait3A_53 : memref<1x768xf32, #tpu.memory_space<hbm>> -> memref<768xf32, #tpu.memory_space<hbm>>
        tpu.wait_dma2 semaphore(%run_scoped3A : memref<!tpu.dma_semaphore, #tpu.memory_space<semaphore_mem>>) src(%dma_wait3A_54 : memref<768xf32, #tpu.memory_space<hbm>>) dst(%dma_wait3A_52 : memref<768xf32, #tpu.memory_space<vmem>>)
        tpu.yield
      }) : () -> ()
      "tpu.region"() ({
        %run_scoped3A = tpu.sem_alloc : memref<!tpu.dma_semaphore, #tpu.memory_space<semaphore_mem>>
        %dma_start3A = arith.constant 0 : i32
        %dma_start3A_40 = tpu.memref_slice %arg3[%arg0, %add3A, %dma_start3A] : memref<2x16384x64xf32, #tpu.memory_space<hbm>> -> memref<1x128x64xf32, #tpu.memory_space<hbm>>
        %dma_start3A_41 = tpu.memref_squeeze %dma_start3A_40 : memref<1x128x64xf32, #tpu.memory_space<hbm>> -> memref<128x64xf32, #tpu.memory_space<hbm>>
        %dma_start3A_42 = arith.constant 0 : i32
        %dma_start3A_43 = tpu.memref_slice %arg3[%arg0, %add3A, %dma_start3A_42] : memref<2x16384x64xf32, #tpu.memory_space<hbm>> -> memref<1x128x64xf32, #tpu.memory_space<hbm>>
        %dma_start3A_44 = tpu.memref_squeeze %dma_start3A_43 : memref<1x128x64xf32, #tpu.memory_space<hbm>> -> memref<128x64xf32, #tpu.memory_space<hbm>>
        tpu.enqueue_dma source(%dma_start3A_44 : memref<128x64xf32, #tpu.memory_space<hbm>>) target(%arg8 : memref<128x64xf32, #tpu.memory_space<vmem>>) target_semaphore(%run_scoped3A : memref<!tpu.dma_semaphore, #tpu.memory_space<semaphore_mem>>)
        %dma_wait3A_45 = arith.constant 0 : i32
        %dma_wait3A_46 = tpu.memref_slice %arg3[%arg0, %add3A, %dma_wait3A_45] : memref<2x16384x64xf32, #tpu.memory_space<hbm>> -> memref<1x128x64xf32, #tpu.memory_space<hbm>>
        %dma_wait3A_47 = tpu.memref_squeeze %dma_wait3A_46 : memref<1x128x64xf32, #tpu.memory_space<hbm>> -> memref<128x64xf32, #tpu.memory_space<hbm>>
        %dma_wait3A_48 = arith.constant 0 : i32
        %dma_wait3A_49 = tpu.memref_slice %arg3[%arg0, %add3A, %dma_wait3A_48] : memref<2x16384x64xf32, #tpu.memory_space<hbm>> -> memref<1x128x64xf32, #tpu.memory_space<hbm>>
        %dma_wait3A_50 = tpu.memref_squeeze %dma_wait3A_49 : memref<1x128x64xf32, #tpu.memory_space<hbm>> -> memref<128x64xf32, #tpu.memory_space<hbm>>
        tpu.wait_dma2 semaphore(%run_scoped3A : memref<!tpu.dma_semaphore, #tpu.memory_space<semaphore_mem>>) src(%dma_wait3A_50 : memref<128x64xf32, #tpu.memory_space<hbm>>) dst(%arg8 : memref<128x64xf32, #tpu.memory_space<vmem>>)
        tpu.yield
      }) : () -> ()
      "tpu.region"() ({
        %run_scoped3A = tpu.sem_alloc : memref<!tpu.dma_semaphore, #tpu.memory_space<semaphore_mem>>
        %dma_start3A = arith.constant 0 : i32
        %dma_start3A_40 = tpu.memref_slice %arg4[%arg0, %add3A, %dma_start3A] : memref<2x16384x256xf32, #tpu.memory_space<hbm>> -> memref<1x128x256xf32, #tpu.memory_space<hbm>>
        %dma_start3A_41 = tpu.memref_squeeze %dma_start3A_40 : memref<1x128x256xf32, #tpu.memory_space<hbm>> -> memref<128x256xf32, #tpu.memory_space<hbm>>
        %dma_start3A_42 = arith.constant 0 : i32
        %dma_start3A_43 = tpu.memref_slice %arg4[%arg0, %add3A, %dma_start3A_42] : memref<2x16384x256xf32, #tpu.memory_space<hbm>> -> memref<1x128x256xf32, #tpu.memory_space<hbm>>
        %dma_start3A_44 = tpu.memref_squeeze %dma_start3A_43 : memref<1x128x256xf32, #tpu.memory_space<hbm>> -> memref<128x256xf32, #tpu.memory_space<hbm>>
        tpu.enqueue_dma source(%dma_start3A_44 : memref<128x256xf32, #tpu.memory_space<hbm>>) target(%arg9 : memref<128x256xf32, #tpu.memory_space<vmem>>) target_semaphore(%run_scoped3A : memref<!tpu.dma_semaphore, #tpu.memory_space<semaphore_mem>>)
        %dma_wait3A_45 = arith.constant 0 : i32
        %dma_wait3A_46 = tpu.memref_slice %arg4[%arg0, %add3A, %dma_wait3A_45] : memref<2x16384x256xf32, #tpu.memory_space<hbm>> -> memref<1x128x256xf32, #tpu.memory_space<hbm>>
        %dma_wait3A_47 = tpu.memref_squeeze %dma_wait3A_46 : memref<1x128x256xf32, #tpu.memory_space<hbm>> -> memref<128x256xf32, #tpu.memory_space<hbm>>
        %dma_wait3A_48 = arith.constant 0 : i32
        %dma_wait3A_49 = tpu.memref_slice %arg4[%arg0, %add3A, %dma_wait3A_48] : memref<2x16384x256xf32, #tpu.memory_space<hbm>> -> memref<1x128x256xf32, #tpu.memory_space<hbm>>
        %dma_wait3A_50 = tpu.memref_squeeze %dma_wait3A_49 : memref<1x128x256xf32, #tpu.memory_space<hbm>> -> memref<128x256xf32, #tpu.memory_space<hbm>>
        tpu.wait_dma2 semaphore(%run_scoped3A : memref<!tpu.dma_semaphore, #tpu.memory_space<semaphore_mem>>) src(%dma_wait3A_50 : memref<128x256xf32, #tpu.memory_space<hbm>>) dst(%arg9 : memref<128x256xf32, #tpu.memory_space<vmem>>)
        tpu.yield
      }) : () -> ()
      %scan3A_34 = arith.constant 0 : i32
      %scan3A_35 = arith.constant 0 : i32
      %scan3A_36 = arith.constant 64 : i32
      %scan3A_37 = arith.addi %scan3A_35, %scan3A_36 : i32
      %scan3A_38 = arith.constant 1 : i32
      scf.for %scan3A_40 = %scan3A_35 to %scan3A_37 step %scan3A_38  : i32 {
        %mul3A_41 = arith.constant 2 : i32
        %mul3A_42 = arith.muli %scan3A_40, %mul3A_41 : i32
        %add3A_43 = arith.constant 0 : i32
        %add3A_44 = arith.addi %mul3A_42, %add3A_43 : i32
        %gt3A = arith.constant 0 : i32
        %gt3A_45 = arith.cmpi sgt, %scan3A_29, %gt3A : i32
        %gt3A_46 = arith.constant 0 : i32
        %gt3A_47 = arith.cmpi sgt, %scan3A_40, %gt3A_46 : i32
        %or3A = arith.ori %gt3A_45, %gt3A_47 : i1
        %convert_element_type3A = arith.extui %or3A : i1 to i32
        %cond3A = arith.constant 0 : i32
        %cond3A_48 = arith.cmpi ne, %convert_element_type3A, %cond3A : i32
        scf.if %cond3A_48 {
          %dma_wait3A_153 = arith.constant 0 : i32
          %dma_wait3A_154 = tpu.memref_slice %arg6[%dma_wait3A_153] : memref<1048576xf32, #tpu.memory_space<vmem_shared>> -> memref<1048576xf32, #tpu.memory_space<vmem_shared>>
          tpu.wait_indirect_dma semaphore(%arg22 : memref<!tpu.dma_semaphore, #tpu.memory_space<semaphore_mem>>) src(%arg12 : memref<2048xf32, #tpu.memory_space<vmem>>) dst(%dma_wait3A_154 : memref<1048576xf32, #tpu.memory_space<vmem_shared>>)
        } else {
        }
        %mul3A_49 = arith.constant 6 : i32
        %mul3A_50 = arith.muli %add3A_44, %mul3A_49 : i32
        %get3A = arith.index_cast %mul3A_50 : i32 to index
        %get3A_51 = tpu.vector_load %arg7[%get3A] {strides = array<i32>} : memref<784xf32, #tpu.memory_space<vmem>>, vector<16xf32>,
        %slice3A = vector.extract_strided_slice %get3A_51 {offsets = [0], sizes = [1], strides = [1]} : vector<16xf32> to vector<1xf32>
        %squeeze3A = vector.extract %slice3A[0] : f32 from vector<1xf32>
        %mul3A_52 = arith.constant 3.200000e+01 : f32
        %mul3A_53 = arith.mulf %squeeze3A, %mul3A_52 : f32
        %add3A_54 = arith.constant 3.150000e+01 : f32
        %add3A_55 = arith.addf %mul3A_53, %add3A_54 : f32
        %slice3A_56 = vector.extract_strided_slice %get3A_51 {offsets = [1], sizes = [1], strides = [1]} : vector<16xf32> to vector<1xf32>
        %squeeze3A_57 = vector.extract %slice3A_56[0] : f32 from vector<1xf32>
        %mul3A_58 = arith.constant 3.200000e+01 : f32
        %mul3A_59 = arith.mulf %squeeze3A_57, %mul3A_58 : f32
        %add3A_60 = arith.constant 3.150000e+01 : f32
        %add3A_61 = arith.addf %mul3A_59, %add3A_60 : f32
        %slice3A_62 = vector.extract_strided_slice %get3A_51 {offsets = [2], sizes = [1], strides = [1]} : vector<16xf32> to vector<1xf32>
        %squeeze3A_63 = vector.extract %slice3A_62[0] : f32 from vector<1xf32>
        %mul3A_64 = arith.constant 3.200000e+01 : f32
        %mul3A_65 = arith.mulf %squeeze3A_63, %mul3A_64 : f32
        %add3A_66 = arith.constant 3.150000e+01 : f32
        %add3A_67 = arith.addf %mul3A_65, %add3A_66 : f32
        %slice3A_68 = vector.extract_strided_slice %get3A_51 {offsets = [3], sizes = [1], strides = [1]} : vector<16xf32> to vector<1xf32>
        %squeeze3A_69 = vector.extract %slice3A_68[0] : f32 from vector<1xf32>
        %mul3A_70 = arith.constant 3.200000e+01 : f32
        %mul3A_71 = arith.mulf %squeeze3A_69, %mul3A_70 : f32
        %slice3A_72 = vector.extract_strided_slice %get3A_51 {offsets = [4], sizes = [1], strides = [1]} : vector<16xf32> to vector<1xf32>
        %squeeze3A_73 = vector.extract %slice3A_72[0] : f32 from vector<1xf32>
        %mul3A_74 = arith.constant 3.200000e+01 : f32
        %mul3A_75 = arith.mulf %squeeze3A_73, %mul3A_74 : f32
        %slice3A_76 = vector.extract_strided_slice %get3A_51 {offsets = [5], sizes = [1], strides = [1]} : vector<16xf32> to vector<1xf32>
        %squeeze3A_77 = vector.extract %slice3A_76[0] : f32 from vector<1xf32>
        %mul3A_78 = arith.constant 3.200000e+01 : f32
        %mul3A_79 = arith.mulf %squeeze3A_77, %mul3A_78 : f32
        %broadcast_in_dim3A_80 = vector.broadcast %add3A_55 : f32 to vector<16xf32>
        %broadcast_in_dim3A_81 = vector.broadcast %add3A_61 : f32 to vector<16xf32>
        %broadcast_in_dim3A_82 = vector.broadcast %add3A_67 : f32 to vector<16xf32>
        %broadcast_in_dim3A_83 = vector.broadcast %mul3A_71 : f32 to vector<16xf32>
        %broadcast_in_dim3A_84 = vector.broadcast %mul3A_75 : f32 to vector<16xf32>
        %broadcast_in_dim3A_85 = vector.broadcast %mul3A_79 : f32 to vector<16xf32>
        %scan3A_86 = arith.constant 0 : i32
        %scan3A_87 = arith.constant 0 : i32
        %scan3A_88 = arith.constant 4 : i32
        %scan3A_89 = arith.addi %scan3A_87, %scan3A_88 : i32
        %scan3A_90 = arith.constant 1 : i32
        scf.for %scan3A_153 = %scan3A_87 to %scan3A_89 step %scan3A_90  : i32 {
          %mul3A_154 = arith.constant 16 : i32
          %mul3A_155 = arith.muli %scan3A_153, %mul3A_154 : i32
          %get3A_156 = arith.index_cast %add3A_44 : i32 to index
          %get3A_157 = arith.index_cast %mul3A_155 : i32 to index
          %get3A_158 = tpu.vector_load %arg8[%get3A_156, %get3A_157] {strides = array<i32>} : memref<128x64xf32, #tpu.memory_space<vmem>>, vector<16xf32>,
          %mul3A_159 = arith.mulf %broadcast_in_dim3A_83, %get3A_158 : vector<16xf32>
          %add3A_160 = arith.addf %broadcast_in_dim3A_80, %mul3A_159 : vector<16xf32>
          %convert_element_type3A_161 = arith.fptosi %add3A_160 : vector<16xf32> to vector<16xi32>
          %convert_element_type3A_162 = arith.sitofp %convert_element_type3A_161 : vector<16xi32> to vector<16xf32>
          %gt3A_163 = arith.cmpf ogt, %convert_element_type3A_162, %add3A_160 : vector<16xf32>
          %jit3A = arith.constant 1 : i32
          %jit3A_164 = arith.constant 0 : i32
          %broadcast_in_dim3A_165 = vector.broadcast %jit3A : i32 to vector<16xi32>
          %broadcast_in_dim3A_166 = vector.broadcast %jit3A_164 : i32 to vector<16xi32>
          %select_n3A = arith.select %gt3A_163, %broadcast_in_dim3A_165, %broadcast_in_dim3A_166 : vector<16xi1>, vector<16xi32>
          %sub3A = arith.subi %convert_element_type3A_161, %select_n3A : vector<16xi32>
          %convert_element_type3A_167 = arith.sitofp %sub3A : vector<16xi32> to vector<16xf32>
          %sub3A_168 = arith.subf %add3A_160, %convert_element_type3A_167 : vector<16xf32>
          %ge3A = arith.constant 0 : i32
          %ge3A_169 = vector.broadcast %ge3A : i32 to vector<16xi32>
          %ge3A_170 = arith.cmpi sge, %sub3A, %ge3A_169 : vector<16xi32>
          %le3A = arith.constant 63 : i32
          %le3A_171 = vector.broadcast %le3A : i32 to vector<16xi32>
          %le3A_172 = arith.cmpi sle, %sub3A, %le3A_171 : vector<16xi32>
          %and3A_173 = arith.andi %ge3A_170, %le3A_172 : vector<16xi1>
          %ge3A_174 = arith.constant -1 : i32
          %ge3A_175 = vector.broadcast %ge3A_174 : i32 to vector<16xi32>
          %ge3A_176 = arith.cmpi sge, %sub3A, %ge3A_175 : vector<16xi32>
          %le3A_177 = arith.constant 62 : i32
          %le3A_178 = vector.broadcast %le3A_177 : i32 to vector<16xi32>
          %le3A_179 = arith.cmpi sle, %sub3A, %le3A_178 : vector<16xi32>
          %and3A_180 = arith.andi %ge3A_176, %le3A_179 : vector<16xi1>
          %sub3A_181 = arith.constant 1.000000e+00 : f32
          %sub3A_182 = vector.broadcast %sub3A_181 : f32 to vector<16xf32>
          %sub3A_183 = arith.subf %sub3A_182, %sub3A_168 : vector<16xf32>
          %jit3A_184 = arith.constant 0.000000e+00 : f32
          %broadcast_in_dim3A_185 = vector.broadcast %jit3A_184 : f32 to vector<16xf32>
          %select_n3A_186 = arith.select %and3A_173, %sub3A_183, %broadcast_in_dim3A_185 : vector<16xi1>, vector<16xf32>
          %jit3A_187 = arith.constant 0.000000e+00 : f32
          %broadcast_in_dim3A_188 = vector.broadcast %jit3A_187 : f32 to vector<16xf32>
          %select_n3A_189 = arith.select %and3A_180, %sub3A_168, %broadcast_in_dim3A_188 : vector<16xi1>, vector<16xf32>
          %max3A = arith.constant 0 : i32
          %max3A_190 = vector.broadcast %max3A : i32 to vector<16xi32>
          %max3A_191 = arith.maxsi %sub3A, %max3A_190 : vector<16xi32>
          %min3A = arith.constant 63 : i32
          %min3A_192 = vector.broadcast %min3A : i32 to vector<16xi32>
          %min3A_193 = arith.minsi %max3A_191, %min3A_192 : vector<16xi32>
          %mul3A_194 = arith.constant 1 : i32
          %mul3A_195 = vector.broadcast %mul3A_194 : i32 to vector<16xi32>
          %mul3A_196 = arith.muli %min3A_193, %mul3A_195 : vector<16xi32>
          %add3A_197 = arith.constant 1 : i32
          %add3A_198 = vector.broadcast %add3A_197 : i32 to vector<16xi32>
          %add3A_199 = arith.addi %sub3A, %add3A_198 : vector<16xi32>
          %max3A_200 = arith.constant 0 : i32
          %max3A_201 = vector.broadcast %max3A_200 : i32 to vector<16xi32>
          %max3A_202 = arith.maxsi %add3A_199, %max3A_201 : vector<16xi32>
          %min3A_203 = arith.constant 63 : i32
          %min3A_204 = vector.broadcast %min3A_203 : i32 to vector<16xi32>
          %min3A_205 = arith.minsi %max3A_202, %min3A_204 : vector<16xi32>
          %mul3A_206 = arith.constant 1 : i32
          %mul3A_207 = vector.broadcast %mul3A_206 : i32 to vector<16xi32>
          %mul3A_208 = arith.muli %min3A_205, %mul3A_207 : vector<16xi32>
          %mul3A_209 = arith.mulf %broadcast_in_dim3A_84, %get3A_158 : vector<16xf32>
          %add3A_210 = arith.addf %broadcast_in_dim3A_81, %mul3A_209 : vector<16xf32>
          %convert_element_type3A_211 = arith.fptosi %add3A_210 : vector<16xf32> to vector<16xi32>
          %convert_element_type3A_212 = arith.sitofp %convert_element_type3A_211 : vector<16xi32> to vector<16xf32>
          %gt3A_213 = arith.cmpf ogt, %convert_element_type3A_212, %add3A_210 : vector<16xf32>
          %jit3A_214 = arith.constant 1 : i32
          %jit3A_215 = arith.constant 0 : i32
          %broadcast_in_dim3A_216 = vector.broadcast %jit3A_214 : i32 to vector<16xi32>
          %broadcast_in_dim3A_217 = vector.broadcast %jit3A_215 : i32 to vector<16xi32>
          %select_n3A_218 = arith.select %gt3A_213, %broadcast_in_dim3A_216, %broadcast_in_dim3A_217 : vector<16xi1>, vector<16xi32>
          %sub3A_219 = arith.subi %convert_element_type3A_211, %select_n3A_218 : vector<16xi32>
          %convert_element_type3A_220 = arith.sitofp %sub3A_219 : vector<16xi32> to vector<16xf32>
          %sub3A_221 = arith.subf %add3A_210, %convert_element_type3A_220 : vector<16xf32>
          %ge3A_222 = arith.constant 0 : i32
          %ge3A_223 = vector.broadcast %ge3A_222 : i32 to vector<16xi32>
          %ge3A_224 = arith.cmpi sge, %sub3A_219, %ge3A_223 : vector<16xi32>
          %le3A_225 = arith.constant 63 : i32
          %le3A_226 = vector.broadcast %le3A_225 : i32 to vector<16xi32>
          %le3A_227 = arith.cmpi sle, %sub3A_219, %le3A_226 : vector<16xi32>
          %and3A_228 = arith.andi %ge3A_224, %le3A_227 : vector<16xi1>
          %ge3A_229 = arith.constant -1 : i32
          %ge3A_230 = vector.broadcast %ge3A_229 : i32 to vector<16xi32>
          %ge3A_231 = arith.cmpi sge, %sub3A_219, %ge3A_230 : vector<16xi32>
          %le3A_232 = arith.constant 62 : i32
          %le3A_233 = vector.broadcast %le3A_232 : i32 to vector<16xi32>
          %le3A_234 = arith.cmpi sle, %sub3A_219, %le3A_233 : vector<16xi32>
          %and3A_235 = arith.andi %ge3A_231, %le3A_234 : vector<16xi1>
          %sub3A_236 = arith.constant 1.000000e+00 : f32
          %sub3A_237 = vector.broadcast %sub3A_236 : f32 to vector<16xf32>
          %sub3A_238 = arith.subf %sub3A_237, %sub3A_221 : vector<16xf32>
          %jit3A_239 = arith.constant 0.000000e+00 : f32
          %broadcast_in_dim3A_240 = vector.broadcast %jit3A_239 : f32 to vector<16xf32>
          %select_n3A_241 = arith.select %and3A_228, %sub3A_238, %broadcast_in_dim3A_240 : vector<16xi1>, vector<16xf32>
          %jit3A_242 = arith.constant 0.000000e+00 : f32
          %broadcast_in_dim3A_243 = vector.broadcast %jit3A_242 : f32 to vector<16xf32>
          %select_n3A_244 = arith.select %and3A_235, %sub3A_221, %broadcast_in_dim3A_243 : vector<16xi1>, vector<16xf32>
          %max3A_245 = arith.constant 0 : i32
          %max3A_246 = vector.broadcast %max3A_245 : i32 to vector<16xi32>
          %max3A_247 = arith.maxsi %sub3A_219, %max3A_246 : vector<16xi32>
          %min3A_248 = arith.constant 63 : i32
          %min3A_249 = vector.broadcast %min3A_248 : i32 to vector<16xi32>
          %min3A_250 = arith.minsi %max3A_247, %min3A_249 : vector<16xi32>
          %mul3A_251 = arith.constant 64 : i32
          %mul3A_252 = vector.broadcast %mul3A_251 : i32 to vector<16xi32>
          %mul3A_253 = arith.muli %min3A_250, %mul3A_252 : vector<16xi32>
          %add3A_254 = arith.constant 1 : i32
          %add3A_255 = vector.broadcast %add3A_254 : i32 to vector<16xi32>
          %add3A_256 = arith.addi %sub3A_219, %add3A_255 : vector<16xi32>
          %max3A_257 = arith.constant 0 : i32
          %max3A_258 = vector.broadcast %max3A_257 : i32 to vector<16xi32>
          %max3A_259 = arith.maxsi %add3A_256, %max3A_258 : vector<16xi32>
          %min3A_260 = arith.constant 63 : i32
          %min3A_261 = vector.broadcast %min3A_260 : i32 to vector<16xi32>
          %min3A_262 = arith.minsi %max3A_259, %min3A_261 : vector<16xi32>
          %mul3A_263 = arith.constant 64 : i32
          %mul3A_264 = vector.broadcast %mul3A_263 : i32 to vector<16xi32>
          %mul3A_265 = arith.muli %min3A_262, %mul3A_264 : vector<16xi32>
          %mul3A_266 = arith.mulf %broadcast_in_dim3A_85, %get3A_158 : vector<16xf32>
          %add3A_267 = arith.addf %broadcast_in_dim3A_82, %mul3A_266 : vector<16xf32>
          %convert_element_type3A_268 = arith.fptosi %add3A_267 : vector<16xf32> to vector<16xi32>
          %convert_element_type3A_269 = arith.sitofp %convert_element_type3A_268 : vector<16xi32> to vector<16xf32>
          %gt3A_270 = arith.cmpf ogt, %convert_element_type3A_269, %add3A_267 : vector<16xf32>
          %jit3A_271 = arith.constant 1 : i32
          %jit3A_272 = arith.constant 0 : i32
          %broadcast_in_dim3A_273 = vector.broadcast %jit3A_271 : i32 to vector<16xi32>
          %broadcast_in_dim3A_274 = vector.broadcast %jit3A_272 : i32 to vector<16xi32>
          %select_n3A_275 = arith.select %gt3A_270, %broadcast_in_dim3A_273, %broadcast_in_dim3A_274 : vector<16xi1>, vector<16xi32>
          %sub3A_276 = arith.subi %convert_element_type3A_268, %select_n3A_275 : vector<16xi32>
          %convert_element_type3A_277 = arith.sitofp %sub3A_276 : vector<16xi32> to vector<16xf32>
          %sub3A_278 = arith.subf %add3A_267, %convert_element_type3A_277 : vector<16xf32>
          %ge3A_279 = arith.constant 0 : i32
          %ge3A_280 = vector.broadcast %ge3A_279 : i32 to vector<16xi32>
          %ge3A_281 = arith.cmpi sge, %sub3A_276, %ge3A_280 : vector<16xi32>
          %le3A_282 = arith.constant 63 : i32
          %le3A_283 = vector.broadcast %le3A_282 : i32 to vector<16xi32>
          %le3A_284 = arith.cmpi sle, %sub3A_276, %le3A_283 : vector<16xi32>
          %and3A_285 = arith.andi %ge3A_281, %le3A_284 : vector<16xi1>
          %ge3A_286 = arith.constant -1 : i32
          %ge3A_287 = vector.broadcast %ge3A_286 : i32 to vector<16xi32>
          %ge3A_288 = arith.cmpi sge, %sub3A_276, %ge3A_287 : vector<16xi32>
          %le3A_289 = arith.constant 62 : i32
          %le3A_290 = vector.broadcast %le3A_289 : i32 to vector<16xi32>
          %le3A_291 = arith.cmpi sle, %sub3A_276, %le3A_290 : vector<16xi32>
          %and3A_292 = arith.andi %ge3A_288, %le3A_291 : vector<16xi1>
          %sub3A_293 = arith.constant 1.000000e+00 : f32
          %sub3A_294 = vector.broadcast %sub3A_293 : f32 to vector<16xf32>
          %sub3A_295 = arith.subf %sub3A_294, %sub3A_278 : vector<16xf32>
          %jit3A_296 = arith.constant 0.000000e+00 : f32
          %broadcast_in_dim3A_297 = vector.broadcast %jit3A_296 : f32 to vector<16xf32>
          %select_n3A_298 = arith.select %and3A_285, %sub3A_295, %broadcast_in_dim3A_297 : vector<16xi1>, vector<16xf32>
          %jit3A_299 = arith.constant 0.000000e+00 : f32
          %broadcast_in_dim3A_300 = vector.broadcast %jit3A_299 : f32 to vector<16xf32>
          %select_n3A_301 = arith.select %and3A_292, %sub3A_278, %broadcast_in_dim3A_300 : vector<16xi1>, vector<16xf32>
          %max3A_302 = arith.constant 0 : i32
          %max3A_303 = vector.broadcast %max3A_302 : i32 to vector<16xi32>
          %max3A_304 = arith.maxsi %sub3A_276, %max3A_303 : vector<16xi32>
          %min3A_305 = arith.constant 63 : i32
          %min3A_306 = vector.broadcast %min3A_305 : i32 to vector<16xi32>
          %min3A_307 = arith.minsi %max3A_304, %min3A_306 : vector<16xi32>
          %mul3A_308 = arith.constant 4096 : i32
          %mul3A_309 = vector.broadcast %mul3A_308 : i32 to vector<16xi32>
          %mul3A_310 = arith.muli %min3A_307, %mul3A_309 : vector<16xi32>
          %add3A_311 = arith.constant 1 : i32
          %add3A_312 = vector.broadcast %add3A_311 : i32 to vector<16xi32>
          %add3A_313 = arith.addi %sub3A_276, %add3A_312 : vector<16xi32>
          %max3A_314 = arith.constant 0 : i32
          %max3A_315 = vector.broadcast %max3A_314 : i32 to vector<16xi32>
          %max3A_316 = arith.maxsi %add3A_313, %max3A_315 : vector<16xi32>
          %min3A_317 = arith.constant 63 : i32
          %min3A_318 = vector.broadcast %min3A_317 : i32 to vector<16xi32>
          %min3A_319 = arith.minsi %max3A_316, %min3A_318 : vector<16xi32>
          %mul3A_320 = arith.constant 4096 : i32
          %mul3A_321 = vector.broadcast %mul3A_320 : i32 to vector<16xi32>
          %mul3A_322 = arith.muli %min3A_319, %mul3A_321 : vector<16xi32>
          %swap3A = arith.constant 0 : index
          %swap3A_323 = tpu.vector_load %arg16[%swap3A] {strides = array<i32>} : memref<16xf32, #tpu.memory_space<vmem>>, vector<16xf32>,
          tpu.vector_store %arg16[%swap3A], %select_n3A_186 {strides = array<i32>} : memref<16xf32, #tpu.memory_space<vmem>>, vector<16xf32>,
          %swap3A_324 = arith.constant 0 : index
          %swap3A_325 = tpu.vector_load %arg17[%swap3A_324] {strides = array<i32>} : memref<16xf32, #tpu.memory_space<vmem>>, vector<16xf32>,
          tpu.vector_store %arg17[%swap3A_324], %select_n3A_189 {strides = array<i32>} : memref<16xf32, #tpu.memory_space<vmem>>, vector<16xf32>,
          %swap3A_326 = arith.constant 0 : index
          %swap3A_327 = tpu.vector_load %arg18[%swap3A_326] {strides = array<i32>} : memref<16xf32, #tpu.memory_space<vmem>>, vector<16xf32>,
          tpu.vector_store %arg18[%swap3A_326], %select_n3A_241 {strides = array<i32>} : memref<16xf32, #tpu.memory_space<vmem>>, vector<16xf32>,
          %swap3A_328 = arith.constant 0 : index
          %swap3A_329 = tpu.vector_load %arg19[%swap3A_328] {strides = array<i32>} : memref<16xf32, #tpu.memory_space<vmem>>, vector<16xf32>,
          tpu.vector_store %arg19[%swap3A_328], %select_n3A_244 {strides = array<i32>} : memref<16xf32, #tpu.memory_space<vmem>>, vector<16xf32>,
          %swap3A_330 = arith.constant 0 : index
          %swap3A_331 = tpu.vector_load %arg20[%swap3A_330] {strides = array<i32>} : memref<16xf32, #tpu.memory_space<vmem>>, vector<16xf32>,
          tpu.vector_store %arg20[%swap3A_330], %select_n3A_298 {strides = array<i32>} : memref<16xf32, #tpu.memory_space<vmem>>, vector<16xf32>,
          %swap3A_332 = arith.constant 0 : index
          %swap3A_333 = tpu.vector_load %arg21[%swap3A_332] {strides = array<i32>} : memref<16xf32, #tpu.memory_space<vmem>>, vector<16xf32>,
          tpu.vector_store %arg21[%swap3A_332], %select_n3A_301 {strides = array<i32>} : memref<16xf32, #tpu.memory_space<vmem>>, vector<16xf32>,
          %add3A_334 = arith.addi %mul3A_310, %mul3A_253 : vector<16xi32>
          %add3A_335 = arith.addi %mul3A_310, %mul3A_265 : vector<16xi32>
          %add3A_336 = arith.addi %mul3A_322, %mul3A_253 : vector<16xi32>
          %add3A_337 = arith.addi %mul3A_322, %mul3A_265 : vector<16xi32>
          %add3A_338 = arith.addi %add3A_334, %mul3A_196 : vector<16xi32>
          %swap3A_339 = arith.constant 0 : index
          %swap3A_340 = tpu.vector_load %arg10[%swap3A_339] {strides = array<i32>} : memref<128xi32, #tpu.memory_space<vmem>>, vector<16xi32>,
          tpu.vector_store %arg10[%swap3A_339], %add3A_338 {strides = array<i32>} : memref<128xi32, #tpu.memory_space<vmem>>, vector<16xi32>,
          %add3A_341 = arith.addi %add3A_334, %mul3A_208 : vector<16xi32>
          %swap3A_342 = arith.constant 16 : index
          %swap3A_343 = tpu.vector_load %arg10[%swap3A_342] {strides = array<i32>} : memref<128xi32, #tpu.memory_space<vmem>>, vector<16xi32>,
          tpu.vector_store %arg10[%swap3A_342], %add3A_341 {strides = array<i32>} : memref<128xi32, #tpu.memory_space<vmem>>, vector<16xi32>,
          %add3A_344 = arith.addi %add3A_335, %mul3A_196 : vector<16xi32>
          %swap3A_345 = arith.constant 32 : index
          %swap3A_346 = tpu.vector_load %arg10[%swap3A_345] {strides = array<i32>} : memref<128xi32, #tpu.memory_space<vmem>>, vector<16xi32>,
          tpu.vector_store %arg10[%swap3A_345], %add3A_344 {strides = array<i32>} : memref<128xi32, #tpu.memory_space<vmem>>, vector<16xi32>,
          %add3A_347 = arith.addi %add3A_335, %mul3A_208 : vector<16xi32>
          %swap3A_348 = arith.constant 48 : index
          %swap3A_349 = tpu.vector_load %arg10[%swap3A_348] {strides = array<i32>} : memref<128xi32, #tpu.memory_space<vmem>>, vector<16xi32>,
          tpu.vector_store %arg10[%swap3A_348], %add3A_347 {strides = array<i32>} : memref<128xi32, #tpu.memory_space<vmem>>, vector<16xi32>,
          %add3A_350 = arith.addi %add3A_336, %mul3A_196 : vector<16xi32>
          %swap3A_351 = arith.constant 64 : index
          %swap3A_352 = tpu.vector_load %arg10[%swap3A_351] {strides = array<i32>} : memref<128xi32, #tpu.memory_space<vmem>>, vector<16xi32>,
          tpu.vector_store %arg10[%swap3A_351], %add3A_350 {strides = array<i32>} : memref<128xi32, #tpu.memory_space<vmem>>, vector<16xi32>,
          %add3A_353 = arith.addi %add3A_336, %mul3A_208 : vector<16xi32>
          %swap3A_354 = arith.constant 80 : index
          %swap3A_355 = tpu.vector_load %arg10[%swap3A_354] {strides = array<i32>} : memref<128xi32, #tpu.memory_space<vmem>>, vector<16xi32>,
          tpu.vector_store %arg10[%swap3A_354], %add3A_353 {strides = array<i32>} : memref<128xi32, #tpu.memory_space<vmem>>, vector<16xi32>,
          %add3A_356 = arith.addi %add3A_337, %mul3A_196 : vector<16xi32>
          %swap3A_357 = arith.constant 96 : index
          %swap3A_358 = tpu.vector_load %arg10[%swap3A_357] {strides = array<i32>} : memref<128xi32, #tpu.memory_space<vmem>>, vector<16xi32>,
          tpu.vector_store %arg10[%swap3A_357], %add3A_356 {strides = array<i32>} : memref<128xi32, #tpu.memory_space<vmem>>, vector<16xi32>,
          %add3A_359 = arith.addi %add3A_337, %mul3A_208 : vector<16xi32>
          %swap3A_360 = arith.constant 112 : index
          %swap3A_361 = tpu.vector_load %arg10[%swap3A_360] {strides = array<i32>} : memref<128xi32, #tpu.memory_space<vmem>>, vector<16xi32>,
          tpu.vector_store %arg10[%swap3A_360], %add3A_359 {strides = array<i32>} : memref<128xi32, #tpu.memory_space<vmem>>, vector<16xi32>,
          %add3A_362 = arith.constant 0 : i32
          %add3A_363 = vector.broadcast %add3A_362 : i32 to vector<16xi32>
          %add3A_364 = arith.addi %shift_right_arithmetic3A_1, %add3A_363 : vector<16xi32>
          %gather3A = tpu.vector_load_idx %arg16[%add3A_364] : memref<16xf32, #tpu.memory_space<vmem>>[vector<16xi32>], vector<16xf32>,
          %gather3A_365 = tpu.vector_load_idx %arg17[%add3A_364] : memref<16xf32, #tpu.memory_space<vmem>>[vector<16xi32>], vector<16xf32>,
          %gather3A_366 = tpu.vector_load_idx %arg18[%add3A_364] : memref<16xf32, #tpu.memory_space<vmem>>[vector<16xi32>], vector<16xf32>,
          %gather3A_367 = tpu.vector_load_idx %arg19[%add3A_364] : memref<16xf32, #tpu.memory_space<vmem>>[vector<16xi32>], vector<16xf32>,
          %gather3A_368 = tpu.vector_load_idx %arg20[%add3A_364] : memref<16xf32, #tpu.memory_space<vmem>>[vector<16xi32>], vector<16xf32>,
          %gather3A_369 = tpu.vector_load_idx %arg21[%add3A_364] : memref<16xf32, #tpu.memory_space<vmem>>[vector<16xi32>], vector<16xf32>,
          %mul3A_370 = arith.constant 64 : i32
          %mul3A_371 = arith.muli %scan3A_153, %mul3A_370 : i32
          %add3A_372 = arith.constant 0 : i32
          %add3A_373 = arith.addi %mul3A_371, %add3A_372 : i32
          %get3A_374 = arith.index_cast %add3A_44 : i32 to index
          %get3A_375 = arith.index_cast %add3A_373 : i32 to index
          %get3A_376 = tpu.vector_load %arg9[%get3A_374, %get3A_375] {strides = array<i32>} : memref<128x256xf32, #tpu.memory_space<vmem>>, vector<16xf32>,
          %mul3A_377 = arith.mulf %gather3A_368, %gather3A_366 : vector<16xf32>
          %mul3A_378 = arith.mulf %gather3A_368, %gather3A_367 : vector<16xf32>
          %mul3A_379 = arith.mulf %gather3A_369, %gather3A_366 : vector<16xf32>
          %mul3A_380 = arith.mulf %gather3A_369, %gather3A_367 : vector<16xf32>
          %mul3A_381 = arith.constant 512 : i32
          %mul3A_382 = arith.muli %scan3A_153, %mul3A_381 : i32
          %add3A_383 = arith.constant 0 : i32
          %add3A_384 = arith.addi %mul3A_382, %add3A_383 : i32
          %add3A_385 = arith.constant 0 : i32
          %add3A_386 = arith.addi %add3A_384, %add3A_385 : i32
          %add3A_387 = arith.constant 0 : i32
          %add3A_388 = vector.broadcast %add3A_387 : i32 to vector<16xi32>
          %add3A_389 = arith.addi %add3A_364, %add3A_388 : vector<16xi32>
          %gather3A_390 = tpu.vector_load_idx %arg10[%add3A_389] : memref<128xi32, #tpu.memory_space<vmem>>[vector<16xi32>], vector<16xi32>,
          %shift_left3A = arith.constant 2 : i32
          %shift_left3A_391 = vector.broadcast %shift_left3A : i32 to vector<16xi32>
          %shift_left3A_392 = arith.shli %gather3A_390, %shift_left3A_391 : vector<16xi32>
          %or3A_393 = arith.ori %shift_left3A_392, %and3A_3 : vector<16xi32>
          %swap3A_394 = arith.index_cast %add3A_386 : i32 to index
          %swap3A_395 = tpu.vector_load %arg11[%swap3A_394] {strides = array<i32>} : memref<2048xi32, #tpu.memory_space<vmem>>, vector<16xi32>,
          tpu.vector_store %arg11[%swap3A_394], %or3A_393 {strides = array<i32>} : memref<2048xi32, #tpu.memory_space<vmem>>, vector<16xi32>,
          %mul3A_396 = arith.mulf %mul3A_377, %gather3A : vector<16xf32>
          %mul3A_397 = arith.mulf %get3A_376, %mul3A_396 : vector<16xf32>
          %swap3A_398 = arith.index_cast %add3A_386 : i32 to index
          %swap3A_399 = tpu.vector_load %arg12[%swap3A_398] {strides = array<i32>} : memref<2048xf32, #tpu.memory_space<vmem>>, vector<16xf32>,
          tpu.vector_store %arg12[%swap3A_398], %mul3A_397 {strides = array<i32>} : memref<2048xf32, #tpu.memory_space<vmem>>, vector<16xf32>,
          %mul3A_400 = arith.constant 512 : i32
          %mul3A_401 = arith.muli %scan3A_153, %mul3A_400 : i32
          %add3A_402 = arith.constant 64 : i32
          %add3A_403 = arith.addi %mul3A_401, %add3A_402 : i32
          %add3A_404 = arith.constant 0 : i32
          %add3A_405 = arith.addi %add3A_403, %add3A_404 : i32
          %add3A_406 = arith.constant 16 : i32
          %add3A_407 = vector.broadcast %add3A_406 : i32 to vector<16xi32>
          %add3A_408 = arith.addi %add3A_364, %add3A_407 : vector<16xi32>
          %gather3A_409 = tpu.vector_load_idx %arg10[%add3A_408] : memref<128xi32, #tpu.memory_space<vmem>>[vector<16xi32>], vector<16xi32>,
          %shift_left3A_410 = arith.constant 2 : i32
          %shift_left3A_411 = vector.broadcast %shift_left3A_410 : i32 to vector<16xi32>
          %shift_left3A_412 = arith.shli %gather3A_409, %shift_left3A_411 : vector<16xi32>
          %or3A_413 = arith.ori %shift_left3A_412, %and3A_3 : vector<16xi32>
          %swap3A_414 = arith.index_cast %add3A_405 : i32 to index
          %swap3A_415 = tpu.vector_load %arg11[%swap3A_414] {strides = array<i32>} : memref<2048xi32, #tpu.memory_space<vmem>>, vector<16xi32>,
          tpu.vector_store %arg11[%swap3A_414], %or3A_413 {strides = array<i32>} : memref<2048xi32, #tpu.memory_space<vmem>>, vector<16xi32>,
          %mul3A_416 = arith.mulf %mul3A_377, %gather3A_365 : vector<16xf32>
          %mul3A_417 = arith.mulf %get3A_376, %mul3A_416 : vector<16xf32>
          %swap3A_418 = arith.index_cast %add3A_405 : i32 to index
          %swap3A_419 = tpu.vector_load %arg12[%swap3A_418] {strides = array<i32>} : memref<2048xf32, #tpu.memory_space<vmem>>, vector<16xf32>,
          tpu.vector_store %arg12[%swap3A_418], %mul3A_417 {strides = array<i32>} : memref<2048xf32, #tpu.memory_space<vmem>>, vector<16xf32>,
          %mul3A_420 = arith.constant 512 : i32
          %mul3A_421 = arith.muli %scan3A_153, %mul3A_420 : i32
          %add3A_422 = arith.constant 128 : i32
          %add3A_423 = arith.addi %mul3A_421, %add3A_422 : i32
          %add3A_424 = arith.constant 0 : i32
          %add3A_425 = arith.addi %add3A_423, %add3A_424 : i32
          %add3A_426 = arith.constant 32 : i32
          %add3A_427 = vector.broadcast %add3A_426 : i32 to vector<16xi32>
          %add3A_428 = arith.addi %add3A_364, %add3A_427 : vector<16xi32>
          %gather3A_429 = tpu.vector_load_idx %arg10[%add3A_428] : memref<128xi32, #tpu.memory_space<vmem>>[vector<16xi32>], vector<16xi32>,
          %shift_left3A_430 = arith.constant 2 : i32
          %shift_left3A_431 = vector.broadcast %shift_left3A_430 : i32 to vector<16xi32>
          %shift_left3A_432 = arith.shli %gather3A_429, %shift_left3A_431 : vector<16xi32>
          %or3A_433 = arith.ori %shift_left3A_432, %and3A_3 : vector<16xi32>
          %swap3A_434 = arith.index_cast %add3A_425 : i32 to index
          %swap3A_435 = tpu.vector_load %arg11[%swap3A_434] {strides = array<i32>} : memref<2048xi32, #tpu.memory_space<vmem>>, vector<16xi32>,
          tpu.vector_store %arg11[%swap3A_434], %or3A_433 {strides = array<i32>} : memref<2048xi32, #tpu.memory_space<vmem>>, vector<16xi32>,
          %mul3A_436 = arith.mulf %mul3A_378, %gather3A : vector<16xf32>
          %mul3A_437 = arith.mulf %get3A_376, %mul3A_436 : vector<16xf32>
          %swap3A_438 = arith.index_cast %add3A_425 : i32 to index
          %swap3A_439 = tpu.vector_load %arg12[%swap3A_438] {strides = array<i32>} : memref<2048xf32, #tpu.memory_space<vmem>>, vector<16xf32>,
          tpu.vector_store %arg12[%swap3A_438], %mul3A_437 {strides = array<i32>} : memref<2048xf32, #tpu.memory_space<vmem>>, vector<16xf32>,
          %mul3A_440 = arith.constant 512 : i32
          %mul3A_441 = arith.muli %scan3A_153, %mul3A_440 : i32
          %add3A_442 = arith.constant 192 : i32
          %add3A_443 = arith.addi %mul3A_441, %add3A_442 : i32
          %add3A_444 = arith.constant 0 : i32
          %add3A_445 = arith.addi %add3A_443, %add3A_444 : i32
          %add3A_446 = arith.constant 48 : i32
          %add3A_447 = vector.broadcast %add3A_446 : i32 to vector<16xi32>
          %add3A_448 = arith.addi %add3A_364, %add3A_447 : vector<16xi32>
          %gather3A_449 = tpu.vector_load_idx %arg10[%add3A_448] : memref<128xi32, #tpu.memory_space<vmem>>[vector<16xi32>], vector<16xi32>,
          %shift_left3A_450 = arith.constant 2 : i32
          %shift_left3A_451 = vector.broadcast %shift_left3A_450 : i32 to vector<16xi32>
          %shift_left3A_452 = arith.shli %gather3A_449, %shift_left3A_451 : vector<16xi32>
          %or3A_453 = arith.ori %shift_left3A_452, %and3A_3 : vector<16xi32>
          %swap3A_454 = arith.index_cast %add3A_445 : i32 to index
          %swap3A_455 = tpu.vector_load %arg11[%swap3A_454] {strides = array<i32>} : memref<2048xi32, #tpu.memory_space<vmem>>, vector<16xi32>,
          tpu.vector_store %arg11[%swap3A_454], %or3A_453 {strides = array<i32>} : memref<2048xi32, #tpu.memory_space<vmem>>, vector<16xi32>,
          %mul3A_456 = arith.mulf %mul3A_378, %gather3A_365 : vector<16xf32>
          %mul3A_457 = arith.mulf %get3A_376, %mul3A_456 : vector<16xf32>
          %swap3A_458 = arith.index_cast %add3A_445 : i32 to index
          %swap3A_459 = tpu.vector_load %arg12[%swap3A_458] {strides = array<i32>} : memref<2048xf32, #tpu.memory_space<vmem>>, vector<16xf32>,
          tpu.vector_store %arg12[%swap3A_458], %mul3A_457 {strides = array<i32>} : memref<2048xf32, #tpu.memory_space<vmem>>, vector<16xf32>,
          %mul3A_460 = arith.constant 512 : i32
          %mul3A_461 = arith.muli %scan3A_153, %mul3A_460 : i32
          %add3A_462 = arith.constant 256 : i32
          %add3A_463 = arith.addi %mul3A_461, %add3A_462 : i32
          %add3A_464 = arith.constant 0 : i32
          %add3A_465 = arith.addi %add3A_463, %add3A_464 : i32
          %add3A_466 = arith.constant 64 : i32
          %add3A_467 = vector.broadcast %add3A_466 : i32 to vector<16xi32>
          %add3A_468 = arith.addi %add3A_364, %add3A_467 : vector<16xi32>
          %gather3A_469 = tpu.vector_load_idx %arg10[%add3A_468] : memref<128xi32, #tpu.memory_space<vmem>>[vector<16xi32>], vector<16xi32>,
          %shift_left3A_470 = arith.constant 2 : i32
          %shift_left3A_471 = vector.broadcast %shift_left3A_470 : i32 to vector<16xi32>
          %shift_left3A_472 = arith.shli %gather3A_469, %shift_left3A_471 : vector<16xi32>
          %or3A_473 = arith.ori %shift_left3A_472, %and3A_3 : vector<16xi32>
          %swap3A_474 = arith.index_cast %add3A_465 : i32 to index
          %swap3A_475 = tpu.vector_load %arg11[%swap3A_474] {strides = array<i32>} : memref<2048xi32, #tpu.memory_space<vmem>>, vector<16xi32>,
          tpu.vector_store %arg11[%swap3A_474], %or3A_473 {strides = array<i32>} : memref<2048xi32, #tpu.memory_space<vmem>>, vector<16xi32>,
          %mul3A_476 = arith.mulf %mul3A_379, %gather3A : vector<16xf32>
          %mul3A_477 = arith.mulf %get3A_376, %mul3A_476 : vector<16xf32>
          %swap3A_478 = arith.index_cast %add3A_465 : i32 to index
          %swap3A_479 = tpu.vector_load %arg12[%swap3A_478] {strides = array<i32>} : memref<2048xf32, #tpu.memory_space<vmem>>, vector<16xf32>,
          tpu.vector_store %arg12[%swap3A_478], %mul3A_477 {strides = array<i32>} : memref<2048xf32, #tpu.memory_space<vmem>>, vector<16xf32>,
          %mul3A_480 = arith.constant 512 : i32
          %mul3A_481 = arith.muli %scan3A_153, %mul3A_480 : i32
          %add3A_482 = arith.constant 320 : i32
          %add3A_483 = arith.addi %mul3A_481, %add3A_482 : i32
          %add3A_484 = arith.constant 0 : i32
          %add3A_485 = arith.addi %add3A_483, %add3A_484 : i32
          %add3A_486 = arith.constant 80 : i32
          %add3A_487 = vector.broadcast %add3A_486 : i32 to vector<16xi32>
          %add3A_488 = arith.addi %add3A_364, %add3A_487 : vector<16xi32>
          %gather3A_489 = tpu.vector_load_idx %arg10[%add3A_488] : memref<128xi32, #tpu.memory_space<vmem>>[vector<16xi32>], vector<16xi32>,
          %shift_left3A_490 = arith.constant 2 : i32
          %shift_left3A_491 = vector.broadcast %shift_left3A_490 : i32 to vector<16xi32>
          %shift_left3A_492 = arith.shli %gather3A_489, %shift_left3A_491 : vector<16xi32>
          %or3A_493 = arith.ori %shift_left3A_492, %and3A_3 : vector<16xi32>
          %swap3A_494 = arith.index_cast %add3A_485 : i32 to index
          %swap3A_495 = tpu.vector_load %arg11[%swap3A_494] {strides = array<i32>} : memref<2048xi32, #tpu.memory_space<vmem>>, vector<16xi32>,
          tpu.vector_store %arg11[%swap3A_494], %or3A_493 {strides = array<i32>} : memref<2048xi32, #tpu.memory_space<vmem>>, vector<16xi32>,
          %mul3A_496 = arith.mulf %mul3A_379, %gather3A_365 : vector<16xf32>
          %mul3A_497 = arith.mulf %get3A_376, %mul3A_496 : vector<16xf32>
          %swap3A_498 = arith.index_cast %add3A_485 : i32 to index
          %swap3A_499 = tpu.vector_load %arg12[%swap3A_498] {strides = array<i32>} : memref<2048xf32, #tpu.memory_space<vmem>>, vector<16xf32>,
          tpu.vector_store %arg12[%swap3A_498], %mul3A_497 {strides = array<i32>} : memref<2048xf32, #tpu.memory_space<vmem>>, vector<16xf32>,
          %mul3A_500 = arith.constant 512 : i32
          %mul3A_501 = arith.muli %scan3A_153, %mul3A_500 : i32
          %add3A_502 = arith.constant 384 : i32
          %add3A_503 = arith.addi %mul3A_501, %add3A_502 : i32
          %add3A_504 = arith.constant 0 : i32
          %add3A_505 = arith.addi %add3A_503, %add3A_504 : i32
          %add3A_506 = arith.constant 96 : i32
          %add3A_507 = vector.broadcast %add3A_506 : i32 to vector<16xi32>
          %add3A_508 = arith.addi %add3A_364, %add3A_507 : vector<16xi32>
          %gather3A_509 = tpu.vector_load_idx %arg10[%add3A_508] : memref<128xi32, #tpu.memory_space<vmem>>[vector<16xi32>], vector<16xi32>,
          %shift_left3A_510 = arith.constant 2 : i32
          %shift_left3A_511 = vector.broadcast %shift_left3A_510 : i32 to vector<16xi32>
          %shift_left3A_512 = arith.shli %gather3A_509, %shift_left3A_511 : vector<16xi32>
          %or3A_513 = arith.ori %shift_left3A_512, %and3A_3 : vector<16xi32>
          %swap3A_514 = arith.index_cast %add3A_505 : i32 to index
          %swap3A_515 = tpu.vector_load %arg11[%swap3A_514] {strides = array<i32>} : memref<2048xi32, #tpu.memory_space<vmem>>, vector<16xi32>,
          tpu.vector_store %arg11[%swap3A_514], %or3A_513 {strides = array<i32>} : memref<2048xi32, #tpu.memory_space<vmem>>, vector<16xi32>,
          %mul3A_516 = arith.mulf %mul3A_380, %gather3A : vector<16xf32>
          %mul3A_517 = arith.mulf %get3A_376, %mul3A_516 : vector<16xf32>
          %swap3A_518 = arith.index_cast %add3A_505 : i32 to index
          %swap3A_519 = tpu.vector_load %arg12[%swap3A_518] {strides = array<i32>} : memref<2048xf32, #tpu.memory_space<vmem>>, vector<16xf32>,
          tpu.vector_store %arg12[%swap3A_518], %mul3A_517 {strides = array<i32>} : memref<2048xf32, #tpu.memory_space<vmem>>, vector<16xf32>,
          %mul3A_520 = arith.constant 512 : i32
          %mul3A_521 = arith.muli %scan3A_153, %mul3A_520 : i32
          %add3A_522 = arith.constant 448 : i32
          %add3A_523 = arith.addi %mul3A_521, %add3A_522 : i32
          %add3A_524 = arith.constant 0 : i32
          %add3A_525 = arith.addi %add3A_523, %add3A_524 : i32
          %add3A_526 = arith.constant 112 : i32
          %add3A_527 = vector.broadcast %add3A_526 : i32 to vector<16xi32>
          %add3A_528 = arith.addi %add3A_364, %add3A_527 : vector<16xi32>
          %gather3A_529 = tpu.vector_load_idx %arg10[%add3A_528] : memref<128xi32, #tpu.memory_space<vmem>>[vector<16xi32>], vector<16xi32>,
          %shift_left3A_530 = arith.constant 2 : i32
          %shift_left3A_531 = vector.broadcast %shift_left3A_530 : i32 to vector<16xi32>
          %shift_left3A_532 = arith.shli %gather3A_529, %shift_left3A_531 : vector<16xi32>
          %or3A_533 = arith.ori %shift_left3A_532, %and3A_3 : vector<16xi32>
          %swap3A_534 = arith.index_cast %add3A_525 : i32 to index
          %swap3A_535 = tpu.vector_load %arg11[%swap3A_534] {strides = array<i32>} : memref<2048xi32, #tpu.memory_space<vmem>>, vector<16xi32>,
          tpu.vector_store %arg11[%swap3A_534], %or3A_533 {strides = array<i32>} : memref<2048xi32, #tpu.memory_space<vmem>>, vector<16xi32>,
          %mul3A_536 = arith.mulf %mul3A_380, %gather3A_365 : vector<16xf32>
          %mul3A_537 = arith.mulf %get3A_376, %mul3A_536 : vector<16xf32>
          %swap3A_538 = arith.index_cast %add3A_525 : i32 to index
          %swap3A_539 = tpu.vector_load %arg12[%swap3A_538] {strides = array<i32>} : memref<2048xf32, #tpu.memory_space<vmem>>, vector<16xf32>,
          tpu.vector_store %arg12[%swap3A_538], %mul3A_537 {strides = array<i32>} : memref<2048xf32, #tpu.memory_space<vmem>>, vector<16xf32>,
          %add3A_540 = arith.constant 4 : i32
          %add3A_541 = vector.broadcast %add3A_540 : i32 to vector<16xi32>
          %add3A_542 = arith.addi %shift_right_arithmetic3A_1, %add3A_541 : vector<16xi32>
          %gather3A_543 = tpu.vector_load_idx %arg16[%add3A_542] : memref<16xf32, #tpu.memory_space<vmem>>[vector<16xi32>], vector<16xf32>,
          %gather3A_544 = tpu.vector_load_idx %arg17[%add3A_542] : memref<16xf32, #tpu.memory_space<vmem>>[vector<16xi32>], vector<16xf32>,
          %gather3A_545 = tpu.vector_load_idx %arg18[%add3A_542] : memref<16xf32, #tpu.memory_space<vmem>>[vector<16xi32>], vector<16xf32>,
          %gather3A_546 = tpu.vector_load_idx %arg19[%add3A_542] : memref<16xf32, #tpu.memory_space<vmem>>[vector<16xi32>], vector<16xf32>,
          %gather3A_547 = tpu.vector_load_idx %arg20[%add3A_542] : memref<16xf32, #tpu.memory_space<vmem>>[vector<16xi32>], vector<16xf32>,
          %gather3A_548 = tpu.vector_load_idx %arg21[%add3A_542] : memref<16xf32, #tpu.memory_space<vmem>>[vector<16xi32>], vector<16xf32>,
          %mul3A_549 = arith.constant 64 : i32
          %mul3A_550 = arith.muli %scan3A_153, %mul3A_549 : i32
          %add3A_551 = arith.constant 16 : i32
          %add3A_552 = arith.addi %mul3A_550, %add3A_551 : i32
          %get3A_553 = arith.index_cast %add3A_44 : i32 to index
          %get3A_554 = arith.index_cast %add3A_552 : i32 to index
          %get3A_555 = tpu.vector_load %arg9[%get3A_553, %get3A_554] {strides = array<i32>} : memref<128x256xf32, #tpu.memory_space<vmem>>, vector<16xf32>,
          %mul3A_556 = arith.mulf %gather3A_547, %gather3A_545 : vector<16xf32>
          %mul3A_557 = arith.mulf %gather3A_547, %gather3A_546 : vector<16xf32>
          %mul3A_558 = arith.mulf %gather3A_548, %gather3A_545 : vector<16xf32>
          %mul3A_559 = arith.mulf %gather3A_548, %gather3A_546 : vector<16xf32>
          %mul3A_560 = arith.constant 512 : i32
          %mul3A_561 = arith.muli %scan3A_153, %mul3A_560 : i32
          %add3A_562 = arith.constant 0 : i32
          %add3A_563 = arith.addi %mul3A_561, %add3A_562 : i32
          %add3A_564 = arith.constant 16 : i32
          %add3A_565 = arith.addi %add3A_563, %add3A_564 : i32
          %add3A_566 = arith.constant 0 : i32
          %add3A_567 = vector.broadcast %add3A_566 : i32 to vector<16xi32>
          %add3A_568 = arith.addi %add3A_542, %add3A_567 : vector<16xi32>
          %gather3A_569 = tpu.vector_load_idx %arg10[%add3A_568] : memref<128xi32, #tpu.memory_space<vmem>>[vector<16xi32>], vector<16xi32>,
          %shift_left3A_570 = arith.constant 2 : i32
          %shift_left3A_571 = vector.broadcast %shift_left3A_570 : i32 to vector<16xi32>
          %shift_left3A_572 = arith.shli %gather3A_569, %shift_left3A_571 : vector<16xi32>
          %or3A_573 = arith.ori %shift_left3A_572, %and3A_3 : vector<16xi32>
          %swap3A_574 = arith.index_cast %add3A_565 : i32 to index
          %swap3A_575 = tpu.vector_load %arg11[%swap3A_574] {strides = array<i32>} : memref<2048xi32, #tpu.memory_space<vmem>>, vector<16xi32>,
          tpu.vector_store %arg11[%swap3A_574], %or3A_573 {strides = array<i32>} : memref<2048xi32, #tpu.memory_space<vmem>>, vector<16xi32>,
          %mul3A_576 = arith.mulf %mul3A_556, %gather3A_543 : vector<16xf32>
          %mul3A_577 = arith.mulf %get3A_555, %mul3A_576 : vector<16xf32>
          %swap3A_578 = arith.index_cast %add3A_565 : i32 to index
          %swap3A_579 = tpu.vector_load %arg12[%swap3A_578] {strides = array<i32>} : memref<2048xf32, #tpu.memory_space<vmem>>, vector<16xf32>,
          tpu.vector_store %arg12[%swap3A_578], %mul3A_577 {strides = array<i32>} : memref<2048xf32, #tpu.memory_space<vmem>>, vector<16xf32>,
          %mul3A_580 = arith.constant 512 : i32
          %mul3A_581 = arith.muli %scan3A_153, %mul3A_580 : i32
          %add3A_582 = arith.constant 64 : i32
          %add3A_583 = arith.addi %mul3A_581, %add3A_582 : i32
          %add3A_584 = arith.constant 16 : i32
          %add3A_585 = arith.addi %add3A_583, %add3A_584 : i32
          %add3A_586 = arith.constant 16 : i32
          %add3A_587 = vector.broadcast %add3A_586 : i32 to vector<16xi32>
          %add3A_588 = arith.addi %add3A_542, %add3A_587 : vector<16xi32>
          %gather3A_589 = tpu.vector_load_idx %arg10[%add3A_588] : memref<128xi32, #tpu.memory_space<vmem>>[vector<16xi32>], vector<16xi32>,
          %shift_left3A_590 = arith.constant 2 : i32
          %shift_left3A_591 = vector.broadcast %shift_left3A_590 : i32 to vector<16xi32>
          %shift_left3A_592 = arith.shli %gather3A_589, %shift_left3A_591 : vector<16xi32>
          %or3A_593 = arith.ori %shift_left3A_592, %and3A_3 : vector<16xi32>
          %swap3A_594 = arith.index_cast %add3A_585 : i32 to index
          %swap3A_595 = tpu.vector_load %arg11[%swap3A_594] {strides = array<i32>} : memref<2048xi32, #tpu.memory_space<vmem>>, vector<16xi32>,
          tpu.vector_store %arg11[%swap3A_594], %or3A_593 {strides = array<i32>} : memref<2048xi32, #tpu.memory_space<vmem>>, vector<16xi32>,
          %mul3A_596 = arith.mulf %mul3A_556, %gather3A_544 : vector<16xf32>
          %mul3A_597 = arith.mulf %get3A_555, %mul3A_596 : vector<16xf32>
          %swap3A_598 = arith.index_cast %add3A_585 : i32 to index
          %swap3A_599 = tpu.vector_load %arg12[%swap3A_598] {strides = array<i32>} : memref<2048xf32, #tpu.memory_space<vmem>>, vector<16xf32>,
          tpu.vector_store %arg12[%swap3A_598], %mul3A_597 {strides = array<i32>} : memref<2048xf32, #tpu.memory_space<vmem>>, vector<16xf32>,
          %mul3A_600 = arith.constant 512 : i32
          %mul3A_601 = arith.muli %scan3A_153, %mul3A_600 : i32
          %add3A_602 = arith.constant 128 : i32
          %add3A_603 = arith.addi %mul3A_601, %add3A_602 : i32
          %add3A_604 = arith.constant 16 : i32
          %add3A_605 = arith.addi %add3A_603, %add3A_604 : i32
          %add3A_606 = arith.constant 32 : i32
          %add3A_607 = vector.broadcast %add3A_606 : i32 to vector<16xi32>
          %add3A_608 = arith.addi %add3A_542, %add3A_607 : vector<16xi32>
          %gather3A_609 = tpu.vector_load_idx %arg10[%add3A_608] : memref<128xi32, #tpu.memory_space<vmem>>[vector<16xi32>], vector<16xi32>,
          %shift_left3A_610 = arith.constant 2 : i32
          %shift_left3A_611 = vector.broadcast %shift_left3A_610 : i32 to vector<16xi32>
          %shift_left3A_612 = arith.shli %gather3A_609, %shift_left3A_611 : vector<16xi32>
          %or3A_613 = arith.ori %shift_left3A_612, %and3A_3 : vector<16xi32>
          %swap3A_614 = arith.index_cast %add3A_605 : i32 to index
          %swap3A_615 = tpu.vector_load %arg11[%swap3A_614] {strides = array<i32>} : memref<2048xi32, #tpu.memory_space<vmem>>, vector<16xi32>,
          tpu.vector_store %arg11[%swap3A_614], %or3A_613 {strides = array<i32>} : memref<2048xi32, #tpu.memory_space<vmem>>, vector<16xi32>,
          %mul3A_616 = arith.mulf %mul3A_557, %gather3A_543 : vector<16xf32>
          %mul3A_617 = arith.mulf %get3A_555, %mul3A_616 : vector<16xf32>
          %swap3A_618 = arith.index_cast %add3A_605 : i32 to index
          %swap3A_619 = tpu.vector_load %arg12[%swap3A_618] {strides = array<i32>} : memref<2048xf32, #tpu.memory_space<vmem>>, vector<16xf32>,
          tpu.vector_store %arg12[%swap3A_618], %mul3A_617 {strides = array<i32>} : memref<2048xf32, #tpu.memory_space<vmem>>, vector<16xf32>,
          %mul3A_620 = arith.constant 512 : i32
          %mul3A_621 = arith.muli %scan3A_153, %mul3A_620 : i32
          %add3A_622 = arith.constant 192 : i32
          %add3A_623 = arith.addi %mul3A_621, %add3A_622 : i32
          %add3A_624 = arith.constant 16 : i32
          %add3A_625 = arith.addi %add3A_623, %add3A_624 : i32
          %add3A_626 = arith.constant 48 : i32
          %add3A_627 = vector.broadcast %add3A_626 : i32 to vector<16xi32>
          %add3A_628 = arith.addi %add3A_542, %add3A_627 : vector<16xi32>
          %gather3A_629 = tpu.vector_load_idx %arg10[%add3A_628] : memref<128xi32, #tpu.memory_space<vmem>>[vector<16xi32>], vector<16xi32>,
          %shift_left3A_630 = arith.constant 2 : i32
          %shift_left3A_631 = vector.broadcast %shift_left3A_630 : i32 to vector<16xi32>
          %shift_left3A_632 = arith.shli %gather3A_629, %shift_left3A_631 : vector<16xi32>
          %or3A_633 = arith.ori %shift_left3A_632, %and3A_3 : vector<16xi32>
          %swap3A_634 = arith.index_cast %add3A_625 : i32 to index
          %swap3A_635 = tpu.vector_load %arg11[%swap3A_634] {strides = array<i32>} : memref<2048xi32, #tpu.memory_space<vmem>>, vector<16xi32>,
          tpu.vector_store %arg11[%swap3A_634], %or3A_633 {strides = array<i32>} : memref<2048xi32, #tpu.memory_space<vmem>>, vector<16xi32>,
          %mul3A_636 = arith.mulf %mul3A_557, %gather3A_544 : vector<16xf32>
          %mul3A_637 = arith.mulf %get3A_555, %mul3A_636 : vector<16xf32>
          %swap3A_638 = arith.index_cast %add3A_625 : i32 to index
          %swap3A_639 = tpu.vector_load %arg12[%swap3A_638] {strides = array<i32>} : memref<2048xf32, #tpu.memory_space<vmem>>, vector<16xf32>,
          tpu.vector_store %arg12[%swap3A_638], %mul3A_637 {strides = array<i32>} : memref<2048xf32, #tpu.memory_space<vmem>>, vector<16xf32>,
          %mul3A_640 = arith.constant 512 : i32
          %mul3A_641 = arith.muli %scan3A_153, %mul3A_640 : i32
          %add3A_642 = arith.constant 256 : i32
          %add3A_643 = arith.addi %mul3A_641, %add3A_642 : i32
          %add3A_644 = arith.constant 16 : i32
          %add3A_645 = arith.addi %add3A_643, %add3A_644 : i32
          %add3A_646 = arith.constant 64 : i32
          %add3A_647 = vector.broadcast %add3A_646 : i32 to vector<16xi32>
          %add3A_648 = arith.addi %add3A_542, %add3A_647 : vector<16xi32>
          %gather3A_649 = tpu.vector_load_idx %arg10[%add3A_648] : memref<128xi32, #tpu.memory_space<vmem>>[vector<16xi32>], vector<16xi32>,
          %shift_left3A_650 = arith.constant 2 : i32
          %shift_left3A_651 = vector.broadcast %shift_left3A_650 : i32 to vector<16xi32>
          %shift_left3A_652 = arith.shli %gather3A_649, %shift_left3A_651 : vector<16xi32>
          %or3A_653 = arith.ori %shift_left3A_652, %and3A_3 : vector<16xi32>
          %swap3A_654 = arith.index_cast %add3A_645 : i32 to index
          %swap3A_655 = tpu.vector_load %arg11[%swap3A_654] {strides = array<i32>} : memref<2048xi32, #tpu.memory_space<vmem>>, vector<16xi32>,
          tpu.vector_store %arg11[%swap3A_654], %or3A_653 {strides = array<i32>} : memref<2048xi32, #tpu.memory_space<vmem>>, vector<16xi32>,
          %mul3A_656 = arith.mulf %mul3A_558, %gather3A_543 : vector<16xf32>
          %mul3A_657 = arith.mulf %get3A_555, %mul3A_656 : vector<16xf32>
          %swap3A_658 = arith.index_cast %add3A_645 : i32 to index
          %swap3A_659 = tpu.vector_load %arg12[%swap3A_658] {strides = array<i32>} : memref<2048xf32, #tpu.memory_space<vmem>>, vector<16xf32>,
          tpu.vector_store %arg12[%swap3A_658], %mul3A_657 {strides = array<i32>} : memref<2048xf32, #tpu.memory_space<vmem>>, vector<16xf32>,
          %mul3A_660 = arith.constant 512 : i32
          %mul3A_661 = arith.muli %scan3A_153, %mul3A_660 : i32
          %add3A_662 = arith.constant 320 : i32
          %add3A_663 = arith.addi %mul3A_661, %add3A_662 : i32
          %add3A_664 = arith.constant 16 : i32
          %add3A_665 = arith.addi %add3A_663, %add3A_664 : i32
          %add3A_666 = arith.constant 80 : i32
          %add3A_667 = vector.broadcast %add3A_666 : i32 to vector<16xi32>
          %add3A_668 = arith.addi %add3A_542, %add3A_667 : vector<16xi32>
          %gather3A_669 = tpu.vector_load_idx %arg10[%add3A_668] : memref<128xi32, #tpu.memory_space<vmem>>[vector<16xi32>], vector<16xi32>,
          %shift_left3A_670 = arith.constant 2 : i32
          %shift_left3A_671 = vector.broadcast %shift_left3A_670 : i32 to vector<16xi32>
          %shift_left3A_672 = arith.shli %gather3A_669, %shift_left3A_671 : vector<16xi32>
          %or3A_673 = arith.ori %shift_left3A_672, %and3A_3 : vector<16xi32>
          %swap3A_674 = arith.index_cast %add3A_665 : i32 to index
          %swap3A_675 = tpu.vector_load %arg11[%swap3A_674] {strides = array<i32>} : memref<2048xi32, #tpu.memory_space<vmem>>, vector<16xi32>,
          tpu.vector_store %arg11[%swap3A_674], %or3A_673 {strides = array<i32>} : memref<2048xi32, #tpu.memory_space<vmem>>, vector<16xi32>,
          %mul3A_676 = arith.mulf %mul3A_558, %gather3A_544 : vector<16xf32>
          %mul3A_677 = arith.mulf %get3A_555, %mul3A_676 : vector<16xf32>
          %swap3A_678 = arith.index_cast %add3A_665 : i32 to index
          %swap3A_679 = tpu.vector_load %arg12[%swap3A_678] {strides = array<i32>} : memref<2048xf32, #tpu.memory_space<vmem>>, vector<16xf32>,
          tpu.vector_store %arg12[%swap3A_678], %mul3A_677 {strides = array<i32>} : memref<2048xf32, #tpu.memory_space<vmem>>, vector<16xf32>,
          %mul3A_680 = arith.constant 512 : i32
          %mul3A_681 = arith.muli %scan3A_153, %mul3A_680 : i32
          %add3A_682 = arith.constant 384 : i32
          %add3A_683 = arith.addi %mul3A_681, %add3A_682 : i32
          %add3A_684 = arith.constant 16 : i32
          %add3A_685 = arith.addi %add3A_683, %add3A_684 : i32
          %add3A_686 = arith.constant 96 : i32
          %add3A_687 = vector.broadcast %add3A_686 : i32 to vector<16xi32>
          %add3A_688 = arith.addi %add3A_542, %add3A_687 : vector<16xi32>
          %gather3A_689 = tpu.vector_load_idx %arg10[%add3A_688] : memref<128xi32, #tpu.memory_space<vmem>>[vector<16xi32>], vector<16xi32>,
          %shift_left3A_690 = arith.constant 2 : i32
          %shift_left3A_691 = vector.broadcast %shift_left3A_690 : i32 to vector<16xi32>
          %shift_left3A_692 = arith.shli %gather3A_689, %shift_left3A_691 : vector<16xi32>
          %or3A_693 = arith.ori %shift_left3A_692, %and3A_3 : vector<16xi32>
          %swap3A_694 = arith.index_cast %add3A_685 : i32 to index
          %swap3A_695 = tpu.vector_load %arg11[%swap3A_694] {strides = array<i32>} : memref<2048xi32, #tpu.memory_space<vmem>>, vector<16xi32>,
          tpu.vector_store %arg11[%swap3A_694], %or3A_693 {strides = array<i32>} : memref<2048xi32, #tpu.memory_space<vmem>>, vector<16xi32>,
          %mul3A_696 = arith.mulf %mul3A_559, %gather3A_543 : vector<16xf32>
          %mul3A_697 = arith.mulf %get3A_555, %mul3A_696 : vector<16xf32>
          %swap3A_698 = arith.index_cast %add3A_685 : i32 to index
          %swap3A_699 = tpu.vector_load %arg12[%swap3A_698] {strides = array<i32>} : memref<2048xf32, #tpu.memory_space<vmem>>, vector<16xf32>,
          tpu.vector_store %arg12[%swap3A_698], %mul3A_697 {strides = array<i32>} : memref<2048xf32, #tpu.memory_space<vmem>>, vector<16xf32>,
          %mul3A_700 = arith.constant 512 : i32
          %mul3A_701 = arith.muli %scan3A_153, %mul3A_700 : i32
          %add3A_702 = arith.constant 448 : i32
          %add3A_703 = arith.addi %mul3A_701, %add3A_702 : i32
          %add3A_704 = arith.constant 16 : i32
          %add3A_705 = arith.addi %add3A_703, %add3A_704 : i32
          %add3A_706 = arith.constant 112 : i32
          %add3A_707 = vector.broadcast %add3A_706 : i32 to vector<16xi32>
          %add3A_708 = arith.addi %add3A_542, %add3A_707 : vector<16xi32>
          %gather3A_709 = tpu.vector_load_idx %arg10[%add3A_708] : memref<128xi32, #tpu.memory_space<vmem>>[vector<16xi32>], vector<16xi32>,
          %shift_left3A_710 = arith.constant 2 : i32
          %shift_left3A_711 = vector.broadcast %shift_left3A_710 : i32 to vector<16xi32>
          %shift_left3A_712 = arith.shli %gather3A_709, %shift_left3A_711 : vector<16xi32>
          %or3A_713 = arith.ori %shift_left3A_712, %and3A_3 : vector<16xi32>
          %swap3A_714 = arith.index_cast %add3A_705 : i32 to index
          %swap3A_715 = tpu.vector_load %arg11[%swap3A_714] {strides = array<i32>} : memref<2048xi32, #tpu.memory_space<vmem>>, vector<16xi32>,
          tpu.vector_store %arg11[%swap3A_714], %or3A_713 {strides = array<i32>} : memref<2048xi32, #tpu.memory_space<vmem>>, vector<16xi32>,
          %mul3A_716 = arith.mulf %mul3A_559, %gather3A_544 : vector<16xf32>
          %mul3A_717 = arith.mulf %get3A_555, %mul3A_716 : vector<16xf32>
          %swap3A_718 = arith.index_cast %add3A_705 : i32 to index
          %swap3A_719 = tpu.vector_load %arg12[%swap3A_718] {strides = array<i32>} : memref<2048xf32, #tpu.memory_space<vmem>>, vector<16xf32>,
          tpu.vector_store %arg12[%swap3A_718], %mul3A_717 {strides = array<i32>} : memref<2048xf32, #tpu.memory_space<vmem>>, vector<16xf32>,
          %add3A_720 = arith.constant 8 : i32
          %add3A_721 = vector.broadcast %add3A_720 : i32 to vector<16xi32>
          %add3A_722 = arith.addi %shift_right_arithmetic3A_1, %add3A_721 : vector<16xi32>
          %gather3A_723 = tpu.vector_load_idx %arg16[%add3A_722] : memref<16xf32, #tpu.memory_space<vmem>>[vector<16xi32>], vector<16xf32>,
          %gather3A_724 = tpu.vector_load_idx %arg17[%add3A_722] : memref<16xf32, #tpu.memory_space<vmem>>[vector<16xi32>], vector<16xf32>,
          %gather3A_725 = tpu.vector_load_idx %arg18[%add3A_722] : memref<16xf32, #tpu.memory_space<vmem>>[vector<16xi32>], vector<16xf32>,
          %gather3A_726 = tpu.vector_load_idx %arg19[%add3A_722] : memref<16xf32, #tpu.memory_space<vmem>>[vector<16xi32>], vector<16xf32>,
          %gather3A_727 = tpu.vector_load_idx %arg20[%add3A_722] : memref<16xf32, #tpu.memory_space<vmem>>[vector<16xi32>], vector<16xf32>,
          %gather3A_728 = tpu.vector_load_idx %arg21[%add3A_722] : memref<16xf32, #tpu.memory_space<vmem>>[vector<16xi32>], vector<16xf32>,
          %mul3A_729 = arith.constant 64 : i32
          %mul3A_730 = arith.muli %scan3A_153, %mul3A_729 : i32
          %add3A_731 = arith.constant 32 : i32
          %add3A_732 = arith.addi %mul3A_730, %add3A_731 : i32
          %get3A_733 = arith.index_cast %add3A_44 : i32 to index
          %get3A_734 = arith.index_cast %add3A_732 : i32 to index
          %get3A_735 = tpu.vector_load %arg9[%get3A_733, %get3A_734] {strides = array<i32>} : memref<128x256xf32, #tpu.memory_space<vmem>>, vector<16xf32>,
          %mul3A_736 = arith.mulf %gather3A_727, %gather3A_725 : vector<16xf32>
          %mul3A_737 = arith.mulf %gather3A_727, %gather3A_726 : vector<16xf32>
          %mul3A_738 = arith.mulf %gather3A_728, %gather3A_725 : vector<16xf32>
          %mul3A_739 = arith.mulf %gather3A_728, %gather3A_726 : vector<16xf32>
          %mul3A_740 = arith.constant 512 : i32
          %mul3A_741 = arith.muli %scan3A_153, %mul3A_740 : i32
          %add3A_742 = arith.constant 0 : i32
          %add3A_743 = arith.addi %mul3A_741, %add3A_742 : i32
          %add3A_744 = arith.constant 32 : i32
          %add3A_745 = arith.addi %add3A_743, %add3A_744 : i32
          %add3A_746 = arith.constant 0 : i32
          %add3A_747 = vector.broadcast %add3A_746 : i32 to vector<16xi32>
          %add3A_748 = arith.addi %add3A_722, %add3A_747 : vector<16xi32>
          %gather3A_749 = tpu.vector_load_idx %arg10[%add3A_748] : memref<128xi32, #tpu.memory_space<vmem>>[vector<16xi32>], vector<16xi32>,
          %shift_left3A_750 = arith.constant 2 : i32
          %shift_left3A_751 = vector.broadcast %shift_left3A_750 : i32 to vector<16xi32>
          %shift_left3A_752 = arith.shli %gather3A_749, %shift_left3A_751 : vector<16xi32>
          %or3A_753 = arith.ori %shift_left3A_752, %and3A_3 : vector<16xi32>
          %swap3A_754 = arith.index_cast %add3A_745 : i32 to index
          %swap3A_755 = tpu.vector_load %arg11[%swap3A_754] {strides = array<i32>} : memref<2048xi32, #tpu.memory_space<vmem>>, vector<16xi32>,
          tpu.vector_store %arg11[%swap3A_754], %or3A_753 {strides = array<i32>} : memref<2048xi32, #tpu.memory_space<vmem>>, vector<16xi32>,
          %mul3A_756 = arith.mulf %mul3A_736, %gather3A_723 : vector<16xf32>
          %mul3A_757 = arith.mulf %get3A_735, %mul3A_756 : vector<16xf32>
          %swap3A_758 = arith.index_cast %add3A_745 : i32 to index
          %swap3A_759 = tpu.vector_load %arg12[%swap3A_758] {strides = array<i32>} : memref<2048xf32, #tpu.memory_space<vmem>>, vector<16xf32>,
          tpu.vector_store %arg12[%swap3A_758], %mul3A_757 {strides = array<i32>} : memref<2048xf32, #tpu.memory_space<vmem>>, vector<16xf32>,
          %mul3A_760 = arith.constant 512 : i32
          %mul3A_761 = arith.muli %scan3A_153, %mul3A_760 : i32
          %add3A_762 = arith.constant 64 : i32
          %add3A_763 = arith.addi %mul3A_761, %add3A_762 : i32
          %add3A_764 = arith.constant 32 : i32
          %add3A_765 = arith.addi %add3A_763, %add3A_764 : i32
          %add3A_766 = arith.constant 16 : i32
          %add3A_767 = vector.broadcast %add3A_766 : i32 to vector<16xi32>
          %add3A_768 = arith.addi %add3A_722, %add3A_767 : vector<16xi32>
          %gather3A_769 = tpu.vector_load_idx %arg10[%add3A_768] : memref<128xi32, #tpu.memory_space<vmem>>[vector<16xi32>], vector<16xi32>,
          %shift_left3A_770 = arith.constant 2 : i32
          %shift_left3A_771 = vector.broadcast %shift_left3A_770 : i32 to vector<16xi32>
          %shift_left3A_772 = arith.shli %gather3A_769, %shift_left3A_771 : vector<16xi32>
          %or3A_773 = arith.ori %shift_left3A_772, %and3A_3 : vector<16xi32>
          %swap3A_774 = arith.index_cast %add3A_765 : i32 to index
          %swap3A_775 = tpu.vector_load %arg11[%swap3A_774] {strides = array<i32>} : memref<2048xi32, #tpu.memory_space<vmem>>, vector<16xi32>,
          tpu.vector_store %arg11[%swap3A_774], %or3A_773 {strides = array<i32>} : memref<2048xi32, #tpu.memory_space<vmem>>, vector<16xi32>,
          %mul3A_776 = arith.mulf %mul3A_736, %gather3A_724 : vector<16xf32>
          %mul3A_777 = arith.mulf %get3A_735, %mul3A_776 : vector<16xf32>
          %swap3A_778 = arith.index_cast %add3A_765 : i32 to index
          %swap3A_779 = tpu.vector_load %arg12[%swap3A_778] {strides = array<i32>} : memref<2048xf32, #tpu.memory_space<vmem>>, vector<16xf32>,
          tpu.vector_store %arg12[%swap3A_778], %mul3A_777 {strides = array<i32>} : memref<2048xf32, #tpu.memory_space<vmem>>, vector<16xf32>,
          %mul3A_780 = arith.constant 512 : i32
          %mul3A_781 = arith.muli %scan3A_153, %mul3A_780 : i32
          %add3A_782 = arith.constant 128 : i32
          %add3A_783 = arith.addi %mul3A_781, %add3A_782 : i32
          %add3A_784 = arith.constant 32 : i32
          %add3A_785 = arith.addi %add3A_783, %add3A_784 : i32
          %add3A_786 = arith.constant 32 : i32
          %add3A_787 = vector.broadcast %add3A_786 : i32 to vector<16xi32>
          %add3A_788 = arith.addi %add3A_722, %add3A_787 : vector<16xi32>
          %gather3A_789 = tpu.vector_load_idx %arg10[%add3A_788] : memref<128xi32, #tpu.memory_space<vmem>>[vector<16xi32>], vector<16xi32>,
          %shift_left3A_790 = arith.constant 2 : i32
          %shift_left3A_791 = vector.broadcast %shift_left3A_790 : i32 to vector<16xi32>
          %shift_left3A_792 = arith.shli %gather3A_789, %shift_left3A_791 : vector<16xi32>
          %or3A_793 = arith.ori %shift_left3A_792, %and3A_3 : vector<16xi32>
          %swap3A_794 = arith.index_cast %add3A_785 : i32 to index
          %swap3A_795 = tpu.vector_load %arg11[%swap3A_794] {strides = array<i32>} : memref<2048xi32, #tpu.memory_space<vmem>>, vector<16xi32>,
          tpu.vector_store %arg11[%swap3A_794], %or3A_793 {strides = array<i32>} : memref<2048xi32, #tpu.memory_space<vmem>>, vector<16xi32>,
          %mul3A_796 = arith.mulf %mul3A_737, %gather3A_723 : vector<16xf32>
          %mul3A_797 = arith.mulf %get3A_735, %mul3A_796 : vector<16xf32>
          %swap3A_798 = arith.index_cast %add3A_785 : i32 to index
          %swap3A_799 = tpu.vector_load %arg12[%swap3A_798] {strides = array<i32>} : memref<2048xf32, #tpu.memory_space<vmem>>, vector<16xf32>,
          tpu.vector_store %arg12[%swap3A_798], %mul3A_797 {strides = array<i32>} : memref<2048xf32, #tpu.memory_space<vmem>>, vector<16xf32>,
          %mul3A_800 = arith.constant 512 : i32
          %mul3A_801 = arith.muli %scan3A_153, %mul3A_800 : i32
          %add3A_802 = arith.constant 192 : i32
          %add3A_803 = arith.addi %mul3A_801, %add3A_802 : i32
          %add3A_804 = arith.constant 32 : i32
          %add3A_805 = arith.addi %add3A_803, %add3A_804 : i32
          %add3A_806 = arith.constant 48 : i32
          %add3A_807 = vector.broadcast %add3A_806 : i32 to vector<16xi32>
          %add3A_808 = arith.addi %add3A_722, %add3A_807 : vector<16xi32>
          %gather3A_809 = tpu.vector_load_idx %arg10[%add3A_808] : memref<128xi32, #tpu.memory_space<vmem>>[vector<16xi32>], vector<16xi32>,
          %shift_left3A_810 = arith.constant 2 : i32
          %shift_left3A_811 = vector.broadcast %shift_left3A_810 : i32 to vector<16xi32>
          %shift_left3A_812 = arith.shli %gather3A_809, %shift_left3A_811 : vector<16xi32>
          %or3A_813 = arith.ori %shift_left3A_812, %and3A_3 : vector<16xi32>
          %swap3A_814 = arith.index_cast %add3A_805 : i32 to index
          %swap3A_815 = tpu.vector_load %arg11[%swap3A_814] {strides = array<i32>} : memref<2048xi32, #tpu.memory_space<vmem>>, vector<16xi32>,
          tpu.vector_store %arg11[%swap3A_814], %or3A_813 {strides = array<i32>} : memref<2048xi32, #tpu.memory_space<vmem>>, vector<16xi32>,
          %mul3A_816 = arith.mulf %mul3A_737, %gather3A_724 : vector<16xf32>
          %mul3A_817 = arith.mulf %get3A_735, %mul3A_816 : vector<16xf32>
          %swap3A_818 = arith.index_cast %add3A_805 : i32 to index
          %swap3A_819 = tpu.vector_load %arg12[%swap3A_818] {strides = array<i32>} : memref<2048xf32, #tpu.memory_space<vmem>>, vector<16xf32>,
          tpu.vector_store %arg12[%swap3A_818], %mul3A_817 {strides = array<i32>} : memref<2048xf32, #tpu.memory_space<vmem>>, vector<16xf32>,
          %mul3A_820 = arith.constant 512 : i32
          %mul3A_821 = arith.muli %scan3A_153, %mul3A_820 : i32
          %add3A_822 = arith.constant 256 : i32
          %add3A_823 = arith.addi %mul3A_821, %add3A_822 : i32
          %add3A_824 = arith.constant 32 : i32
          %add3A_825 = arith.addi %add3A_823, %add3A_824 : i32
          %add3A_826 = arith.constant 64 : i32
          %add3A_827 = vector.broadcast %add3A_826 : i32 to vector<16xi32>
          %add3A_828 = arith.addi %add3A_722, %add3A_827 : vector<16xi32>
          %gather3A_829 = tpu.vector_load_idx %arg10[%add3A_828] : memref<128xi32, #tpu.memory_space<vmem>>[vector<16xi32>], vector<16xi32>,
          %shift_left3A_830 = arith.constant 2 : i32
          %shift_left3A_831 = vector.broadcast %shift_left3A_830 : i32 to vector<16xi32>
          %shift_left3A_832 = arith.shli %gather3A_829, %shift_left3A_831 : vector<16xi32>
          %or3A_833 = arith.ori %shift_left3A_832, %and3A_3 : vector<16xi32>
          %swap3A_834 = arith.index_cast %add3A_825 : i32 to index
          %swap3A_835 = tpu.vector_load %arg11[%swap3A_834] {strides = array<i32>} : memref<2048xi32, #tpu.memory_space<vmem>>, vector<16xi32>,
          tpu.vector_store %arg11[%swap3A_834], %or3A_833 {strides = array<i32>} : memref<2048xi32, #tpu.memory_space<vmem>>, vector<16xi32>,
          %mul3A_836 = arith.mulf %mul3A_738, %gather3A_723 : vector<16xf32>
          %mul3A_837 = arith.mulf %get3A_735, %mul3A_836 : vector<16xf32>
          %swap3A_838 = arith.index_cast %add3A_825 : i32 to index
          %swap3A_839 = tpu.vector_load %arg12[%swap3A_838] {strides = array<i32>} : memref<2048xf32, #tpu.memory_space<vmem>>, vector<16xf32>,
          tpu.vector_store %arg12[%swap3A_838], %mul3A_837 {strides = array<i32>} : memref<2048xf32, #tpu.memory_space<vmem>>, vector<16xf32>,
          %mul3A_840 = arith.constant 512 : i32
          %mul3A_841 = arith.muli %scan3A_153, %mul3A_840 : i32
          %add3A_842 = arith.constant 320 : i32
          %add3A_843 = arith.addi %mul3A_841, %add3A_842 : i32
          %add3A_844 = arith.constant 32 : i32
          %add3A_845 = arith.addi %add3A_843, %add3A_844 : i32
          %add3A_846 = arith.constant 80 : i32
          %add3A_847 = vector.broadcast %add3A_846 : i32 to vector<16xi32>
          %add3A_848 = arith.addi %add3A_722, %add3A_847 : vector<16xi32>
          %gather3A_849 = tpu.vector_load_idx %arg10[%add3A_848] : memref<128xi32, #tpu.memory_space<vmem>>[vector<16xi32>], vector<16xi32>,
          %shift_left3A_850 = arith.constant 2 : i32
          %shift_left3A_851 = vector.broadcast %shift_left3A_850 : i32 to vector<16xi32>
          %shift_left3A_852 = arith.shli %gather3A_849, %shift_left3A_851 : vector<16xi32>
          %or3A_853 = arith.ori %shift_left3A_852, %and3A_3 : vector<16xi32>
          %swap3A_854 = arith.index_cast %add3A_845 : i32 to index
          %swap3A_855 = tpu.vector_load %arg11[%swap3A_854] {strides = array<i32>} : memref<2048xi32, #tpu.memory_space<vmem>>, vector<16xi32>,
          tpu.vector_store %arg11[%swap3A_854], %or3A_853 {strides = array<i32>} : memref<2048xi32, #tpu.memory_space<vmem>>, vector<16xi32>,
          %mul3A_856 = arith.mulf %mul3A_738, %gather3A_724 : vector<16xf32>
          %mul3A_857 = arith.mulf %get3A_735, %mul3A_856 : vector<16xf32>
          %swap3A_858 = arith.index_cast %add3A_845 : i32 to index
          %swap3A_859 = tpu.vector_load %arg12[%swap3A_858] {strides = array<i32>} : memref<2048xf32, #tpu.memory_space<vmem>>, vector<16xf32>,
          tpu.vector_store %arg12[%swap3A_858], %mul3A_857 {strides = array<i32>} : memref<2048xf32, #tpu.memory_space<vmem>>, vector<16xf32>,
          %mul3A_860 = arith.constant 512 : i32
          %mul3A_861 = arith.muli %scan3A_153, %mul3A_860 : i32
          %add3A_862 = arith.constant 384 : i32
          %add3A_863 = arith.addi %mul3A_861, %add3A_862 : i32
          %add3A_864 = arith.constant 32 : i32
          %add3A_865 = arith.addi %add3A_863, %add3A_864 : i32
          %add3A_866 = arith.constant 96 : i32
          %add3A_867 = vector.broadcast %add3A_866 : i32 to vector<16xi32>
          %add3A_868 = arith.addi %add3A_722, %add3A_867 : vector<16xi32>
          %gather3A_869 = tpu.vector_load_idx %arg10[%add3A_868] : memref<128xi32, #tpu.memory_space<vmem>>[vector<16xi32>], vector<16xi32>,
          %shift_left3A_870 = arith.constant 2 : i32
          %shift_left3A_871 = vector.broadcast %shift_left3A_870 : i32 to vector<16xi32>
          %shift_left3A_872 = arith.shli %gather3A_869, %shift_left3A_871 : vector<16xi32>
          %or3A_873 = arith.ori %shift_left3A_872, %and3A_3 : vector<16xi32>
          %swap3A_874 = arith.index_cast %add3A_865 : i32 to index
          %swap3A_875 = tpu.vector_load %arg11[%swap3A_874] {strides = array<i32>} : memref<2048xi32, #tpu.memory_space<vmem>>, vector<16xi32>,
          tpu.vector_store %arg11[%swap3A_874], %or3A_873 {strides = array<i32>} : memref<2048xi32, #tpu.memory_space<vmem>>, vector<16xi32>,
          %mul3A_876 = arith.mulf %mul3A_739, %gather3A_723 : vector<16xf32>
          %mul3A_877 = arith.mulf %get3A_735, %mul3A_876 : vector<16xf32>
          %swap3A_878 = arith.index_cast %add3A_865 : i32 to index
          %swap3A_879 = tpu.vector_load %arg12[%swap3A_878] {strides = array<i32>} : memref<2048xf32, #tpu.memory_space<vmem>>, vector<16xf32>,
          tpu.vector_store %arg12[%swap3A_878], %mul3A_877 {strides = array<i32>} : memref<2048xf32, #tpu.memory_space<vmem>>, vector<16xf32>,
          %mul3A_880 = arith.constant 512 : i32
          %mul3A_881 = arith.muli %scan3A_153, %mul3A_880 : i32
          %add3A_882 = arith.constant 448 : i32
          %add3A_883 = arith.addi %mul3A_881, %add3A_882 : i32
          %add3A_884 = arith.constant 32 : i32
          %add3A_885 = arith.addi %add3A_883, %add3A_884 : i32
          %add3A_886 = arith.constant 112 : i32
          %add3A_887 = vector.broadcast %add3A_886 : i32 to vector<16xi32>
          %add3A_888 = arith.addi %add3A_722, %add3A_887 : vector<16xi32>
          %gather3A_889 = tpu.vector_load_idx %arg10[%add3A_888] : memref<128xi32, #tpu.memory_space<vmem>>[vector<16xi32>], vector<16xi32>,
          %shift_left3A_890 = arith.constant 2 : i32
          %shift_left3A_891 = vector.broadcast %shift_left3A_890 : i32 to vector<16xi32>
          %shift_left3A_892 = arith.shli %gather3A_889, %shift_left3A_891 : vector<16xi32>
          %or3A_893 = arith.ori %shift_left3A_892, %and3A_3 : vector<16xi32>
          %swap3A_894 = arith.index_cast %add3A_885 : i32 to index
          %swap3A_895 = tpu.vector_load %arg11[%swap3A_894] {strides = array<i32>} : memref<2048xi32, #tpu.memory_space<vmem>>, vector<16xi32>,
          tpu.vector_store %arg11[%swap3A_894], %or3A_893 {strides = array<i32>} : memref<2048xi32, #tpu.memory_space<vmem>>, vector<16xi32>,
          %mul3A_896 = arith.mulf %mul3A_739, %gather3A_724 : vector<16xf32>
          %mul3A_897 = arith.mulf %get3A_735, %mul3A_896 : vector<16xf32>
          %swap3A_898 = arith.index_cast %add3A_885 : i32 to index
          %swap3A_899 = tpu.vector_load %arg12[%swap3A_898] {strides = array<i32>} : memref<2048xf32, #tpu.memory_space<vmem>>, vector<16xf32>,
          tpu.vector_store %arg12[%swap3A_898], %mul3A_897 {strides = array<i32>} : memref<2048xf32, #tpu.memory_space<vmem>>, vector<16xf32>,
          %add3A_900 = arith.constant 12 : i32
          %add3A_901 = vector.broadcast %add3A_900 : i32 to vector<16xi32>
          %add3A_902 = arith.addi %shift_right_arithmetic3A_1, %add3A_901 : vector<16xi32>
          %gather3A_903 = tpu.vector_load_idx %arg16[%add3A_902] : memref<16xf32, #tpu.memory_space<vmem>>[vector<16xi32>], vector<16xf32>,
          %gather3A_904 = tpu.vector_load_idx %arg17[%add3A_902] : memref<16xf32, #tpu.memory_space<vmem>>[vector<16xi32>], vector<16xf32>,
          %gather3A_905 = tpu.vector_load_idx %arg18[%add3A_902] : memref<16xf32, #tpu.memory_space<vmem>>[vector<16xi32>], vector<16xf32>,
          %gather3A_906 = tpu.vector_load_idx %arg19[%add3A_902] : memref<16xf32, #tpu.memory_space<vmem>>[vector<16xi32>], vector<16xf32>,
          %gather3A_907 = tpu.vector_load_idx %arg20[%add3A_902] : memref<16xf32, #tpu.memory_space<vmem>>[vector<16xi32>], vector<16xf32>,
          %gather3A_908 = tpu.vector_load_idx %arg21[%add3A_902] : memref<16xf32, #tpu.memory_space<vmem>>[vector<16xi32>], vector<16xf32>,
          %mul3A_909 = arith.constant 64 : i32
          %mul3A_910 = arith.muli %scan3A_153, %mul3A_909 : i32
          %add3A_911 = arith.constant 48 : i32
          %add3A_912 = arith.addi %mul3A_910, %add3A_911 : i32
          %get3A_913 = arith.index_cast %add3A_44 : i32 to index
          %get3A_914 = arith.index_cast %add3A_912 : i32 to index
          %get3A_915 = tpu.vector_load %arg9[%get3A_913, %get3A_914] {strides = array<i32>} : memref<128x256xf32, #tpu.memory_space<vmem>>, vector<16xf32>,
          %mul3A_916 = arith.mulf %gather3A_907, %gather3A_905 : vector<16xf32>
          %mul3A_917 = arith.mulf %gather3A_907, %gather3A_906 : vector<16xf32>
          %mul3A_918 = arith.mulf %gather3A_908, %gather3A_905 : vector<16xf32>
          %mul3A_919 = arith.mulf %gather3A_908, %gather3A_906 : vector<16xf32>
          %mul3A_920 = arith.constant 512 : i32
          %mul3A_921 = arith.muli %scan3A_153, %mul3A_920 : i32
          %add3A_922 = arith.constant 0 : i32
          %add3A_923 = arith.addi %mul3A_921, %add3A_922 : i32
          %add3A_924 = arith.constant 48 : i32
          %add3A_925 = arith.addi %add3A_923, %add3A_924 : i32
          %add3A_926 = arith.constant 0 : i32
          %add3A_927 = vector.broadcast %add3A_926 : i32 to vector<16xi32>
          %add3A_928 = arith.addi %add3A_902, %add3A_927 : vector<16xi32>
          %gather3A_929 = tpu.vector_load_idx %arg10[%add3A_928] : memref<128xi32, #tpu.memory_space<vmem>>[vector<16xi32>], vector<16xi32>,
          %shift_left3A_930 = arith.constant 2 : i32
          %shift_left3A_931 = vector.broadcast %shift_left3A_930 : i32 to vector<16xi32>
          %shift_left3A_932 = arith.shli %gather3A_929, %shift_left3A_931 : vector<16xi32>
          %or3A_933 = arith.ori %shift_left3A_932, %and3A_3 : vector<16xi32>
          %swap3A_934 = arith.index_cast %add3A_925 : i32 to index
          %swap3A_935 = tpu.vector_load %arg11[%swap3A_934] {strides = array<i32>} : memref<2048xi32, #tpu.memory_space<vmem>>, vector<16xi32>,
          tpu.vector_store %arg11[%swap3A_934], %or3A_933 {strides = array<i32>} : memref<2048xi32, #tpu.memory_space<vmem>>, vector<16xi32>,
          %mul3A_936 = arith.mulf %mul3A_916, %gather3A_903 : vector<16xf32>
          %mul3A_937 = arith.mulf %get3A_915, %mul3A_936 : vector<16xf32>
          %swap3A_938 = arith.index_cast %add3A_925 : i32 to index
          %swap3A_939 = tpu.vector_load %arg12[%swap3A_938] {strides = array<i32>} : memref<2048xf32, #tpu.memory_space<vmem>>, vector<16xf32>,
          tpu.vector_store %arg12[%swap3A_938], %mul3A_937 {strides = array<i32>} : memref<2048xf32, #tpu.memory_space<vmem>>, vector<16xf32>,
          %mul3A_940 = arith.constant 512 : i32
          %mul3A_941 = arith.muli %scan3A_153, %mul3A_940 : i32
          %add3A_942 = arith.constant 64 : i32
          %add3A_943 = arith.addi %mul3A_941, %add3A_942 : i32
          %add3A_944 = arith.constant 48 : i32
          %add3A_945 = arith.addi %add3A_943, %add3A_944 : i32
          %add3A_946 = arith.constant 16 : i32
          %add3A_947 = vector.broadcast %add3A_946 : i32 to vector<16xi32>
          %add3A_948 = arith.addi %add3A_902, %add3A_947 : vector<16xi32>
          %gather3A_949 = tpu.vector_load_idx %arg10[%add3A_948] : memref<128xi32, #tpu.memory_space<vmem>>[vector<16xi32>], vector<16xi32>,
          %shift_left3A_950 = arith.constant 2 : i32
          %shift_left3A_951 = vector.broadcast %shift_left3A_950 : i32 to vector<16xi32>
          %shift_left3A_952 = arith.shli %gather3A_949, %shift_left3A_951 : vector<16xi32>
          %or3A_953 = arith.ori %shift_left3A_952, %and3A_3 : vector<16xi32>
          %swap3A_954 = arith.index_cast %add3A_945 : i32 to index
          %swap3A_955 = tpu.vector_load %arg11[%swap3A_954] {strides = array<i32>} : memref<2048xi32, #tpu.memory_space<vmem>>, vector<16xi32>,
          tpu.vector_store %arg11[%swap3A_954], %or3A_953 {strides = array<i32>} : memref<2048xi32, #tpu.memory_space<vmem>>, vector<16xi32>,
          %mul3A_956 = arith.mulf %mul3A_916, %gather3A_904 : vector<16xf32>
          %mul3A_957 = arith.mulf %get3A_915, %mul3A_956 : vector<16xf32>
          %swap3A_958 = arith.index_cast %add3A_945 : i32 to index
          %swap3A_959 = tpu.vector_load %arg12[%swap3A_958] {strides = array<i32>} : memref<2048xf32, #tpu.memory_space<vmem>>, vector<16xf32>,
          tpu.vector_store %arg12[%swap3A_958], %mul3A_957 {strides = array<i32>} : memref<2048xf32, #tpu.memory_space<vmem>>, vector<16xf32>,
          %mul3A_960 = arith.constant 512 : i32
          %mul3A_961 = arith.muli %scan3A_153, %mul3A_960 : i32
          %add3A_962 = arith.constant 128 : i32
          %add3A_963 = arith.addi %mul3A_961, %add3A_962 : i32
          %add3A_964 = arith.constant 48 : i32
          %add3A_965 = arith.addi %add3A_963, %add3A_964 : i32
          %add3A_966 = arith.constant 32 : i32
          %add3A_967 = vector.broadcast %add3A_966 : i32 to vector<16xi32>
          %add3A_968 = arith.addi %add3A_902, %add3A_967 : vector<16xi32>
          %gather3A_969 = tpu.vector_load_idx %arg10[%add3A_968] : memref<128xi32, #tpu.memory_space<vmem>>[vector<16xi32>], vector<16xi32>,
          %shift_left3A_970 = arith.constant 2 : i32
          %shift_left3A_971 = vector.broadcast %shift_left3A_970 : i32 to vector<16xi32>
          %shift_left3A_972 = arith.shli %gather3A_969, %shift_left3A_971 : vector<16xi32>
          %or3A_973 = arith.ori %shift_left3A_972, %and3A_3 : vector<16xi32>
          %swap3A_974 = arith.index_cast %add3A_965 : i32 to index
          %swap3A_975 = tpu.vector_load %arg11[%swap3A_974] {strides = array<i32>} : memref<2048xi32, #tpu.memory_space<vmem>>, vector<16xi32>,
          tpu.vector_store %arg11[%swap3A_974], %or3A_973 {strides = array<i32>} : memref<2048xi32, #tpu.memory_space<vmem>>, vector<16xi32>,
          %mul3A_976 = arith.mulf %mul3A_917, %gather3A_903 : vector<16xf32>
          %mul3A_977 = arith.mulf %get3A_915, %mul3A_976 : vector<16xf32>
          %swap3A_978 = arith.index_cast %add3A_965 : i32 to index
          %swap3A_979 = tpu.vector_load %arg12[%swap3A_978] {strides = array<i32>} : memref<2048xf32, #tpu.memory_space<vmem>>, vector<16xf32>,
          tpu.vector_store %arg12[%swap3A_978], %mul3A_977 {strides = array<i32>} : memref<2048xf32, #tpu.memory_space<vmem>>, vector<16xf32>,
          %mul3A_980 = arith.constant 512 : i32
          %mul3A_981 = arith.muli %scan3A_153, %mul3A_980 : i32
          %add3A_982 = arith.constant 192 : i32
          %add3A_983 = arith.addi %mul3A_981, %add3A_982 : i32
          %add3A_984 = arith.constant 48 : i32
          %add3A_985 = arith.addi %add3A_983, %add3A_984 : i32
          %add3A_986 = arith.constant 48 : i32
          %add3A_987 = vector.broadcast %add3A_986 : i32 to vector<16xi32>
          %add3A_988 = arith.addi %add3A_902, %add3A_987 : vector<16xi32>
          %gather3A_989 = tpu.vector_load_idx %arg10[%add3A_988] : memref<128xi32, #tpu.memory_space<vmem>>[vector<16xi32>], vector<16xi32>,
          %shift_left3A_990 = arith.constant 2 : i32
          %shift_left3A_991 = vector.broadcast %shift_left3A_990 : i32 to vector<16xi32>
          %shift_left3A_992 = arith.shli %gather3A_989, %shift_left3A_991 : vector<16xi32>
          %or3A_993 = arith.ori %shift_left3A_992, %and3A_3 : vector<16xi32>
          %swap3A_994 = arith.index_cast %add3A_985 : i32 to index
          %swap3A_995 = tpu.vector_load %arg11[%swap3A_994] {strides = array<i32>} : memref<2048xi32, #tpu.memory_space<vmem>>, vector<16xi32>,
          tpu.vector_store %arg11[%swap3A_994], %or3A_993 {strides = array<i32>} : memref<2048xi32, #tpu.memory_space<vmem>>, vector<16xi32>,
          %mul3A_996 = arith.mulf %mul3A_917, %gather3A_904 : vector<16xf32>
          %mul3A_997 = arith.mulf %get3A_915, %mul3A_996 : vector<16xf32>
          %swap3A_998 = arith.index_cast %add3A_985 : i32 to index
          %swap3A_999 = tpu.vector_load %arg12[%swap3A_998] {strides = array<i32>} : memref<2048xf32, #tpu.memory_space<vmem>>, vector<16xf32>,
          tpu.vector_store %arg12[%swap3A_998], %mul3A_997 {strides = array<i32>} : memref<2048xf32, #tpu.memory_space<vmem>>, vector<16xf32>,
          %mul3A_1000 = arith.constant 512 : i32
          %mul3A_1001 = arith.muli %scan3A_153, %mul3A_1000 : i32
          %add3A_1002 = arith.constant 256 : i32
          %add3A_1003 = arith.addi %mul3A_1001, %add3A_1002 : i32
          %add3A_1004 = arith.constant 48 : i32
          %add3A_1005 = arith.addi %add3A_1003, %add3A_1004 : i32
          %add3A_1006 = arith.constant 64 : i32
          %add3A_1007 = vector.broadcast %add3A_1006 : i32 to vector<16xi32>
          %add3A_1008 = arith.addi %add3A_902, %add3A_1007 : vector<16xi32>
          %gather3A_1009 = tpu.vector_load_idx %arg10[%add3A_1008] : memref<128xi32, #tpu.memory_space<vmem>>[vector<16xi32>], vector<16xi32>,
          %shift_left3A_1010 = arith.constant 2 : i32
          %shift_left3A_1011 = vector.broadcast %shift_left3A_1010 : i32 to vector<16xi32>
          %shift_left3A_1012 = arith.shli %gather3A_1009, %shift_left3A_1011 : vector<16xi32>
          %or3A_1013 = arith.ori %shift_left3A_1012, %and3A_3 : vector<16xi32>
          %swap3A_1014 = arith.index_cast %add3A_1005 : i32 to index
          %swap3A_1015 = tpu.vector_load %arg11[%swap3A_1014] {strides = array<i32>} : memref<2048xi32, #tpu.memory_space<vmem>>, vector<16xi32>,
          tpu.vector_store %arg11[%swap3A_1014], %or3A_1013 {strides = array<i32>} : memref<2048xi32, #tpu.memory_space<vmem>>, vector<16xi32>,
          %mul3A_1016 = arith.mulf %mul3A_918, %gather3A_903 : vector<16xf32>
          %mul3A_1017 = arith.mulf %get3A_915, %mul3A_1016 : vector<16xf32>
          %swap3A_1018 = arith.index_cast %add3A_1005 : i32 to index
          %swap3A_1019 = tpu.vector_load %arg12[%swap3A_1018] {strides = array<i32>} : memref<2048xf32, #tpu.memory_space<vmem>>, vector<16xf32>,
          tpu.vector_store %arg12[%swap3A_1018], %mul3A_1017 {strides = array<i32>} : memref<2048xf32, #tpu.memory_space<vmem>>, vector<16xf32>,
          %mul3A_1020 = arith.constant 512 : i32
          %mul3A_1021 = arith.muli %scan3A_153, %mul3A_1020 : i32
          %add3A_1022 = arith.constant 320 : i32
          %add3A_1023 = arith.addi %mul3A_1021, %add3A_1022 : i32
          %add3A_1024 = arith.constant 48 : i32
          %add3A_1025 = arith.addi %add3A_1023, %add3A_1024 : i32
          %add3A_1026 = arith.constant 80 : i32
          %add3A_1027 = vector.broadcast %add3A_1026 : i32 to vector<16xi32>
          %add3A_1028 = arith.addi %add3A_902, %add3A_1027 : vector<16xi32>
          %gather3A_1029 = tpu.vector_load_idx %arg10[%add3A_1028] : memref<128xi32, #tpu.memory_space<vmem>>[vector<16xi32>], vector<16xi32>,
          %shift_left3A_1030 = arith.constant 2 : i32
          %shift_left3A_1031 = vector.broadcast %shift_left3A_1030 : i32 to vector<16xi32>
          %shift_left3A_1032 = arith.shli %gather3A_1029, %shift_left3A_1031 : vector<16xi32>
          %or3A_1033 = arith.ori %shift_left3A_1032, %and3A_3 : vector<16xi32>
          %swap3A_1034 = arith.index_cast %add3A_1025 : i32 to index
          %swap3A_1035 = tpu.vector_load %arg11[%swap3A_1034] {strides = array<i32>} : memref<2048xi32, #tpu.memory_space<vmem>>, vector<16xi32>,
          tpu.vector_store %arg11[%swap3A_1034], %or3A_1033 {strides = array<i32>} : memref<2048xi32, #tpu.memory_space<vmem>>, vector<16xi32>,
          %mul3A_1036 = arith.mulf %mul3A_918, %gather3A_904 : vector<16xf32>
          %mul3A_1037 = arith.mulf %get3A_915, %mul3A_1036 : vector<16xf32>
          %swap3A_1038 = arith.index_cast %add3A_1025 : i32 to index
          %swap3A_1039 = tpu.vector_load %arg12[%swap3A_1038] {strides = array<i32>} : memref<2048xf32, #tpu.memory_space<vmem>>, vector<16xf32>,
          tpu.vector_store %arg12[%swap3A_1038], %mul3A_1037 {strides = array<i32>} : memref<2048xf32, #tpu.memory_space<vmem>>, vector<16xf32>,
          %mul3A_1040 = arith.constant 512 : i32
          %mul3A_1041 = arith.muli %scan3A_153, %mul3A_1040 : i32
          %add3A_1042 = arith.constant 384 : i32
          %add3A_1043 = arith.addi %mul3A_1041, %add3A_1042 : i32
          %add3A_1044 = arith.constant 48 : i32
          %add3A_1045 = arith.addi %add3A_1043, %add3A_1044 : i32
          %add3A_1046 = arith.constant 96 : i32
          %add3A_1047 = vector.broadcast %add3A_1046 : i32 to vector<16xi32>
          %add3A_1048 = arith.addi %add3A_902, %add3A_1047 : vector<16xi32>
          %gather3A_1049 = tpu.vector_load_idx %arg10[%add3A_1048] : memref<128xi32, #tpu.memory_space<vmem>>[vector<16xi32>], vector<16xi32>,
          %shift_left3A_1050 = arith.constant 2 : i32
          %shift_left3A_1051 = vector.broadcast %shift_left3A_1050 : i32 to vector<16xi32>
          %shift_left3A_1052 = arith.shli %gather3A_1049, %shift_left3A_1051 : vector<16xi32>
          %or3A_1053 = arith.ori %shift_left3A_1052, %and3A_3 : vector<16xi32>
          %swap3A_1054 = arith.index_cast %add3A_1045 : i32 to index
          %swap3A_1055 = tpu.vector_load %arg11[%swap3A_1054] {strides = array<i32>} : memref<2048xi32, #tpu.memory_space<vmem>>, vector<16xi32>,
          tpu.vector_store %arg11[%swap3A_1054], %or3A_1053 {strides = array<i32>} : memref<2048xi32, #tpu.memory_space<vmem>>, vector<16xi32>,
          %mul3A_1056 = arith.mulf %mul3A_919, %gather3A_903 : vector<16xf32>
          %mul3A_1057 = arith.mulf %get3A_915, %mul3A_1056 : vector<16xf32>
          %swap3A_1058 = arith.index_cast %add3A_1045 : i32 to index
          %swap3A_1059 = tpu.vector_load %arg12[%swap3A_1058] {strides = array<i32>} : memref<2048xf32, #tpu.memory_space<vmem>>, vector<16xf32>,
          tpu.vector_store %arg12[%swap3A_1058], %mul3A_1057 {strides = array<i32>} : memref<2048xf32, #tpu.memory_space<vmem>>, vector<16xf32>,
          %mul3A_1060 = arith.constant 512 : i32
          %mul3A_1061 = arith.muli %scan3A_153, %mul3A_1060 : i32
          %add3A_1062 = arith.constant 448 : i32
          %add3A_1063 = arith.addi %mul3A_1061, %add3A_1062 : i32
          %add3A_1064 = arith.constant 48 : i32
          %add3A_1065 = arith.addi %add3A_1063, %add3A_1064 : i32
          %add3A_1066 = arith.constant 112 : i32
          %add3A_1067 = vector.broadcast %add3A_1066 : i32 to vector<16xi32>
          %add3A_1068 = arith.addi %add3A_902, %add3A_1067 : vector<16xi32>
          %gather3A_1069 = tpu.vector_load_idx %arg10[%add3A_1068] : memref<128xi32, #tpu.memory_space<vmem>>[vector<16xi32>], vector<16xi32>,
          %shift_left3A_1070 = arith.constant 2 : i32
          %shift_left3A_1071 = vector.broadcast %shift_left3A_1070 : i32 to vector<16xi32>
          %shift_left3A_1072 = arith.shli %gather3A_1069, %shift_left3A_1071 : vector<16xi32>
          %or3A_1073 = arith.ori %shift_left3A_1072, %and3A_3 : vector<16xi32>
          %swap3A_1074 = arith.index_cast %add3A_1065 : i32 to index
          %swap3A_1075 = tpu.vector_load %arg11[%swap3A_1074] {strides = array<i32>} : memref<2048xi32, #tpu.memory_space<vmem>>, vector<16xi32>,
          tpu.vector_store %arg11[%swap3A_1074], %or3A_1073 {strides = array<i32>} : memref<2048xi32, #tpu.memory_space<vmem>>, vector<16xi32>,
          %mul3A_1076 = arith.mulf %mul3A_919, %gather3A_904 : vector<16xf32>
          %mul3A_1077 = arith.mulf %get3A_915, %mul3A_1076 : vector<16xf32>
          %swap3A_1078 = arith.index_cast %add3A_1065 : i32 to index
          %swap3A_1079 = tpu.vector_load %arg12[%swap3A_1078] {strides = array<i32>} : memref<2048xf32, #tpu.memory_space<vmem>>, vector<16xf32>,
          tpu.vector_store %arg12[%swap3A_1078], %mul3A_1077 {strides = array<i32>} : memref<2048xf32, #tpu.memory_space<vmem>>, vector<16xf32>,
        }
        %scan3A_91 = arith.constant 4 : i32
        %dma_start3A = arith.constant 0 : i32
        %dma_start3A_92 = tpu.memref_slice %arg6[%dma_start3A] : memref<1048576xf32, #tpu.memory_space<vmem_shared>> -> memref<1048576xf32, #tpu.memory_space<vmem_shared>>
        tpu.enqueue_indirect_dma source(%arg12 : memref<2048xf32, #tpu.memory_space<vmem>>) target(%dma_start3A_92 : memref<1048576xf32, #tpu.memory_space<vmem_shared>>) offsets(%arg11 : memref<2048xi32, #tpu.memory_space<vmem>>) semaphore(%arg22 : memref<!tpu.dma_semaphore, #tpu.memory_space<semaphore_mem>>) {add = true}
        %mul3A_93 = arith.constant 2 : i32
        %mul3A_94 = arith.muli %scan3A_40, %mul3A_93 : i32
        %add3A_95 = arith.constant 1 : i32
        %add3A_96 = arith.addi %mul3A_94, %add3A_95 : i32
        %gt3A_97 = arith.constant 0 : i32
        %gt3A_98 = arith.cmpi sgt, %scan3A_29, %gt3A_97 : i32
        %gt3A_99 = arith.constant 0 : i32
        %gt3A_100 = arith.cmpi sgt, %scan3A_40, %gt3A_99 : i32
        %or3A_101 = arith.ori %gt3A_98, %gt3A_100 : i1
        %convert_element_type3A_102 = arith.extui %or3A_101 : i1 to i32
        %cond3A_103 = arith.constant 0 : i32
        %cond3A_104 = arith.cmpi ne, %convert_element_type3A_102, %cond3A_103 : i32
        scf.if %cond3A_104 {
          %dma_wait3A_153 = arith.constant 0 : i32
          %dma_wait3A_154 = tpu.memref_slice %arg6[%dma_wait3A_153] : memref<1048576xf32, #tpu.memory_space<vmem_shared>> -> memref<1048576xf32, #tpu.memory_space<vmem_shared>>
          tpu.wait_indirect_dma semaphore(%arg23 : memref<!tpu.dma_semaphore, #tpu.memory_space<semaphore_mem>>) src(%arg14 : memref<2048xf32, #tpu.memory_space<vmem>>) dst(%dma_wait3A_154 : memref<1048576xf32, #tpu.memory_space<vmem_shared>>)
        } else {
        }
        %mul3A_105 = arith.constant 6 : i32
        %mul3A_106 = arith.muli %add3A_96, %mul3A_105 : i32
        %get3A_107 = arith.index_cast %mul3A_106 : i32 to index
        %get3A_108 = tpu.vector_load %arg7[%get3A_107] {strides = array<i32>} : memref<784xf32, #tpu.memory_space<vmem>>, vector<16xf32>,
        %slice3A_109 = vector.extract_strided_slice %get3A_108 {offsets = [0], sizes = [1], strides = [1]} : vector<16xf32> to vector<1xf32>
        %squeeze3A_110 = vector.extract %slice3A_109[0] : f32 from vector<1xf32>
        %mul3A_111 = arith.constant 3.200000e+01 : f32
        %mul3A_112 = arith.mulf %squeeze3A_110, %mul3A_111 : f32
        %add3A_113 = arith.constant 3.150000e+01 : f32
        %add3A_114 = arith.addf %mul3A_112, %add3A_113 : f32
        %slice3A_115 = vector.extract_strided_slice %get3A_108 {offsets = [1], sizes = [1], strides = [1]} : vector<16xf32> to vector<1xf32>
        %squeeze3A_116 = vector.extract %slice3A_115[0] : f32 from vector<1xf32>
        %mul3A_117 = arith.constant 3.200000e+01 : f32
        %mul3A_118 = arith.mulf %squeeze3A_116, %mul3A_117 : f32
        %add3A_119 = arith.constant 3.150000e+01 : f32
        %add3A_120 = arith.addf %mul3A_118, %add3A_119 : f32
        %slice3A_121 = vector.extract_strided_slice %get3A_108 {offsets = [2], sizes = [1], strides = [1]} : vector<16xf32> to vector<1xf32>
        %squeeze3A_122 = vector.extract %slice3A_121[0] : f32 from vector<1xf32>
        %mul3A_123 = arith.constant 3.200000e+01 : f32
        %mul3A_124 = arith.mulf %squeeze3A_122, %mul3A_123 : f32
        %add3A_125 = arith.constant 3.150000e+01 : f32
        %add3A_126 = arith.addf %mul3A_124, %add3A_125 : f32
        %slice3A_127 = vector.extract_strided_slice %get3A_108 {offsets = [3], sizes = [1], strides = [1]} : vector<16xf32> to vector<1xf32>
        %squeeze3A_128 = vector.extract %slice3A_127[0] : f32 from vector<1xf32>
        %mul3A_129 = arith.constant 3.200000e+01 : f32
        %mul3A_130 = arith.mulf %squeeze3A_128, %mul3A_129 : f32
        %slice3A_131 = vector.extract_strided_slice %get3A_108 {offsets = [4], sizes = [1], strides = [1]} : vector<16xf32> to vector<1xf32>
        %squeeze3A_132 = vector.extract %slice3A_131[0] : f32 from vector<1xf32>
        %mul3A_133 = arith.constant 3.200000e+01 : f32
        %mul3A_134 = arith.mulf %squeeze3A_132, %mul3A_133 : f32
        %slice3A_135 = vector.extract_strided_slice %get3A_108 {offsets = [5], sizes = [1], strides = [1]} : vector<16xf32> to vector<1xf32>
        %squeeze3A_136 = vector.extract %slice3A_135[0] : f32 from vector<1xf32>
        %mul3A_137 = arith.constant 3.200000e+01 : f32
        %mul3A_138 = arith.mulf %squeeze3A_136, %mul3A_137 : f32
        %broadcast_in_dim3A_139 = vector.broadcast %add3A_114 : f32 to vector<16xf32>
        %broadcast_in_dim3A_140 = vector.broadcast %add3A_120 : f32 to vector<16xf32>
        %broadcast_in_dim3A_141 = vector.broadcast %add3A_126 : f32 to vector<16xf32>
        %broadcast_in_dim3A_142 = vector.broadcast %mul3A_130 : f32 to vector<16xf32>
        %broadcast_in_dim3A_143 = vector.broadcast %mul3A_134 : f32 to vector<16xf32>
        %broadcast_in_dim3A_144 = vector.broadcast %mul3A_138 : f32 to vector<16xf32>
        %scan3A_145 = arith.constant 0 : i32
        %scan3A_146 = arith.constant 0 : i32
        %scan3A_147 = arith.constant 4 : i32
        %scan3A_148 = arith.addi %scan3A_146, %scan3A_147 : i32
        %scan3A_149 = arith.constant 1 : i32
        scf.for %scan3A_153 = %scan3A_146 to %scan3A_148 step %scan3A_149  : i32 {
          %mul3A_154 = arith.constant 16 : i32
          %mul3A_155 = arith.muli %scan3A_153, %mul3A_154 : i32
          %get3A_156 = arith.index_cast %add3A_96 : i32 to index
          %get3A_157 = arith.index_cast %mul3A_155 : i32 to index
          %get3A_158 = tpu.vector_load %arg8[%get3A_156, %get3A_157] {strides = array<i32>} : memref<128x64xf32, #tpu.memory_space<vmem>>, vector<16xf32>,
          %mul3A_159 = arith.mulf %broadcast_in_dim3A_142, %get3A_158 : vector<16xf32>
          %add3A_160 = arith.addf %broadcast_in_dim3A_139, %mul3A_159 : vector<16xf32>
          %convert_element_type3A_161 = arith.fptosi %add3A_160 : vector<16xf32> to vector<16xi32>
          %convert_element_type3A_162 = arith.sitofp %convert_element_type3A_161 : vector<16xi32> to vector<16xf32>
          %gt3A_163 = arith.cmpf ogt, %convert_element_type3A_162, %add3A_160 : vector<16xf32>
          %jit3A = arith.constant 1 : i32
          %jit3A_164 = arith.constant 0 : i32
          %broadcast_in_dim3A_165 = vector.broadcast %jit3A : i32 to vector<16xi32>
          %broadcast_in_dim3A_166 = vector.broadcast %jit3A_164 : i32 to vector<16xi32>
          %select_n3A = arith.select %gt3A_163, %broadcast_in_dim3A_165, %broadcast_in_dim3A_166 : vector<16xi1>, vector<16xi32>
          %sub3A = arith.subi %convert_element_type3A_161, %select_n3A : vector<16xi32>
          %convert_element_type3A_167 = arith.sitofp %sub3A : vector<16xi32> to vector<16xf32>
          %sub3A_168 = arith.subf %add3A_160, %convert_element_type3A_167 : vector<16xf32>
          %ge3A = arith.constant 0 : i32
          %ge3A_169 = vector.broadcast %ge3A : i32 to vector<16xi32>
          %ge3A_170 = arith.cmpi sge, %sub3A, %ge3A_169 : vector<16xi32>
          %le3A = arith.constant 63 : i32
          %le3A_171 = vector.broadcast %le3A : i32 to vector<16xi32>
          %le3A_172 = arith.cmpi sle, %sub3A, %le3A_171 : vector<16xi32>
          %and3A_173 = arith.andi %ge3A_170, %le3A_172 : vector<16xi1>
          %ge3A_174 = arith.constant -1 : i32
          %ge3A_175 = vector.broadcast %ge3A_174 : i32 to vector<16xi32>
          %ge3A_176 = arith.cmpi sge, %sub3A, %ge3A_175 : vector<16xi32>
          %le3A_177 = arith.constant 62 : i32
          %le3A_178 = vector.broadcast %le3A_177 : i32 to vector<16xi32>
          %le3A_179 = arith.cmpi sle, %sub3A, %le3A_178 : vector<16xi32>
          %and3A_180 = arith.andi %ge3A_176, %le3A_179 : vector<16xi1>
          %sub3A_181 = arith.constant 1.000000e+00 : f32
          %sub3A_182 = vector.broadcast %sub3A_181 : f32 to vector<16xf32>
          %sub3A_183 = arith.subf %sub3A_182, %sub3A_168 : vector<16xf32>
          %jit3A_184 = arith.constant 0.000000e+00 : f32
          %broadcast_in_dim3A_185 = vector.broadcast %jit3A_184 : f32 to vector<16xf32>
          %select_n3A_186 = arith.select %and3A_173, %sub3A_183, %broadcast_in_dim3A_185 : vector<16xi1>, vector<16xf32>
          %jit3A_187 = arith.constant 0.000000e+00 : f32
          %broadcast_in_dim3A_188 = vector.broadcast %jit3A_187 : f32 to vector<16xf32>
          %select_n3A_189 = arith.select %and3A_180, %sub3A_168, %broadcast_in_dim3A_188 : vector<16xi1>, vector<16xf32>
          %max3A = arith.constant 0 : i32
          %max3A_190 = vector.broadcast %max3A : i32 to vector<16xi32>
          %max3A_191 = arith.maxsi %sub3A, %max3A_190 : vector<16xi32>
          %min3A = arith.constant 63 : i32
          %min3A_192 = vector.broadcast %min3A : i32 to vector<16xi32>
          %min3A_193 = arith.minsi %max3A_191, %min3A_192 : vector<16xi32>
          %mul3A_194 = arith.constant 1 : i32
          %mul3A_195 = vector.broadcast %mul3A_194 : i32 to vector<16xi32>
          %mul3A_196 = arith.muli %min3A_193, %mul3A_195 : vector<16xi32>
          %add3A_197 = arith.constant 1 : i32
          %add3A_198 = vector.broadcast %add3A_197 : i32 to vector<16xi32>
          %add3A_199 = arith.addi %sub3A, %add3A_198 : vector<16xi32>
          %max3A_200 = arith.constant 0 : i32
          %max3A_201 = vector.broadcast %max3A_200 : i32 to vector<16xi32>
          %max3A_202 = arith.maxsi %add3A_199, %max3A_201 : vector<16xi32>
          %min3A_203 = arith.constant 63 : i32
          %min3A_204 = vector.broadcast %min3A_203 : i32 to vector<16xi32>
          %min3A_205 = arith.minsi %max3A_202, %min3A_204 : vector<16xi32>
          %mul3A_206 = arith.constant 1 : i32
          %mul3A_207 = vector.broadcast %mul3A_206 : i32 to vector<16xi32>
          %mul3A_208 = arith.muli %min3A_205, %mul3A_207 : vector<16xi32>
          %mul3A_209 = arith.mulf %broadcast_in_dim3A_143, %get3A_158 : vector<16xf32>
          %add3A_210 = arith.addf %broadcast_in_dim3A_140, %mul3A_209 : vector<16xf32>
          %convert_element_type3A_211 = arith.fptosi %add3A_210 : vector<16xf32> to vector<16xi32>
          %convert_element_type3A_212 = arith.sitofp %convert_element_type3A_211 : vector<16xi32> to vector<16xf32>
          %gt3A_213 = arith.cmpf ogt, %convert_element_type3A_212, %add3A_210 : vector<16xf32>
          %jit3A_214 = arith.constant 1 : i32
          %jit3A_215 = arith.constant 0 : i32
          %broadcast_in_dim3A_216 = vector.broadcast %jit3A_214 : i32 to vector<16xi32>
          %broadcast_in_dim3A_217 = vector.broadcast %jit3A_215 : i32 to vector<16xi32>
          %select_n3A_218 = arith.select %gt3A_213, %broadcast_in_dim3A_216, %broadcast_in_dim3A_217 : vector<16xi1>, vector<16xi32>
          %sub3A_219 = arith.subi %convert_element_type3A_211, %select_n3A_218 : vector<16xi32>
          %convert_element_type3A_220 = arith.sitofp %sub3A_219 : vector<16xi32> to vector<16xf32>
          %sub3A_221 = arith.subf %add3A_210, %convert_element_type3A_220 : vector<16xf32>
          %ge3A_222 = arith.constant 0 : i32
          %ge3A_223 = vector.broadcast %ge3A_222 : i32 to vector<16xi32>
          %ge3A_224 = arith.cmpi sge, %sub3A_219, %ge3A_223 : vector<16xi32>
          %le3A_225 = arith.constant 63 : i32
          %le3A_226 = vector.broadcast %le3A_225 : i32 to vector<16xi32>
          %le3A_227 = arith.cmpi sle, %sub3A_219, %le3A_226 : vector<16xi32>
          %and3A_228 = arith.andi %ge3A_224, %le3A_227 : vector<16xi1>
          %ge3A_229 = arith.constant -1 : i32
          %ge3A_230 = vector.broadcast %ge3A_229 : i32 to vector<16xi32>
          %ge3A_231 = arith.cmpi sge, %sub3A_219, %ge3A_230 : vector<16xi32>
          %le3A_232 = arith.constant 62 : i32
          %le3A_233 = vector.broadcast %le3A_232 : i32 to vector<16xi32>
          %le3A_234 = arith.cmpi sle, %sub3A_219, %le3A_233 : vector<16xi32>
          %and3A_235 = arith.andi %ge3A_231, %le3A_234 : vector<16xi1>
          %sub3A_236 = arith.constant 1.000000e+00 : f32
          %sub3A_237 = vector.broadcast %sub3A_236 : f32 to vector<16xf32>
          %sub3A_238 = arith.subf %sub3A_237, %sub3A_221 : vector<16xf32>
          %jit3A_239 = arith.constant 0.000000e+00 : f32
          %broadcast_in_dim3A_240 = vector.broadcast %jit3A_239 : f32 to vector<16xf32>
          %select_n3A_241 = arith.select %and3A_228, %sub3A_238, %broadcast_in_dim3A_240 : vector<16xi1>, vector<16xf32>
          %jit3A_242 = arith.constant 0.000000e+00 : f32
          %broadcast_in_dim3A_243 = vector.broadcast %jit3A_242 : f32 to vector<16xf32>
          %select_n3A_244 = arith.select %and3A_235, %sub3A_221, %broadcast_in_dim3A_243 : vector<16xi1>, vector<16xf32>
          %max3A_245 = arith.constant 0 : i32
          %max3A_246 = vector.broadcast %max3A_245 : i32 to vector<16xi32>
          %max3A_247 = arith.maxsi %sub3A_219, %max3A_246 : vector<16xi32>
          %min3A_248 = arith.constant 63 : i32
          %min3A_249 = vector.broadcast %min3A_248 : i32 to vector<16xi32>
          %min3A_250 = arith.minsi %max3A_247, %min3A_249 : vector<16xi32>
          %mul3A_251 = arith.constant 64 : i32
          %mul3A_252 = vector.broadcast %mul3A_251 : i32 to vector<16xi32>
          %mul3A_253 = arith.muli %min3A_250, %mul3A_252 : vector<16xi32>
          %add3A_254 = arith.constant 1 : i32
          %add3A_255 = vector.broadcast %add3A_254 : i32 to vector<16xi32>
          %add3A_256 = arith.addi %sub3A_219, %add3A_255 : vector<16xi32>
          %max3A_257 = arith.constant 0 : i32
          %max3A_258 = vector.broadcast %max3A_257 : i32 to vector<16xi32>
          %max3A_259 = arith.maxsi %add3A_256, %max3A_258 : vector<16xi32>
          %min3A_260 = arith.constant 63 : i32
          %min3A_261 = vector.broadcast %min3A_260 : i32 to vector<16xi32>
          %min3A_262 = arith.minsi %max3A_259, %min3A_261 : vector<16xi32>
          %mul3A_263 = arith.constant 64 : i32
          %mul3A_264 = vector.broadcast %mul3A_263 : i32 to vector<16xi32>
          %mul3A_265 = arith.muli %min3A_262, %mul3A_264 : vector<16xi32>
          %mul3A_266 = arith.mulf %broadcast_in_dim3A_144, %get3A_158 : vector<16xf32>
          %add3A_267 = arith.addf %broadcast_in_dim3A_141, %mul3A_266 : vector<16xf32>
          %convert_element_type3A_268 = arith.fptosi %add3A_267 : vector<16xf32> to vector<16xi32>
          %convert_element_type3A_269 = arith.sitofp %convert_element_type3A_268 : vector<16xi32> to vector<16xf32>
          %gt3A_270 = arith.cmpf ogt, %convert_element_type3A_269, %add3A_267 : vector<16xf32>
          %jit3A_271 = arith.constant 1 : i32
          %jit3A_272 = arith.constant 0 : i32
          %broadcast_in_dim3A_273 = vector.broadcast %jit3A_271 : i32 to vector<16xi32>
          %broadcast_in_dim3A_274 = vector.broadcast %jit3A_272 : i32 to vector<16xi32>
          %select_n3A_275 = arith.select %gt3A_270, %broadcast_in_dim3A_273, %broadcast_in_dim3A_274 : vector<16xi1>, vector<16xi32>
          %sub3A_276 = arith.subi %convert_element_type3A_268, %select_n3A_275 : vector<16xi32>
          %convert_element_type3A_277 = arith.sitofp %sub3A_276 : vector<16xi32> to vector<16xf32>
          %sub3A_278 = arith.subf %add3A_267, %convert_element_type3A_277 : vector<16xf32>
          %ge3A_279 = arith.constant 0 : i32
          %ge3A_280 = vector.broadcast %ge3A_279 : i32 to vector<16xi32>
          %ge3A_281 = arith.cmpi sge, %sub3A_276, %ge3A_280 : vector<16xi32>
          %le3A_282 = arith.constant 63 : i32
          %le3A_283 = vector.broadcast %le3A_282 : i32 to vector<16xi32>
          %le3A_284 = arith.cmpi sle, %sub3A_276, %le3A_283 : vector<16xi32>
          %and3A_285 = arith.andi %ge3A_281, %le3A_284 : vector<16xi1>
          %ge3A_286 = arith.constant -1 : i32
          %ge3A_287 = vector.broadcast %ge3A_286 : i32 to vector<16xi32>
          %ge3A_288 = arith.cmpi sge, %sub3A_276, %ge3A_287 : vector<16xi32>
          %le3A_289 = arith.constant 62 : i32
          %le3A_290 = vector.broadcast %le3A_289 : i32 to vector<16xi32>
          %le3A_291 = arith.cmpi sle, %sub3A_276, %le3A_290 : vector<16xi32>
          %and3A_292 = arith.andi %ge3A_288, %le3A_291 : vector<16xi1>
          %sub3A_293 = arith.constant 1.000000e+00 : f32
          %sub3A_294 = vector.broadcast %sub3A_293 : f32 to vector<16xf32>
          %sub3A_295 = arith.subf %sub3A_294, %sub3A_278 : vector<16xf32>
          %jit3A_296 = arith.constant 0.000000e+00 : f32
          %broadcast_in_dim3A_297 = vector.broadcast %jit3A_296 : f32 to vector<16xf32>
          %select_n3A_298 = arith.select %and3A_285, %sub3A_295, %broadcast_in_dim3A_297 : vector<16xi1>, vector<16xf32>
          %jit3A_299 = arith.constant 0.000000e+00 : f32
          %broadcast_in_dim3A_300 = vector.broadcast %jit3A_299 : f32 to vector<16xf32>
          %select_n3A_301 = arith.select %and3A_292, %sub3A_278, %broadcast_in_dim3A_300 : vector<16xi1>, vector<16xf32>
          %max3A_302 = arith.constant 0 : i32
          %max3A_303 = vector.broadcast %max3A_302 : i32 to vector<16xi32>
          %max3A_304 = arith.maxsi %sub3A_276, %max3A_303 : vector<16xi32>
          %min3A_305 = arith.constant 63 : i32
          %min3A_306 = vector.broadcast %min3A_305 : i32 to vector<16xi32>
          %min3A_307 = arith.minsi %max3A_304, %min3A_306 : vector<16xi32>
          %mul3A_308 = arith.constant 4096 : i32
          %mul3A_309 = vector.broadcast %mul3A_308 : i32 to vector<16xi32>
          %mul3A_310 = arith.muli %min3A_307, %mul3A_309 : vector<16xi32>
          %add3A_311 = arith.constant 1 : i32
          %add3A_312 = vector.broadcast %add3A_311 : i32 to vector<16xi32>
          %add3A_313 = arith.addi %sub3A_276, %add3A_312 : vector<16xi32>
          %max3A_314 = arith.constant 0 : i32
          %max3A_315 = vector.broadcast %max3A_314 : i32 to vector<16xi32>
          %max3A_316 = arith.maxsi %add3A_313, %max3A_315 : vector<16xi32>
          %min3A_317 = arith.constant 63 : i32
          %min3A_318 = vector.broadcast %min3A_317 : i32 to vector<16xi32>
          %min3A_319 = arith.minsi %max3A_316, %min3A_318 : vector<16xi32>
          %mul3A_320 = arith.constant 4096 : i32
          %mul3A_321 = vector.broadcast %mul3A_320 : i32 to vector<16xi32>
          %mul3A_322 = arith.muli %min3A_319, %mul3A_321 : vector<16xi32>
          %swap3A = arith.constant 0 : index
          %swap3A_323 = tpu.vector_load %arg16[%swap3A] {strides = array<i32>} : memref<16xf32, #tpu.memory_space<vmem>>, vector<16xf32>,
          tpu.vector_store %arg16[%swap3A], %select_n3A_186 {strides = array<i32>} : memref<16xf32, #tpu.memory_space<vmem>>, vector<16xf32>,
          %swap3A_324 = arith.constant 0 : index
          %swap3A_325 = tpu.vector_load %arg17[%swap3A_324] {strides = array<i32>} : memref<16xf32, #tpu.memory_space<vmem>>, vector<16xf32>,
          tpu.vector_store %arg17[%swap3A_324], %select_n3A_189 {strides = array<i32>} : memref<16xf32, #tpu.memory_space<vmem>>, vector<16xf32>,
          %swap3A_326 = arith.constant 0 : index
          %swap3A_327 = tpu.vector_load %arg18[%swap3A_326] {strides = array<i32>} : memref<16xf32, #tpu.memory_space<vmem>>, vector<16xf32>,
          tpu.vector_store %arg18[%swap3A_326], %select_n3A_241 {strides = array<i32>} : memref<16xf32, #tpu.memory_space<vmem>>, vector<16xf32>,
          %swap3A_328 = arith.constant 0 : index
          %swap3A_329 = tpu.vector_load %arg19[%swap3A_328] {strides = array<i32>} : memref<16xf32, #tpu.memory_space<vmem>>, vector<16xf32>,
          tpu.vector_store %arg19[%swap3A_328], %select_n3A_244 {strides = array<i32>} : memref<16xf32, #tpu.memory_space<vmem>>, vector<16xf32>,
          %swap3A_330 = arith.constant 0 : index
          %swap3A_331 = tpu.vector_load %arg20[%swap3A_330] {strides = array<i32>} : memref<16xf32, #tpu.memory_space<vmem>>, vector<16xf32>,
          tpu.vector_store %arg20[%swap3A_330], %select_n3A_298 {strides = array<i32>} : memref<16xf32, #tpu.memory_space<vmem>>, vector<16xf32>,
          %swap3A_332 = arith.constant 0 : index
          %swap3A_333 = tpu.vector_load %arg21[%swap3A_332] {strides = array<i32>} : memref<16xf32, #tpu.memory_space<vmem>>, vector<16xf32>,
          tpu.vector_store %arg21[%swap3A_332], %select_n3A_301 {strides = array<i32>} : memref<16xf32, #tpu.memory_space<vmem>>, vector<16xf32>,
          %add3A_334 = arith.addi %mul3A_310, %mul3A_253 : vector<16xi32>
          %add3A_335 = arith.addi %mul3A_310, %mul3A_265 : vector<16xi32>
          %add3A_336 = arith.addi %mul3A_322, %mul3A_253 : vector<16xi32>
          %add3A_337 = arith.addi %mul3A_322, %mul3A_265 : vector<16xi32>
          %add3A_338 = arith.addi %add3A_334, %mul3A_196 : vector<16xi32>
          %swap3A_339 = arith.constant 0 : index
          %swap3A_340 = tpu.vector_load %arg10[%swap3A_339] {strides = array<i32>} : memref<128xi32, #tpu.memory_space<vmem>>, vector<16xi32>,
          tpu.vector_store %arg10[%swap3A_339], %add3A_338 {strides = array<i32>} : memref<128xi32, #tpu.memory_space<vmem>>, vector<16xi32>,
          %add3A_341 = arith.addi %add3A_334, %mul3A_208 : vector<16xi32>
          %swap3A_342 = arith.constant 16 : index
          %swap3A_343 = tpu.vector_load %arg10[%swap3A_342] {strides = array<i32>} : memref<128xi32, #tpu.memory_space<vmem>>, vector<16xi32>,
          tpu.vector_store %arg10[%swap3A_342], %add3A_341 {strides = array<i32>} : memref<128xi32, #tpu.memory_space<vmem>>, vector<16xi32>,
          %add3A_344 = arith.addi %add3A_335, %mul3A_196 : vector<16xi32>
          %swap3A_345 = arith.constant 32 : index
          %swap3A_346 = tpu.vector_load %arg10[%swap3A_345] {strides = array<i32>} : memref<128xi32, #tpu.memory_space<vmem>>, vector<16xi32>,
          tpu.vector_store %arg10[%swap3A_345], %add3A_344 {strides = array<i32>} : memref<128xi32, #tpu.memory_space<vmem>>, vector<16xi32>,
          %add3A_347 = arith.addi %add3A_335, %mul3A_208 : vector<16xi32>
          %swap3A_348 = arith.constant 48 : index
          %swap3A_349 = tpu.vector_load %arg10[%swap3A_348] {strides = array<i32>} : memref<128xi32, #tpu.memory_space<vmem>>, vector<16xi32>,
          tpu.vector_store %arg10[%swap3A_348], %add3A_347 {strides = array<i32>} : memref<128xi32, #tpu.memory_space<vmem>>, vector<16xi32>,
          %add3A_350 = arith.addi %add3A_336, %mul3A_196 : vector<16xi32>
          %swap3A_351 = arith.constant 64 : index
          %swap3A_352 = tpu.vector_load %arg10[%swap3A_351] {strides = array<i32>} : memref<128xi32, #tpu.memory_space<vmem>>, vector<16xi32>,
          tpu.vector_store %arg10[%swap3A_351], %add3A_350 {strides = array<i32>} : memref<128xi32, #tpu.memory_space<vmem>>, vector<16xi32>,
          %add3A_353 = arith.addi %add3A_336, %mul3A_208 : vector<16xi32>
          %swap3A_354 = arith.constant 80 : index
          %swap3A_355 = tpu.vector_load %arg10[%swap3A_354] {strides = array<i32>} : memref<128xi32, #tpu.memory_space<vmem>>, vector<16xi32>,
          tpu.vector_store %arg10[%swap3A_354], %add3A_353 {strides = array<i32>} : memref<128xi32, #tpu.memory_space<vmem>>, vector<16xi32>,
          %add3A_356 = arith.addi %add3A_337, %mul3A_196 : vector<16xi32>
          %swap3A_357 = arith.constant 96 : index
          %swap3A_358 = tpu.vector_load %arg10[%swap3A_357] {strides = array<i32>} : memref<128xi32, #tpu.memory_space<vmem>>, vector<16xi32>,
          tpu.vector_store %arg10[%swap3A_357], %add3A_356 {strides = array<i32>} : memref<128xi32, #tpu.memory_space<vmem>>, vector<16xi32>,
          %add3A_359 = arith.addi %add3A_337, %mul3A_208 : vector<16xi32>
          %swap3A_360 = arith.constant 112 : index
          %swap3A_361 = tpu.vector_load %arg10[%swap3A_360] {strides = array<i32>} : memref<128xi32, #tpu.memory_space<vmem>>, vector<16xi32>,
          tpu.vector_store %arg10[%swap3A_360], %add3A_359 {strides = array<i32>} : memref<128xi32, #tpu.memory_space<vmem>>, vector<16xi32>,
          %add3A_362 = arith.constant 0 : i32
          %add3A_363 = vector.broadcast %add3A_362 : i32 to vector<16xi32>
          %add3A_364 = arith.addi %shift_right_arithmetic3A_1, %add3A_363 : vector<16xi32>
          %gather3A = tpu.vector_load_idx %arg16[%add3A_364] : memref<16xf32, #tpu.memory_space<vmem>>[vector<16xi32>], vector<16xf32>,
          %gather3A_365 = tpu.vector_load_idx %arg17[%add3A_364] : memref<16xf32, #tpu.memory_space<vmem>>[vector<16xi32>], vector<16xf32>,
          %gather3A_366 = tpu.vector_load_idx %arg18[%add3A_364] : memref<16xf32, #tpu.memory_space<vmem>>[vector<16xi32>], vector<16xf32>,
          %gather3A_367 = tpu.vector_load_idx %arg19[%add3A_364] : memref<16xf32, #tpu.memory_space<vmem>>[vector<16xi32>], vector<16xf32>,
          %gather3A_368 = tpu.vector_load_idx %arg20[%add3A_364] : memref<16xf32, #tpu.memory_space<vmem>>[vector<16xi32>], vector<16xf32>,
          %gather3A_369 = tpu.vector_load_idx %arg21[%add3A_364] : memref<16xf32, #tpu.memory_space<vmem>>[vector<16xi32>], vector<16xf32>,
          %mul3A_370 = arith.constant 64 : i32
          %mul3A_371 = arith.muli %scan3A_153, %mul3A_370 : i32
          %add3A_372 = arith.constant 0 : i32
          %add3A_373 = arith.addi %mul3A_371, %add3A_372 : i32
          %get3A_374 = arith.index_cast %add3A_96 : i32 to index
          %get3A_375 = arith.index_cast %add3A_373 : i32 to index
          %get3A_376 = tpu.vector_load %arg9[%get3A_374, %get3A_375] {strides = array<i32>} : memref<128x256xf32, #tpu.memory_space<vmem>>, vector<16xf32>,
          %mul3A_377 = arith.mulf %gather3A_368, %gather3A_366 : vector<16xf32>
          %mul3A_378 = arith.mulf %gather3A_368, %gather3A_367 : vector<16xf32>
          %mul3A_379 = arith.mulf %gather3A_369, %gather3A_366 : vector<16xf32>
          %mul3A_380 = arith.mulf %gather3A_369, %gather3A_367 : vector<16xf32>
          %mul3A_381 = arith.constant 512 : i32
          %mul3A_382 = arith.muli %scan3A_153, %mul3A_381 : i32
          %add3A_383 = arith.constant 0 : i32
          %add3A_384 = arith.addi %mul3A_382, %add3A_383 : i32
          %add3A_385 = arith.constant 0 : i32
          %add3A_386 = arith.addi %add3A_384, %add3A_385 : i32
          %add3A_387 = arith.constant 0 : i32
          %add3A_388 = vector.broadcast %add3A_387 : i32 to vector<16xi32>
          %add3A_389 = arith.addi %add3A_364, %add3A_388 : vector<16xi32>
          %gather3A_390 = tpu.vector_load_idx %arg10[%add3A_389] : memref<128xi32, #tpu.memory_space<vmem>>[vector<16xi32>], vector<16xi32>,
          %shift_left3A = arith.constant 2 : i32
          %shift_left3A_391 = vector.broadcast %shift_left3A : i32 to vector<16xi32>
          %shift_left3A_392 = arith.shli %gather3A_390, %shift_left3A_391 : vector<16xi32>
          %or3A_393 = arith.ori %shift_left3A_392, %and3A_3 : vector<16xi32>
          %swap3A_394 = arith.index_cast %add3A_386 : i32 to index
          %swap3A_395 = tpu.vector_load %arg13[%swap3A_394] {strides = array<i32>} : memref<2048xi32, #tpu.memory_space<vmem>>, vector<16xi32>,
          tpu.vector_store %arg13[%swap3A_394], %or3A_393 {strides = array<i32>} : memref<2048xi32, #tpu.memory_space<vmem>>, vector<16xi32>,
          %mul3A_396 = arith.mulf %mul3A_377, %gather3A : vector<16xf32>
          %mul3A_397 = arith.mulf %get3A_376, %mul3A_396 : vector<16xf32>
          %swap3A_398 = arith.index_cast %add3A_386 : i32 to index
          %swap3A_399 = tpu.vector_load %arg14[%swap3A_398] {strides = array<i32>} : memref<2048xf32, #tpu.memory_space<vmem>>, vector<16xf32>,
          tpu.vector_store %arg14[%swap3A_398], %mul3A_397 {strides = array<i32>} : memref<2048xf32, #tpu.memory_space<vmem>>, vector<16xf32>,
          %mul3A_400 = arith.constant 512 : i32
          %mul3A_401 = arith.muli %scan3A_153, %mul3A_400 : i32
          %add3A_402 = arith.constant 64 : i32
          %add3A_403 = arith.addi %mul3A_401, %add3A_402 : i32
          %add3A_404 = arith.constant 0 : i32
          %add3A_405 = arith.addi %add3A_403, %add3A_404 : i32
          %add3A_406 = arith.constant 16 : i32
          %add3A_407 = vector.broadcast %add3A_406 : i32 to vector<16xi32>
          %add3A_408 = arith.addi %add3A_364, %add3A_407 : vector<16xi32>
          %gather3A_409 = tpu.vector_load_idx %arg10[%add3A_408] : memref<128xi32, #tpu.memory_space<vmem>>[vector<16xi32>], vector<16xi32>,
          %shift_left3A_410 = arith.constant 2 : i32
          %shift_left3A_411 = vector.broadcast %shift_left3A_410 : i32 to vector<16xi32>
          %shift_left3A_412 = arith.shli %gather3A_409, %shift_left3A_411 : vector<16xi32>
          %or3A_413 = arith.ori %shift_left3A_412, %and3A_3 : vector<16xi32>
          %swap3A_414 = arith.index_cast %add3A_405 : i32 to index
          %swap3A_415 = tpu.vector_load %arg13[%swap3A_414] {strides = array<i32>} : memref<2048xi32, #tpu.memory_space<vmem>>, vector<16xi32>,
          tpu.vector_store %arg13[%swap3A_414], %or3A_413 {strides = array<i32>} : memref<2048xi32, #tpu.memory_space<vmem>>, vector<16xi32>,
          %mul3A_416 = arith.mulf %mul3A_377, %gather3A_365 : vector<16xf32>
          %mul3A_417 = arith.mulf %get3A_376, %mul3A_416 : vector<16xf32>
          %swap3A_418 = arith.index_cast %add3A_405 : i32 to index
          %swap3A_419 = tpu.vector_load %arg14[%swap3A_418] {strides = array<i32>} : memref<2048xf32, #tpu.memory_space<vmem>>, vector<16xf32>,
          tpu.vector_store %arg14[%swap3A_418], %mul3A_417 {strides = array<i32>} : memref<2048xf32, #tpu.memory_space<vmem>>, vector<16xf32>,
          %mul3A_420 = arith.constant 512 : i32
          %mul3A_421 = arith.muli %scan3A_153, %mul3A_420 : i32
          %add3A_422 = arith.constant 128 : i32
          %add3A_423 = arith.addi %mul3A_421, %add3A_422 : i32
          %add3A_424 = arith.constant 0 : i32
          %add3A_425 = arith.addi %add3A_423, %add3A_424 : i32
          %add3A_426 = arith.constant 32 : i32
          %add3A_427 = vector.broadcast %add3A_426 : i32 to vector<16xi32>
          %add3A_428 = arith.addi %add3A_364, %add3A_427 : vector<16xi32>
          %gather3A_429 = tpu.vector_load_idx %arg10[%add3A_428] : memref<128xi32, #tpu.memory_space<vmem>>[vector<16xi32>], vector<16xi32>,
          %shift_left3A_430 = arith.constant 2 : i32
          %shift_left3A_431 = vector.broadcast %shift_left3A_430 : i32 to vector<16xi32>
          %shift_left3A_432 = arith.shli %gather3A_429, %shift_left3A_431 : vector<16xi32>
          %or3A_433 = arith.ori %shift_left3A_432, %and3A_3 : vector<16xi32>
          %swap3A_434 = arith.index_cast %add3A_425 : i32 to index
          %swap3A_435 = tpu.vector_load %arg13[%swap3A_434] {strides = array<i32>} : memref<2048xi32, #tpu.memory_space<vmem>>, vector<16xi32>,
          tpu.vector_store %arg13[%swap3A_434], %or3A_433 {strides = array<i32>} : memref<2048xi32, #tpu.memory_space<vmem>>, vector<16xi32>,
          %mul3A_436 = arith.mulf %mul3A_378, %gather3A : vector<16xf32>
          %mul3A_437 = arith.mulf %get3A_376, %mul3A_436 : vector<16xf32>
          %swap3A_438 = arith.index_cast %add3A_425 : i32 to index
          %swap3A_439 = tpu.vector_load %arg14[%swap3A_438] {strides = array<i32>} : memref<2048xf32, #tpu.memory_space<vmem>>, vector<16xf32>,
          tpu.vector_store %arg14[%swap3A_438], %mul3A_437 {strides = array<i32>} : memref<2048xf32, #tpu.memory_space<vmem>>, vector<16xf32>,
          %mul3A_440 = arith.constant 512 : i32
          %mul3A_441 = arith.muli %scan3A_153, %mul3A_440 : i32
          %add3A_442 = arith.constant 192 : i32
          %add3A_443 = arith.addi %mul3A_441, %add3A_442 : i32
          %add3A_444 = arith.constant 0 : i32
          %add3A_445 = arith.addi %add3A_443, %add3A_444 : i32
          %add3A_446 = arith.constant 48 : i32
          %add3A_447 = vector.broadcast %add3A_446 : i32 to vector<16xi32>
          %add3A_448 = arith.addi %add3A_364, %add3A_447 : vector<16xi32>
          %gather3A_449 = tpu.vector_load_idx %arg10[%add3A_448] : memref<128xi32, #tpu.memory_space<vmem>>[vector<16xi32>], vector<16xi32>,
          %shift_left3A_450 = arith.constant 2 : i32
          %shift_left3A_451 = vector.broadcast %shift_left3A_450 : i32 to vector<16xi32>
          %shift_left3A_452 = arith.shli %gather3A_449, %shift_left3A_451 : vector<16xi32>
          %or3A_453 = arith.ori %shift_left3A_452, %and3A_3 : vector<16xi32>
          %swap3A_454 = arith.index_cast %add3A_445 : i32 to index
          %swap3A_455 = tpu.vector_load %arg13[%swap3A_454] {strides = array<i32>} : memref<2048xi32, #tpu.memory_space<vmem>>, vector<16xi32>,
          tpu.vector_store %arg13[%swap3A_454], %or3A_453 {strides = array<i32>} : memref<2048xi32, #tpu.memory_space<vmem>>, vector<16xi32>,
          %mul3A_456 = arith.mulf %mul3A_378, %gather3A_365 : vector<16xf32>
          %mul3A_457 = arith.mulf %get3A_376, %mul3A_456 : vector<16xf32>
          %swap3A_458 = arith.index_cast %add3A_445 : i32 to index
          %swap3A_459 = tpu.vector_load %arg14[%swap3A_458] {strides = array<i32>} : memref<2048xf32, #tpu.memory_space<vmem>>, vector<16xf32>,
          tpu.vector_store %arg14[%swap3A_458], %mul3A_457 {strides = array<i32>} : memref<2048xf32, #tpu.memory_space<vmem>>, vector<16xf32>,
          %mul3A_460 = arith.constant 512 : i32
          %mul3A_461 = arith.muli %scan3A_153, %mul3A_460 : i32
          %add3A_462 = arith.constant 256 : i32
          %add3A_463 = arith.addi %mul3A_461, %add3A_462 : i32
          %add3A_464 = arith.constant 0 : i32
          %add3A_465 = arith.addi %add3A_463, %add3A_464 : i32
          %add3A_466 = arith.constant 64 : i32
          %add3A_467 = vector.broadcast %add3A_466 : i32 to vector<16xi32>
          %add3A_468 = arith.addi %add3A_364, %add3A_467 : vector<16xi32>
          %gather3A_469 = tpu.vector_load_idx %arg10[%add3A_468] : memref<128xi32, #tpu.memory_space<vmem>>[vector<16xi32>], vector<16xi32>,
          %shift_left3A_470 = arith.constant 2 : i32
          %shift_left3A_471 = vector.broadcast %shift_left3A_470 : i32 to vector<16xi32>
          %shift_left3A_472 = arith.shli %gather3A_469, %shift_left3A_471 : vector<16xi32>
          %or3A_473 = arith.ori %shift_left3A_472, %and3A_3 : vector<16xi32>
          %swap3A_474 = arith.index_cast %add3A_465 : i32 to index
          %swap3A_475 = tpu.vector_load %arg13[%swap3A_474] {strides = array<i32>} : memref<2048xi32, #tpu.memory_space<vmem>>, vector<16xi32>,
          tpu.vector_store %arg13[%swap3A_474], %or3A_473 {strides = array<i32>} : memref<2048xi32, #tpu.memory_space<vmem>>, vector<16xi32>,
          %mul3A_476 = arith.mulf %mul3A_379, %gather3A : vector<16xf32>
          %mul3A_477 = arith.mulf %get3A_376, %mul3A_476 : vector<16xf32>
          %swap3A_478 = arith.index_cast %add3A_465 : i32 to index
          %swap3A_479 = tpu.vector_load %arg14[%swap3A_478] {strides = array<i32>} : memref<2048xf32, #tpu.memory_space<vmem>>, vector<16xf32>,
          tpu.vector_store %arg14[%swap3A_478], %mul3A_477 {strides = array<i32>} : memref<2048xf32, #tpu.memory_space<vmem>>, vector<16xf32>,
          %mul3A_480 = arith.constant 512 : i32
          %mul3A_481 = arith.muli %scan3A_153, %mul3A_480 : i32
          %add3A_482 = arith.constant 320 : i32
          %add3A_483 = arith.addi %mul3A_481, %add3A_482 : i32
          %add3A_484 = arith.constant 0 : i32
          %add3A_485 = arith.addi %add3A_483, %add3A_484 : i32
          %add3A_486 = arith.constant 80 : i32
          %add3A_487 = vector.broadcast %add3A_486 : i32 to vector<16xi32>
          %add3A_488 = arith.addi %add3A_364, %add3A_487 : vector<16xi32>
          %gather3A_489 = tpu.vector_load_idx %arg10[%add3A_488] : memref<128xi32, #tpu.memory_space<vmem>>[vector<16xi32>], vector<16xi32>,
          %shift_left3A_490 = arith.constant 2 : i32
          %shift_left3A_491 = vector.broadcast %shift_left3A_490 : i32 to vector<16xi32>
          %shift_left3A_492 = arith.shli %gather3A_489, %shift_left3A_491 : vector<16xi32>
          %or3A_493 = arith.ori %shift_left3A_492, %and3A_3 : vector<16xi32>
          %swap3A_494 = arith.index_cast %add3A_485 : i32 to index
          %swap3A_495 = tpu.vector_load %arg13[%swap3A_494] {strides = array<i32>} : memref<2048xi32, #tpu.memory_space<vmem>>, vector<16xi32>,
          tpu.vector_store %arg13[%swap3A_494], %or3A_493 {strides = array<i32>} : memref<2048xi32, #tpu.memory_space<vmem>>, vector<16xi32>,
          %mul3A_496 = arith.mulf %mul3A_379, %gather3A_365 : vector<16xf32>
          %mul3A_497 = arith.mulf %get3A_376, %mul3A_496 : vector<16xf32>
          %swap3A_498 = arith.index_cast %add3A_485 : i32 to index
          %swap3A_499 = tpu.vector_load %arg14[%swap3A_498] {strides = array<i32>} : memref<2048xf32, #tpu.memory_space<vmem>>, vector<16xf32>,
          tpu.vector_store %arg14[%swap3A_498], %mul3A_497 {strides = array<i32>} : memref<2048xf32, #tpu.memory_space<vmem>>, vector<16xf32>,
          %mul3A_500 = arith.constant 512 : i32
          %mul3A_501 = arith.muli %scan3A_153, %mul3A_500 : i32
          %add3A_502 = arith.constant 384 : i32
          %add3A_503 = arith.addi %mul3A_501, %add3A_502 : i32
          %add3A_504 = arith.constant 0 : i32
          %add3A_505 = arith.addi %add3A_503, %add3A_504 : i32
          %add3A_506 = arith.constant 96 : i32
          %add3A_507 = vector.broadcast %add3A_506 : i32 to vector<16xi32>
          %add3A_508 = arith.addi %add3A_364, %add3A_507 : vector<16xi32>
          %gather3A_509 = tpu.vector_load_idx %arg10[%add3A_508] : memref<128xi32, #tpu.memory_space<vmem>>[vector<16xi32>], vector<16xi32>,
          %shift_left3A_510 = arith.constant 2 : i32
          %shift_left3A_511 = vector.broadcast %shift_left3A_510 : i32 to vector<16xi32>
          %shift_left3A_512 = arith.shli %gather3A_509, %shift_left3A_511 : vector<16xi32>
          %or3A_513 = arith.ori %shift_left3A_512, %and3A_3 : vector<16xi32>
          %swap3A_514 = arith.index_cast %add3A_505 : i32 to index
          %swap3A_515 = tpu.vector_load %arg13[%swap3A_514] {strides = array<i32>} : memref<2048xi32, #tpu.memory_space<vmem>>, vector<16xi32>,
          tpu.vector_store %arg13[%swap3A_514], %or3A_513 {strides = array<i32>} : memref<2048xi32, #tpu.memory_space<vmem>>, vector<16xi32>,
          %mul3A_516 = arith.mulf %mul3A_380, %gather3A : vector<16xf32>
          %mul3A_517 = arith.mulf %get3A_376, %mul3A_516 : vector<16xf32>
          %swap3A_518 = arith.index_cast %add3A_505 : i32 to index
          %swap3A_519 = tpu.vector_load %arg14[%swap3A_518] {strides = array<i32>} : memref<2048xf32, #tpu.memory_space<vmem>>, vector<16xf32>,
          tpu.vector_store %arg14[%swap3A_518], %mul3A_517 {strides = array<i32>} : memref<2048xf32, #tpu.memory_space<vmem>>, vector<16xf32>,
          %mul3A_520 = arith.constant 512 : i32
          %mul3A_521 = arith.muli %scan3A_153, %mul3A_520 : i32
          %add3A_522 = arith.constant 448 : i32
          %add3A_523 = arith.addi %mul3A_521, %add3A_522 : i32
          %add3A_524 = arith.constant 0 : i32
          %add3A_525 = arith.addi %add3A_523, %add3A_524 : i32
          %add3A_526 = arith.constant 112 : i32
          %add3A_527 = vector.broadcast %add3A_526 : i32 to vector<16xi32>
          %add3A_528 = arith.addi %add3A_364, %add3A_527 : vector<16xi32>
          %gather3A_529 = tpu.vector_load_idx %arg10[%add3A_528] : memref<128xi32, #tpu.memory_space<vmem>>[vector<16xi32>], vector<16xi32>,
          %shift_left3A_530 = arith.constant 2 : i32
          %shift_left3A_531 = vector.broadcast %shift_left3A_530 : i32 to vector<16xi32>
          %shift_left3A_532 = arith.shli %gather3A_529, %shift_left3A_531 : vector<16xi32>
          %or3A_533 = arith.ori %shift_left3A_532, %and3A_3 : vector<16xi32>
          %swap3A_534 = arith.index_cast %add3A_525 : i32 to index
          %swap3A_535 = tpu.vector_load %arg13[%swap3A_534] {strides = array<i32>} : memref<2048xi32, #tpu.memory_space<vmem>>, vector<16xi32>,
          tpu.vector_store %arg13[%swap3A_534], %or3A_533 {strides = array<i32>} : memref<2048xi32, #tpu.memory_space<vmem>>, vector<16xi32>,
          %mul3A_536 = arith.mulf %mul3A_380, %gather3A_365 : vector<16xf32>
          %mul3A_537 = arith.mulf %get3A_376, %mul3A_536 : vector<16xf32>
          %swap3A_538 = arith.index_cast %add3A_525 : i32 to index
          %swap3A_539 = tpu.vector_load %arg14[%swap3A_538] {strides = array<i32>} : memref<2048xf32, #tpu.memory_space<vmem>>, vector<16xf32>,
          tpu.vector_store %arg14[%swap3A_538], %mul3A_537 {strides = array<i32>} : memref<2048xf32, #tpu.memory_space<vmem>>, vector<16xf32>,
          %add3A_540 = arith.constant 4 : i32
          %add3A_541 = vector.broadcast %add3A_540 : i32 to vector<16xi32>
          %add3A_542 = arith.addi %shift_right_arithmetic3A_1, %add3A_541 : vector<16xi32>
          %gather3A_543 = tpu.vector_load_idx %arg16[%add3A_542] : memref<16xf32, #tpu.memory_space<vmem>>[vector<16xi32>], vector<16xf32>,
          %gather3A_544 = tpu.vector_load_idx %arg17[%add3A_542] : memref<16xf32, #tpu.memory_space<vmem>>[vector<16xi32>], vector<16xf32>,
          %gather3A_545 = tpu.vector_load_idx %arg18[%add3A_542] : memref<16xf32, #tpu.memory_space<vmem>>[vector<16xi32>], vector<16xf32>,
          %gather3A_546 = tpu.vector_load_idx %arg19[%add3A_542] : memref<16xf32, #tpu.memory_space<vmem>>[vector<16xi32>], vector<16xf32>,
          %gather3A_547 = tpu.vector_load_idx %arg20[%add3A_542] : memref<16xf32, #tpu.memory_space<vmem>>[vector<16xi32>], vector<16xf32>,
          %gather3A_548 = tpu.vector_load_idx %arg21[%add3A_542] : memref<16xf32, #tpu.memory_space<vmem>>[vector<16xi32>], vector<16xf32>,
          %mul3A_549 = arith.constant 64 : i32
          %mul3A_550 = arith.muli %scan3A_153, %mul3A_549 : i32
          %add3A_551 = arith.constant 16 : i32
          %add3A_552 = arith.addi %mul3A_550, %add3A_551 : i32
          %get3A_553 = arith.index_cast %add3A_96 : i32 to index
          %get3A_554 = arith.index_cast %add3A_552 : i32 to index
          %get3A_555 = tpu.vector_load %arg9[%get3A_553, %get3A_554] {strides = array<i32>} : memref<128x256xf32, #tpu.memory_space<vmem>>, vector<16xf32>,
          %mul3A_556 = arith.mulf %gather3A_547, %gather3A_545 : vector<16xf32>
          %mul3A_557 = arith.mulf %gather3A_547, %gather3A_546 : vector<16xf32>
          %mul3A_558 = arith.mulf %gather3A_548, %gather3A_545 : vector<16xf32>
          %mul3A_559 = arith.mulf %gather3A_548, %gather3A_546 : vector<16xf32>
          %mul3A_560 = arith.constant 512 : i32
          %mul3A_561 = arith.muli %scan3A_153, %mul3A_560 : i32
          %add3A_562 = arith.constant 0 : i32
          %add3A_563 = arith.addi %mul3A_561, %add3A_562 : i32
          %add3A_564 = arith.constant 16 : i32
          %add3A_565 = arith.addi %add3A_563, %add3A_564 : i32
          %add3A_566 = arith.constant 0 : i32
          %add3A_567 = vector.broadcast %add3A_566 : i32 to vector<16xi32>
          %add3A_568 = arith.addi %add3A_542, %add3A_567 : vector<16xi32>
          %gather3A_569 = tpu.vector_load_idx %arg10[%add3A_568] : memref<128xi32, #tpu.memory_space<vmem>>[vector<16xi32>], vector<16xi32>,
          %shift_left3A_570 = arith.constant 2 : i32
          %shift_left3A_571 = vector.broadcast %shift_left3A_570 : i32 to vector<16xi32>
          %shift_left3A_572 = arith.shli %gather3A_569, %shift_left3A_571 : vector<16xi32>
          %or3A_573 = arith.ori %shift_left3A_572, %and3A_3 : vector<16xi32>
          %swap3A_574 = arith.index_cast %add3A_565 : i32 to index
          %swap3A_575 = tpu.vector_load %arg13[%swap3A_574] {strides = array<i32>} : memref<2048xi32, #tpu.memory_space<vmem>>, vector<16xi32>,
          tpu.vector_store %arg13[%swap3A_574], %or3A_573 {strides = array<i32>} : memref<2048xi32, #tpu.memory_space<vmem>>, vector<16xi32>,
          %mul3A_576 = arith.mulf %mul3A_556, %gather3A_543 : vector<16xf32>
          %mul3A_577 = arith.mulf %get3A_555, %mul3A_576 : vector<16xf32>
          %swap3A_578 = arith.index_cast %add3A_565 : i32 to index
          %swap3A_579 = tpu.vector_load %arg14[%swap3A_578] {strides = array<i32>} : memref<2048xf32, #tpu.memory_space<vmem>>, vector<16xf32>,
          tpu.vector_store %arg14[%swap3A_578], %mul3A_577 {strides = array<i32>} : memref<2048xf32, #tpu.memory_space<vmem>>, vector<16xf32>,
          %mul3A_580 = arith.constant 512 : i32
          %mul3A_581 = arith.muli %scan3A_153, %mul3A_580 : i32
          %add3A_582 = arith.constant 64 : i32
          %add3A_583 = arith.addi %mul3A_581, %add3A_582 : i32
          %add3A_584 = arith.constant 16 : i32
          %add3A_585 = arith.addi %add3A_583, %add3A_584 : i32
          %add3A_586 = arith.constant 16 : i32
          %add3A_587 = vector.broadcast %add3A_586 : i32 to vector<16xi32>
          %add3A_588 = arith.addi %add3A_542, %add3A_587 : vector<16xi32>
          %gather3A_589 = tpu.vector_load_idx %arg10[%add3A_588] : memref<128xi32, #tpu.memory_space<vmem>>[vector<16xi32>], vector<16xi32>,
          %shift_left3A_590 = arith.constant 2 : i32
          %shift_left3A_591 = vector.broadcast %shift_left3A_590 : i32 to vector<16xi32>
          %shift_left3A_592 = arith.shli %gather3A_589, %shift_left3A_591 : vector<16xi32>
          %or3A_593 = arith.ori %shift_left3A_592, %and3A_3 : vector<16xi32>
          %swap3A_594 = arith.index_cast %add3A_585 : i32 to index
          %swap3A_595 = tpu.vector_load %arg13[%swap3A_594] {strides = array<i32>} : memref<2048xi32, #tpu.memory_space<vmem>>, vector<16xi32>,
          tpu.vector_store %arg13[%swap3A_594], %or3A_593 {strides = array<i32>} : memref<2048xi32, #tpu.memory_space<vmem>>, vector<16xi32>,
          %mul3A_596 = arith.mulf %mul3A_556, %gather3A_544 : vector<16xf32>
          %mul3A_597 = arith.mulf %get3A_555, %mul3A_596 : vector<16xf32>
          %swap3A_598 = arith.index_cast %add3A_585 : i32 to index
          %swap3A_599 = tpu.vector_load %arg14[%swap3A_598] {strides = array<i32>} : memref<2048xf32, #tpu.memory_space<vmem>>, vector<16xf32>,
          tpu.vector_store %arg14[%swap3A_598], %mul3A_597 {strides = array<i32>} : memref<2048xf32, #tpu.memory_space<vmem>>, vector<16xf32>,
          %mul3A_600 = arith.constant 512 : i32
          %mul3A_601 = arith.muli %scan3A_153, %mul3A_600 : i32
          %add3A_602 = arith.constant 128 : i32
          %add3A_603 = arith.addi %mul3A_601, %add3A_602 : i32
          %add3A_604 = arith.constant 16 : i32
          %add3A_605 = arith.addi %add3A_603, %add3A_604 : i32
          %add3A_606 = arith.constant 32 : i32
          %add3A_607 = vector.broadcast %add3A_606 : i32 to vector<16xi32>
          %add3A_608 = arith.addi %add3A_542, %add3A_607 : vector<16xi32>
          %gather3A_609 = tpu.vector_load_idx %arg10[%add3A_608] : memref<128xi32, #tpu.memory_space<vmem>>[vector<16xi32>], vector<16xi32>,
          %shift_left3A_610 = arith.constant 2 : i32
          %shift_left3A_611 = vector.broadcast %shift_left3A_610 : i32 to vector<16xi32>
          %shift_left3A_612 = arith.shli %gather3A_609, %shift_left3A_611 : vector<16xi32>
          %or3A_613 = arith.ori %shift_left3A_612, %and3A_3 : vector<16xi32>
          %swap3A_614 = arith.index_cast %add3A_605 : i32 to index
          %swap3A_615 = tpu.vector_load %arg13[%swap3A_614] {strides = array<i32>} : memref<2048xi32, #tpu.memory_space<vmem>>, vector<16xi32>,
          tpu.vector_store %arg13[%swap3A_614], %or3A_613 {strides = array<i32>} : memref<2048xi32, #tpu.memory_space<vmem>>, vector<16xi32>,
          %mul3A_616 = arith.mulf %mul3A_557, %gather3A_543 : vector<16xf32>
          %mul3A_617 = arith.mulf %get3A_555, %mul3A_616 : vector<16xf32>
          %swap3A_618 = arith.index_cast %add3A_605 : i32 to index
          %swap3A_619 = tpu.vector_load %arg14[%swap3A_618] {strides = array<i32>} : memref<2048xf32, #tpu.memory_space<vmem>>, vector<16xf32>,
          tpu.vector_store %arg14[%swap3A_618], %mul3A_617 {strides = array<i32>} : memref<2048xf32, #tpu.memory_space<vmem>>, vector<16xf32>,
          %mul3A_620 = arith.constant 512 : i32
          %mul3A_621 = arith.muli %scan3A_153, %mul3A_620 : i32
          %add3A_622 = arith.constant 192 : i32
          %add3A_623 = arith.addi %mul3A_621, %add3A_622 : i32
          %add3A_624 = arith.constant 16 : i32
          %add3A_625 = arith.addi %add3A_623, %add3A_624 : i32
          %add3A_626 = arith.constant 48 : i32
          %add3A_627 = vector.broadcast %add3A_626 : i32 to vector<16xi32>
          %add3A_628 = arith.addi %add3A_542, %add3A_627 : vector<16xi32>
          %gather3A_629 = tpu.vector_load_idx %arg10[%add3A_628] : memref<128xi32, #tpu.memory_space<vmem>>[vector<16xi32>], vector<16xi32>,
          %shift_left3A_630 = arith.constant 2 : i32
          %shift_left3A_631 = vector.broadcast %shift_left3A_630 : i32 to vector<16xi32>
          %shift_left3A_632 = arith.shli %gather3A_629, %shift_left3A_631 : vector<16xi32>
          %or3A_633 = arith.ori %shift_left3A_632, %and3A_3 : vector<16xi32>
          %swap3A_634 = arith.index_cast %add3A_625 : i32 to index
          %swap3A_635 = tpu.vector_load %arg13[%swap3A_634] {strides = array<i32>} : memref<2048xi32, #tpu.memory_space<vmem>>, vector<16xi32>,
          tpu.vector_store %arg13[%swap3A_634], %or3A_633 {strides = array<i32>} : memref<2048xi32, #tpu.memory_space<vmem>>, vector<16xi32>,
          %mul3A_636 = arith.mulf %mul3A_557, %gather3A_544 : vector<16xf32>
          %mul3A_637 = arith.mulf %get3A_555, %mul3A_636 : vector<16xf32>
          %swap3A_638 = arith.index_cast %add3A_625 : i32 to index
          %swap3A_639 = tpu.vector_load %arg14[%swap3A_638] {strides = array<i32>} : memref<2048xf32, #tpu.memory_space<vmem>>, vector<16xf32>,
          tpu.vector_store %arg14[%swap3A_638], %mul3A_637 {strides = array<i32>} : memref<2048xf32, #tpu.memory_space<vmem>>, vector<16xf32>,
          %mul3A_640 = arith.constant 512 : i32
          %mul3A_641 = arith.muli %scan3A_153, %mul3A_640 : i32
          %add3A_642 = arith.constant 256 : i32
          %add3A_643 = arith.addi %mul3A_641, %add3A_642 : i32
          %add3A_644 = arith.constant 16 : i32
          %add3A_645 = arith.addi %add3A_643, %add3A_644 : i32
          %add3A_646 = arith.constant 64 : i32
          %add3A_647 = vector.broadcast %add3A_646 : i32 to vector<16xi32>
          %add3A_648 = arith.addi %add3A_542, %add3A_647 : vector<16xi32>
          %gather3A_649 = tpu.vector_load_idx %arg10[%add3A_648] : memref<128xi32, #tpu.memory_space<vmem>>[vector<16xi32>], vector<16xi32>,
          %shift_left3A_650 = arith.constant 2 : i32
          %shift_left3A_651 = vector.broadcast %shift_left3A_650 : i32 to vector<16xi32>
          %shift_left3A_652 = arith.shli %gather3A_649, %shift_left3A_651 : vector<16xi32>
          %or3A_653 = arith.ori %shift_left3A_652, %and3A_3 : vector<16xi32>
          %swap3A_654 = arith.index_cast %add3A_645 : i32 to index
          %swap3A_655 = tpu.vector_load %arg13[%swap3A_654] {strides = array<i32>} : memref<2048xi32, #tpu.memory_space<vmem>>, vector<16xi32>,
          tpu.vector_store %arg13[%swap3A_654], %or3A_653 {strides = array<i32>} : memref<2048xi32, #tpu.memory_space<vmem>>, vector<16xi32>,
          %mul3A_656 = arith.mulf %mul3A_558, %gather3A_543 : vector<16xf32>
          %mul3A_657 = arith.mulf %get3A_555, %mul3A_656 : vector<16xf32>
          %swap3A_658 = arith.index_cast %add3A_645 : i32 to index
          %swap3A_659 = tpu.vector_load %arg14[%swap3A_658] {strides = array<i32>} : memref<2048xf32, #tpu.memory_space<vmem>>, vector<16xf32>,
          tpu.vector_store %arg14[%swap3A_658], %mul3A_657 {strides = array<i32>} : memref<2048xf32, #tpu.memory_space<vmem>>, vector<16xf32>,
          %mul3A_660 = arith.constant 512 : i32
          %mul3A_661 = arith.muli %scan3A_153, %mul3A_660 : i32
          %add3A_662 = arith.constant 320 : i32
          %add3A_663 = arith.addi %mul3A_661, %add3A_662 : i32
          %add3A_664 = arith.constant 16 : i32
          %add3A_665 = arith.addi %add3A_663, %add3A_664 : i32
          %add3A_666 = arith.constant 80 : i32
          %add3A_667 = vector.broadcast %add3A_666 : i32 to vector<16xi32>
          %add3A_668 = arith.addi %add3A_542, %add3A_667 : vector<16xi32>
          %gather3A_669 = tpu.vector_load_idx %arg10[%add3A_668] : memref<128xi32, #tpu.memory_space<vmem>>[vector<16xi32>], vector<16xi32>,
          %shift_left3A_670 = arith.constant 2 : i32
          %shift_left3A_671 = vector.broadcast %shift_left3A_670 : i32 to vector<16xi32>
          %shift_left3A_672 = arith.shli %gather3A_669, %shift_left3A_671 : vector<16xi32>
          %or3A_673 = arith.ori %shift_left3A_672, %and3A_3 : vector<16xi32>
          %swap3A_674 = arith.index_cast %add3A_665 : i32 to index
          %swap3A_675 = tpu.vector_load %arg13[%swap3A_674] {strides = array<i32>} : memref<2048xi32, #tpu.memory_space<vmem>>, vector<16xi32>,
          tpu.vector_store %arg13[%swap3A_674], %or3A_673 {strides = array<i32>} : memref<2048xi32, #tpu.memory_space<vmem>>, vector<16xi32>,
          %mul3A_676 = arith.mulf %mul3A_558, %gather3A_544 : vector<16xf32>
          %mul3A_677 = arith.mulf %get3A_555, %mul3A_676 : vector<16xf32>
          %swap3A_678 = arith.index_cast %add3A_665 : i32 to index
          %swap3A_679 = tpu.vector_load %arg14[%swap3A_678] {strides = array<i32>} : memref<2048xf32, #tpu.memory_space<vmem>>, vector<16xf32>,
          tpu.vector_store %arg14[%swap3A_678], %mul3A_677 {strides = array<i32>} : memref<2048xf32, #tpu.memory_space<vmem>>, vector<16xf32>,
          %mul3A_680 = arith.constant 512 : i32
          %mul3A_681 = arith.muli %scan3A_153, %mul3A_680 : i32
          %add3A_682 = arith.constant 384 : i32
          %add3A_683 = arith.addi %mul3A_681, %add3A_682 : i32
          %add3A_684 = arith.constant 16 : i32
          %add3A_685 = arith.addi %add3A_683, %add3A_684 : i32
          %add3A_686 = arith.constant 96 : i32
          %add3A_687 = vector.broadcast %add3A_686 : i32 to vector<16xi32>
          %add3A_688 = arith.addi %add3A_542, %add3A_687 : vector<16xi32>
          %gather3A_689 = tpu.vector_load_idx %arg10[%add3A_688] : memref<128xi32, #tpu.memory_space<vmem>>[vector<16xi32>], vector<16xi32>,
          %shift_left3A_690 = arith.constant 2 : i32
          %shift_left3A_691 = vector.broadcast %shift_left3A_690 : i32 to vector<16xi32>
          %shift_left3A_692 = arith.shli %gather3A_689, %shift_left3A_691 : vector<16xi32>
          %or3A_693 = arith.ori %shift_left3A_692, %and3A_3 : vector<16xi32>
          %swap3A_694 = arith.index_cast %add3A_685 : i32 to index
          %swap3A_695 = tpu.vector_load %arg13[%swap3A_694] {strides = array<i32>} : memref<2048xi32, #tpu.memory_space<vmem>>, vector<16xi32>,
          tpu.vector_store %arg13[%swap3A_694], %or3A_693 {strides = array<i32>} : memref<2048xi32, #tpu.memory_space<vmem>>, vector<16xi32>,
          %mul3A_696 = arith.mulf %mul3A_559, %gather3A_543 : vector<16xf32>
          %mul3A_697 = arith.mulf %get3A_555, %mul3A_696 : vector<16xf32>
          %swap3A_698 = arith.index_cast %add3A_685 : i32 to index
          %swap3A_699 = tpu.vector_load %arg14[%swap3A_698] {strides = array<i32>} : memref<2048xf32, #tpu.memory_space<vmem>>, vector<16xf32>,
          tpu.vector_store %arg14[%swap3A_698], %mul3A_697 {strides = array<i32>} : memref<2048xf32, #tpu.memory_space<vmem>>, vector<16xf32>,
          %mul3A_700 = arith.constant 512 : i32
          %mul3A_701 = arith.muli %scan3A_153, %mul3A_700 : i32
          %add3A_702 = arith.constant 448 : i32
          %add3A_703 = arith.addi %mul3A_701, %add3A_702 : i32
          %add3A_704 = arith.constant 16 : i32
          %add3A_705 = arith.addi %add3A_703, %add3A_704 : i32
          %add3A_706 = arith.constant 112 : i32
          %add3A_707 = vector.broadcast %add3A_706 : i32 to vector<16xi32>
          %add3A_708 = arith.addi %add3A_542, %add3A_707 : vector<16xi32>
          %gather3A_709 = tpu.vector_load_idx %arg10[%add3A_708] : memref<128xi32, #tpu.memory_space<vmem>>[vector<16xi32>], vector<16xi32>,
          %shift_left3A_710 = arith.constant 2 : i32
          %shift_left3A_711 = vector.broadcast %shift_left3A_710 : i32 to vector<16xi32>
          %shift_left3A_712 = arith.shli %gather3A_709, %shift_left3A_711 : vector<16xi32>
          %or3A_713 = arith.ori %shift_left3A_712, %and3A_3 : vector<16xi32>
          %swap3A_714 = arith.index_cast %add3A_705 : i32 to index
          %swap3A_715 = tpu.vector_load %arg13[%swap3A_714] {strides = array<i32>} : memref<2048xi32, #tpu.memory_space<vmem>>, vector<16xi32>,
          tpu.vector_store %arg13[%swap3A_714], %or3A_713 {strides = array<i32>} : memref<2048xi32, #tpu.memory_space<vmem>>, vector<16xi32>,
          %mul3A_716 = arith.mulf %mul3A_559, %gather3A_544 : vector<16xf32>
          %mul3A_717 = arith.mulf %get3A_555, %mul3A_716 : vector<16xf32>
          %swap3A_718 = arith.index_cast %add3A_705 : i32 to index
          %swap3A_719 = tpu.vector_load %arg14[%swap3A_718] {strides = array<i32>} : memref<2048xf32, #tpu.memory_space<vmem>>, vector<16xf32>,
          tpu.vector_store %arg14[%swap3A_718], %mul3A_717 {strides = array<i32>} : memref<2048xf32, #tpu.memory_space<vmem>>, vector<16xf32>,
          %add3A_720 = arith.constant 8 : i32
          %add3A_721 = vector.broadcast %add3A_720 : i32 to vector<16xi32>
          %add3A_722 = arith.addi %shift_right_arithmetic3A_1, %add3A_721 : vector<16xi32>
          %gather3A_723 = tpu.vector_load_idx %arg16[%add3A_722] : memref<16xf32, #tpu.memory_space<vmem>>[vector<16xi32>], vector<16xf32>,
          %gather3A_724 = tpu.vector_load_idx %arg17[%add3A_722] : memref<16xf32, #tpu.memory_space<vmem>>[vector<16xi32>], vector<16xf32>,
          %gather3A_725 = tpu.vector_load_idx %arg18[%add3A_722] : memref<16xf32, #tpu.memory_space<vmem>>[vector<16xi32>], vector<16xf32>,
          %gather3A_726 = tpu.vector_load_idx %arg19[%add3A_722] : memref<16xf32, #tpu.memory_space<vmem>>[vector<16xi32>], vector<16xf32>,
          %gather3A_727 = tpu.vector_load_idx %arg20[%add3A_722] : memref<16xf32, #tpu.memory_space<vmem>>[vector<16xi32>], vector<16xf32>,
          %gather3A_728 = tpu.vector_load_idx %arg21[%add3A_722] : memref<16xf32, #tpu.memory_space<vmem>>[vector<16xi32>], vector<16xf32>,
          %mul3A_729 = arith.constant 64 : i32
          %mul3A_730 = arith.muli %scan3A_153, %mul3A_729 : i32
          %add3A_731 = arith.constant 32 : i32
          %add3A_732 = arith.addi %mul3A_730, %add3A_731 : i32
          %get3A_733 = arith.index_cast %add3A_96 : i32 to index
          %get3A_734 = arith.index_cast %add3A_732 : i32 to index
          %get3A_735 = tpu.vector_load %arg9[%get3A_733, %get3A_734] {strides = array<i32>} : memref<128x256xf32, #tpu.memory_space<vmem>>, vector<16xf32>,
          %mul3A_736 = arith.mulf %gather3A_727, %gather3A_725 : vector<16xf32>
          %mul3A_737 = arith.mulf %gather3A_727, %gather3A_726 : vector<16xf32>
          %mul3A_738 = arith.mulf %gather3A_728, %gather3A_725 : vector<16xf32>
          %mul3A_739 = arith.mulf %gather3A_728, %gather3A_726 : vector<16xf32>
          %mul3A_740 = arith.constant 512 : i32
          %mul3A_741 = arith.muli %scan3A_153, %mul3A_740 : i32
          %add3A_742 = arith.constant 0 : i32
          %add3A_743 = arith.addi %mul3A_741, %add3A_742 : i32
          %add3A_744 = arith.constant 32 : i32
          %add3A_745 = arith.addi %add3A_743, %add3A_744 : i32
          %add3A_746 = arith.constant 0 : i32
          %add3A_747 = vector.broadcast %add3A_746 : i32 to vector<16xi32>
          %add3A_748 = arith.addi %add3A_722, %add3A_747 : vector<16xi32>
          %gather3A_749 = tpu.vector_load_idx %arg10[%add3A_748] : memref<128xi32, #tpu.memory_space<vmem>>[vector<16xi32>], vector<16xi32>,
          %shift_left3A_750 = arith.constant 2 : i32
          %shift_left3A_751 = vector.broadcast %shift_left3A_750 : i32 to vector<16xi32>
          %shift_left3A_752 = arith.shli %gather3A_749, %shift_left3A_751 : vector<16xi32>
          %or3A_753 = arith.ori %shift_left3A_752, %and3A_3 : vector<16xi32>
          %swap3A_754 = arith.index_cast %add3A_745 : i32 to index
          %swap3A_755 = tpu.vector_load %arg13[%swap3A_754] {strides = array<i32>} : memref<2048xi32, #tpu.memory_space<vmem>>, vector<16xi32>,
          tpu.vector_store %arg13[%swap3A_754], %or3A_753 {strides = array<i32>} : memref<2048xi32, #tpu.memory_space<vmem>>, vector<16xi32>,
          %mul3A_756 = arith.mulf %mul3A_736, %gather3A_723 : vector<16xf32>
          %mul3A_757 = arith.mulf %get3A_735, %mul3A_756 : vector<16xf32>
          %swap3A_758 = arith.index_cast %add3A_745 : i32 to index
          %swap3A_759 = tpu.vector_load %arg14[%swap3A_758] {strides = array<i32>} : memref<2048xf32, #tpu.memory_space<vmem>>, vector<16xf32>,
          tpu.vector_store %arg14[%swap3A_758], %mul3A_757 {strides = array<i32>} : memref<2048xf32, #tpu.memory_space<vmem>>, vector<16xf32>,
          %mul3A_760 = arith.constant 512 : i32
          %mul3A_761 = arith.muli %scan3A_153, %mul3A_760 : i32
          %add3A_762 = arith.constant 64 : i32
          %add3A_763 = arith.addi %mul3A_761, %add3A_762 : i32
          %add3A_764 = arith.constant 32 : i32
          %add3A_765 = arith.addi %add3A_763, %add3A_764 : i32
          %add3A_766 = arith.constant 16 : i32
          %add3A_767 = vector.broadcast %add3A_766 : i32 to vector<16xi32>
          %add3A_768 = arith.addi %add3A_722, %add3A_767 : vector<16xi32>
          %gather3A_769 = tpu.vector_load_idx %arg10[%add3A_768] : memref<128xi32, #tpu.memory_space<vmem>>[vector<16xi32>], vector<16xi32>,
          %shift_left3A_770 = arith.constant 2 : i32
          %shift_left3A_771 = vector.broadcast %shift_left3A_770 : i32 to vector<16xi32>
          %shift_left3A_772 = arith.shli %gather3A_769, %shift_left3A_771 : vector<16xi32>
          %or3A_773 = arith.ori %shift_left3A_772, %and3A_3 : vector<16xi32>
          %swap3A_774 = arith.index_cast %add3A_765 : i32 to index
          %swap3A_775 = tpu.vector_load %arg13[%swap3A_774] {strides = array<i32>} : memref<2048xi32, #tpu.memory_space<vmem>>, vector<16xi32>,
          tpu.vector_store %arg13[%swap3A_774], %or3A_773 {strides = array<i32>} : memref<2048xi32, #tpu.memory_space<vmem>>, vector<16xi32>,
          %mul3A_776 = arith.mulf %mul3A_736, %gather3A_724 : vector<16xf32>
          %mul3A_777 = arith.mulf %get3A_735, %mul3A_776 : vector<16xf32>
          %swap3A_778 = arith.index_cast %add3A_765 : i32 to index
          %swap3A_779 = tpu.vector_load %arg14[%swap3A_778] {strides = array<i32>} : memref<2048xf32, #tpu.memory_space<vmem>>, vector<16xf32>,
          tpu.vector_store %arg14[%swap3A_778], %mul3A_777 {strides = array<i32>} : memref<2048xf32, #tpu.memory_space<vmem>>, vector<16xf32>,
          %mul3A_780 = arith.constant 512 : i32
          %mul3A_781 = arith.muli %scan3A_153, %mul3A_780 : i32
          %add3A_782 = arith.constant 128 : i32
          %add3A_783 = arith.addi %mul3A_781, %add3A_782 : i32
          %add3A_784 = arith.constant 32 : i32
          %add3A_785 = arith.addi %add3A_783, %add3A_784 : i32
          %add3A_786 = arith.constant 32 : i32
          %add3A_787 = vector.broadcast %add3A_786 : i32 to vector<16xi32>
          %add3A_788 = arith.addi %add3A_722, %add3A_787 : vector<16xi32>
          %gather3A_789 = tpu.vector_load_idx %arg10[%add3A_788] : memref<128xi32, #tpu.memory_space<vmem>>[vector<16xi32>], vector<16xi32>,
          %shift_left3A_790 = arith.constant 2 : i32
          %shift_left3A_791 = vector.broadcast %shift_left3A_790 : i32 to vector<16xi32>
          %shift_left3A_792 = arith.shli %gather3A_789, %shift_left3A_791 : vector<16xi32>
          %or3A_793 = arith.ori %shift_left3A_792, %and3A_3 : vector<16xi32>
          %swap3A_794 = arith.index_cast %add3A_785 : i32 to index
          %swap3A_795 = tpu.vector_load %arg13[%swap3A_794] {strides = array<i32>} : memref<2048xi32, #tpu.memory_space<vmem>>, vector<16xi32>,
          tpu.vector_store %arg13[%swap3A_794], %or3A_793 {strides = array<i32>} : memref<2048xi32, #tpu.memory_space<vmem>>, vector<16xi32>,
          %mul3A_796 = arith.mulf %mul3A_737, %gather3A_723 : vector<16xf32>
          %mul3A_797 = arith.mulf %get3A_735, %mul3A_796 : vector<16xf32>
          %swap3A_798 = arith.index_cast %add3A_785 : i32 to index
          %swap3A_799 = tpu.vector_load %arg14[%swap3A_798] {strides = array<i32>} : memref<2048xf32, #tpu.memory_space<vmem>>, vector<16xf32>,
          tpu.vector_store %arg14[%swap3A_798], %mul3A_797 {strides = array<i32>} : memref<2048xf32, #tpu.memory_space<vmem>>, vector<16xf32>,
          %mul3A_800 = arith.constant 512 : i32
          %mul3A_801 = arith.muli %scan3A_153, %mul3A_800 : i32
          %add3A_802 = arith.constant 192 : i32
          %add3A_803 = arith.addi %mul3A_801, %add3A_802 : i32
          %add3A_804 = arith.constant 32 : i32
          %add3A_805 = arith.addi %add3A_803, %add3A_804 : i32
          %add3A_806 = arith.constant 48 : i32
          %add3A_807 = vector.broadcast %add3A_806 : i32 to vector<16xi32>
          %add3A_808 = arith.addi %add3A_722, %add3A_807 : vector<16xi32>
          %gather3A_809 = tpu.vector_load_idx %arg10[%add3A_808] : memref<128xi32, #tpu.memory_space<vmem>>[vector<16xi32>], vector<16xi32>,
          %shift_left3A_810 = arith.constant 2 : i32
          %shift_left3A_811 = vector.broadcast %shift_left3A_810 : i32 to vector<16xi32>
          %shift_left3A_812 = arith.shli %gather3A_809, %shift_left3A_811 : vector<16xi32>
          %or3A_813 = arith.ori %shift_left3A_812, %and3A_3 : vector<16xi32>
          %swap3A_814 = arith.index_cast %add3A_805 : i32 to index
          %swap3A_815 = tpu.vector_load %arg13[%swap3A_814] {strides = array<i32>} : memref<2048xi32, #tpu.memory_space<vmem>>, vector<16xi32>,
          tpu.vector_store %arg13[%swap3A_814], %or3A_813 {strides = array<i32>} : memref<2048xi32, #tpu.memory_space<vmem>>, vector<16xi32>,
          %mul3A_816 = arith.mulf %mul3A_737, %gather3A_724 : vector<16xf32>
          %mul3A_817 = arith.mulf %get3A_735, %mul3A_816 : vector<16xf32>
          %swap3A_818 = arith.index_cast %add3A_805 : i32 to index
          %swap3A_819 = tpu.vector_load %arg14[%swap3A_818] {strides = array<i32>} : memref<2048xf32, #tpu.memory_space<vmem>>, vector<16xf32>,
          tpu.vector_store %arg14[%swap3A_818], %mul3A_817 {strides = array<i32>} : memref<2048xf32, #tpu.memory_space<vmem>>, vector<16xf32>,
          %mul3A_820 = arith.constant 512 : i32
          %mul3A_821 = arith.muli %scan3A_153, %mul3A_820 : i32
          %add3A_822 = arith.constant 256 : i32
          %add3A_823 = arith.addi %mul3A_821, %add3A_822 : i32
          %add3A_824 = arith.constant 32 : i32
          %add3A_825 = arith.addi %add3A_823, %add3A_824 : i32
          %add3A_826 = arith.constant 64 : i32
          %add3A_827 = vector.broadcast %add3A_826 : i32 to vector<16xi32>
          %add3A_828 = arith.addi %add3A_722, %add3A_827 : vector<16xi32>
          %gather3A_829 = tpu.vector_load_idx %arg10[%add3A_828] : memref<128xi32, #tpu.memory_space<vmem>>[vector<16xi32>], vector<16xi32>,
          %shift_left3A_830 = arith.constant 2 : i32
          %shift_left3A_831 = vector.broadcast %shift_left3A_830 : i32 to vector<16xi32>
          %shift_left3A_832 = arith.shli %gather3A_829, %shift_left3A_831 : vector<16xi32>
          %or3A_833 = arith.ori %shift_left3A_832, %and3A_3 : vector<16xi32>
          %swap3A_834 = arith.index_cast %add3A_825 : i32 to index
          %swap3A_835 = tpu.vector_load %arg13[%swap3A_834] {strides = array<i32>} : memref<2048xi32, #tpu.memory_space<vmem>>, vector<16xi32>,
          tpu.vector_store %arg13[%swap3A_834], %or3A_833 {strides = array<i32>} : memref<2048xi32, #tpu.memory_space<vmem>>, vector<16xi32>,
          %mul3A_836 = arith.mulf %mul3A_738, %gather3A_723 : vector<16xf32>
          %mul3A_837 = arith.mulf %get3A_735, %mul3A_836 : vector<16xf32>
          %swap3A_838 = arith.index_cast %add3A_825 : i32 to index
          %swap3A_839 = tpu.vector_load %arg14[%swap3A_838] {strides = array<i32>} : memref<2048xf32, #tpu.memory_space<vmem>>, vector<16xf32>,
          tpu.vector_store %arg14[%swap3A_838], %mul3A_837 {strides = array<i32>} : memref<2048xf32, #tpu.memory_space<vmem>>, vector<16xf32>,
          %mul3A_840 = arith.constant 512 : i32
          %mul3A_841 = arith.muli %scan3A_153, %mul3A_840 : i32
          %add3A_842 = arith.constant 320 : i32
          %add3A_843 = arith.addi %mul3A_841, %add3A_842 : i32
          %add3A_844 = arith.constant 32 : i32
          %add3A_845 = arith.addi %add3A_843, %add3A_844 : i32
          %add3A_846 = arith.constant 80 : i32
          %add3A_847 = vector.broadcast %add3A_846 : i32 to vector<16xi32>
          %add3A_848 = arith.addi %add3A_722, %add3A_847 : vector<16xi32>
          %gather3A_849 = tpu.vector_load_idx %arg10[%add3A_848] : memref<128xi32, #tpu.memory_space<vmem>>[vector<16xi32>], vector<16xi32>,
          %shift_left3A_850 = arith.constant 2 : i32
          %shift_left3A_851 = vector.broadcast %shift_left3A_850 : i32 to vector<16xi32>
          %shift_left3A_852 = arith.shli %gather3A_849, %shift_left3A_851 : vector<16xi32>
          %or3A_853 = arith.ori %shift_left3A_852, %and3A_3 : vector<16xi32>
          %swap3A_854 = arith.index_cast %add3A_845 : i32 to index
          %swap3A_855 = tpu.vector_load %arg13[%swap3A_854] {strides = array<i32>} : memref<2048xi32, #tpu.memory_space<vmem>>, vector<16xi32>,
          tpu.vector_store %arg13[%swap3A_854], %or3A_853 {strides = array<i32>} : memref<2048xi32, #tpu.memory_space<vmem>>, vector<16xi32>,
          %mul3A_856 = arith.mulf %mul3A_738, %gather3A_724 : vector<16xf32>
          %mul3A_857 = arith.mulf %get3A_735, %mul3A_856 : vector<16xf32>
          %swap3A_858 = arith.index_cast %add3A_845 : i32 to index
          %swap3A_859 = tpu.vector_load %arg14[%swap3A_858] {strides = array<i32>} : memref<2048xf32, #tpu.memory_space<vmem>>, vector<16xf32>,
          tpu.vector_store %arg14[%swap3A_858], %mul3A_857 {strides = array<i32>} : memref<2048xf32, #tpu.memory_space<vmem>>, vector<16xf32>,
          %mul3A_860 = arith.constant 512 : i32
          %mul3A_861 = arith.muli %scan3A_153, %mul3A_860 : i32
          %add3A_862 = arith.constant 384 : i32
          %add3A_863 = arith.addi %mul3A_861, %add3A_862 : i32
          %add3A_864 = arith.constant 32 : i32
          %add3A_865 = arith.addi %add3A_863, %add3A_864 : i32
          %add3A_866 = arith.constant 96 : i32
          %add3A_867 = vector.broadcast %add3A_866 : i32 to vector<16xi32>
          %add3A_868 = arith.addi %add3A_722, %add3A_867 : vector<16xi32>
          %gather3A_869 = tpu.vector_load_idx %arg10[%add3A_868] : memref<128xi32, #tpu.memory_space<vmem>>[vector<16xi32>], vector<16xi32>,
          %shift_left3A_870 = arith.constant 2 : i32
          %shift_left3A_871 = vector.broadcast %shift_left3A_870 : i32 to vector<16xi32>
          %shift_left3A_872 = arith.shli %gather3A_869, %shift_left3A_871 : vector<16xi32>
          %or3A_873 = arith.ori %shift_left3A_872, %and3A_3 : vector<16xi32>
          %swap3A_874 = arith.index_cast %add3A_865 : i32 to index
          %swap3A_875 = tpu.vector_load %arg13[%swap3A_874] {strides = array<i32>} : memref<2048xi32, #tpu.memory_space<vmem>>, vector<16xi32>,
          tpu.vector_store %arg13[%swap3A_874], %or3A_873 {strides = array<i32>} : memref<2048xi32, #tpu.memory_space<vmem>>, vector<16xi32>,
          %mul3A_876 = arith.mulf %mul3A_739, %gather3A_723 : vector<16xf32>
          %mul3A_877 = arith.mulf %get3A_735, %mul3A_876 : vector<16xf32>
          %swap3A_878 = arith.index_cast %add3A_865 : i32 to index
          %swap3A_879 = tpu.vector_load %arg14[%swap3A_878] {strides = array<i32>} : memref<2048xf32, #tpu.memory_space<vmem>>, vector<16xf32>,
          tpu.vector_store %arg14[%swap3A_878], %mul3A_877 {strides = array<i32>} : memref<2048xf32, #tpu.memory_space<vmem>>, vector<16xf32>,
          %mul3A_880 = arith.constant 512 : i32
          %mul3A_881 = arith.muli %scan3A_153, %mul3A_880 : i32
          %add3A_882 = arith.constant 448 : i32
          %add3A_883 = arith.addi %mul3A_881, %add3A_882 : i32
          %add3A_884 = arith.constant 32 : i32
          %add3A_885 = arith.addi %add3A_883, %add3A_884 : i32
          %add3A_886 = arith.constant 112 : i32
          %add3A_887 = vector.broadcast %add3A_886 : i32 to vector<16xi32>
          %add3A_888 = arith.addi %add3A_722, %add3A_887 : vector<16xi32>
          %gather3A_889 = tpu.vector_load_idx %arg10[%add3A_888] : memref<128xi32, #tpu.memory_space<vmem>>[vector<16xi32>], vector<16xi32>,
          %shift_left3A_890 = arith.constant 2 : i32
          %shift_left3A_891 = vector.broadcast %shift_left3A_890 : i32 to vector<16xi32>
          %shift_left3A_892 = arith.shli %gather3A_889, %shift_left3A_891 : vector<16xi32>
          %or3A_893 = arith.ori %shift_left3A_892, %and3A_3 : vector<16xi32>
          %swap3A_894 = arith.index_cast %add3A_885 : i32 to index
          %swap3A_895 = tpu.vector_load %arg13[%swap3A_894] {strides = array<i32>} : memref<2048xi32, #tpu.memory_space<vmem>>, vector<16xi32>,
          tpu.vector_store %arg13[%swap3A_894], %or3A_893 {strides = array<i32>} : memref<2048xi32, #tpu.memory_space<vmem>>, vector<16xi32>,
          %mul3A_896 = arith.mulf %mul3A_739, %gather3A_724 : vector<16xf32>
          %mul3A_897 = arith.mulf %get3A_735, %mul3A_896 : vector<16xf32>
          %swap3A_898 = arith.index_cast %add3A_885 : i32 to index
          %swap3A_899 = tpu.vector_load %arg14[%swap3A_898] {strides = array<i32>} : memref<2048xf32, #tpu.memory_space<vmem>>, vector<16xf32>,
          tpu.vector_store %arg14[%swap3A_898], %mul3A_897 {strides = array<i32>} : memref<2048xf32, #tpu.memory_space<vmem>>, vector<16xf32>,
          %add3A_900 = arith.constant 12 : i32
          %add3A_901 = vector.broadcast %add3A_900 : i32 to vector<16xi32>
          %add3A_902 = arith.addi %shift_right_arithmetic3A_1, %add3A_901 : vector<16xi32>
          %gather3A_903 = tpu.vector_load_idx %arg16[%add3A_902] : memref<16xf32, #tpu.memory_space<vmem>>[vector<16xi32>], vector<16xf32>,
          %gather3A_904 = tpu.vector_load_idx %arg17[%add3A_902] : memref<16xf32, #tpu.memory_space<vmem>>[vector<16xi32>], vector<16xf32>,
          %gather3A_905 = tpu.vector_load_idx %arg18[%add3A_902] : memref<16xf32, #tpu.memory_space<vmem>>[vector<16xi32>], vector<16xf32>,
          %gather3A_906 = tpu.vector_load_idx %arg19[%add3A_902] : memref<16xf32, #tpu.memory_space<vmem>>[vector<16xi32>], vector<16xf32>,
          %gather3A_907 = tpu.vector_load_idx %arg20[%add3A_902] : memref<16xf32, #tpu.memory_space<vmem>>[vector<16xi32>], vector<16xf32>,
          %gather3A_908 = tpu.vector_load_idx %arg21[%add3A_902] : memref<16xf32, #tpu.memory_space<vmem>>[vector<16xi32>], vector<16xf32>,
          %mul3A_909 = arith.constant 64 : i32
          %mul3A_910 = arith.muli %scan3A_153, %mul3A_909 : i32
          %add3A_911 = arith.constant 48 : i32
          %add3A_912 = arith.addi %mul3A_910, %add3A_911 : i32
          %get3A_913 = arith.index_cast %add3A_96 : i32 to index
          %get3A_914 = arith.index_cast %add3A_912 : i32 to index
          %get3A_915 = tpu.vector_load %arg9[%get3A_913, %get3A_914] {strides = array<i32>} : memref<128x256xf32, #tpu.memory_space<vmem>>, vector<16xf32>,
          %mul3A_916 = arith.mulf %gather3A_907, %gather3A_905 : vector<16xf32>
          %mul3A_917 = arith.mulf %gather3A_907, %gather3A_906 : vector<16xf32>
          %mul3A_918 = arith.mulf %gather3A_908, %gather3A_905 : vector<16xf32>
          %mul3A_919 = arith.mulf %gather3A_908, %gather3A_906 : vector<16xf32>
          %mul3A_920 = arith.constant 512 : i32
          %mul3A_921 = arith.muli %scan3A_153, %mul3A_920 : i32
          %add3A_922 = arith.constant 0 : i32
          %add3A_923 = arith.addi %mul3A_921, %add3A_922 : i32
          %add3A_924 = arith.constant 48 : i32
          %add3A_925 = arith.addi %add3A_923, %add3A_924 : i32
          %add3A_926 = arith.constant 0 : i32
          %add3A_927 = vector.broadcast %add3A_926 : i32 to vector<16xi32>
          %add3A_928 = arith.addi %add3A_902, %add3A_927 : vector<16xi32>
          %gather3A_929 = tpu.vector_load_idx %arg10[%add3A_928] : memref<128xi32, #tpu.memory_space<vmem>>[vector<16xi32>], vector<16xi32>,
          %shift_left3A_930 = arith.constant 2 : i32
          %shift_left3A_931 = vector.broadcast %shift_left3A_930 : i32 to vector<16xi32>
          %shift_left3A_932 = arith.shli %gather3A_929, %shift_left3A_931 : vector<16xi32>
          %or3A_933 = arith.ori %shift_left3A_932, %and3A_3 : vector<16xi32>
          %swap3A_934 = arith.index_cast %add3A_925 : i32 to index
          %swap3A_935 = tpu.vector_load %arg13[%swap3A_934] {strides = array<i32>} : memref<2048xi32, #tpu.memory_space<vmem>>, vector<16xi32>,
          tpu.vector_store %arg13[%swap3A_934], %or3A_933 {strides = array<i32>} : memref<2048xi32, #tpu.memory_space<vmem>>, vector<16xi32>,
          %mul3A_936 = arith.mulf %mul3A_916, %gather3A_903 : vector<16xf32>
          %mul3A_937 = arith.mulf %get3A_915, %mul3A_936 : vector<16xf32>
          %swap3A_938 = arith.index_cast %add3A_925 : i32 to index
          %swap3A_939 = tpu.vector_load %arg14[%swap3A_938] {strides = array<i32>} : memref<2048xf32, #tpu.memory_space<vmem>>, vector<16xf32>,
          tpu.vector_store %arg14[%swap3A_938], %mul3A_937 {strides = array<i32>} : memref<2048xf32, #tpu.memory_space<vmem>>, vector<16xf32>,
          %mul3A_940 = arith.constant 512 : i32
          %mul3A_941 = arith.muli %scan3A_153, %mul3A_940 : i32
          %add3A_942 = arith.constant 64 : i32
          %add3A_943 = arith.addi %mul3A_941, %add3A_942 : i32
          %add3A_944 = arith.constant 48 : i32
          %add3A_945 = arith.addi %add3A_943, %add3A_944 : i32
          %add3A_946 = arith.constant 16 : i32
          %add3A_947 = vector.broadcast %add3A_946 : i32 to vector<16xi32>
          %add3A_948 = arith.addi %add3A_902, %add3A_947 : vector<16xi32>
          %gather3A_949 = tpu.vector_load_idx %arg10[%add3A_948] : memref<128xi32, #tpu.memory_space<vmem>>[vector<16xi32>], vector<16xi32>,
          %shift_left3A_950 = arith.constant 2 : i32
          %shift_left3A_951 = vector.broadcast %shift_left3A_950 : i32 to vector<16xi32>
          %shift_left3A_952 = arith.shli %gather3A_949, %shift_left3A_951 : vector<16xi32>
          %or3A_953 = arith.ori %shift_left3A_952, %and3A_3 : vector<16xi32>
          %swap3A_954 = arith.index_cast %add3A_945 : i32 to index
          %swap3A_955 = tpu.vector_load %arg13[%swap3A_954] {strides = array<i32>} : memref<2048xi32, #tpu.memory_space<vmem>>, vector<16xi32>,
          tpu.vector_store %arg13[%swap3A_954], %or3A_953 {strides = array<i32>} : memref<2048xi32, #tpu.memory_space<vmem>>, vector<16xi32>,
          %mul3A_956 = arith.mulf %mul3A_916, %gather3A_904 : vector<16xf32>
          %mul3A_957 = arith.mulf %get3A_915, %mul3A_956 : vector<16xf32>
          %swap3A_958 = arith.index_cast %add3A_945 : i32 to index
          %swap3A_959 = tpu.vector_load %arg14[%swap3A_958] {strides = array<i32>} : memref<2048xf32, #tpu.memory_space<vmem>>, vector<16xf32>,
          tpu.vector_store %arg14[%swap3A_958], %mul3A_957 {strides = array<i32>} : memref<2048xf32, #tpu.memory_space<vmem>>, vector<16xf32>,
          %mul3A_960 = arith.constant 512 : i32
          %mul3A_961 = arith.muli %scan3A_153, %mul3A_960 : i32
          %add3A_962 = arith.constant 128 : i32
          %add3A_963 = arith.addi %mul3A_961, %add3A_962 : i32
          %add3A_964 = arith.constant 48 : i32
          %add3A_965 = arith.addi %add3A_963, %add3A_964 : i32
          %add3A_966 = arith.constant 32 : i32
          %add3A_967 = vector.broadcast %add3A_966 : i32 to vector<16xi32>
          %add3A_968 = arith.addi %add3A_902, %add3A_967 : vector<16xi32>
          %gather3A_969 = tpu.vector_load_idx %arg10[%add3A_968] : memref<128xi32, #tpu.memory_space<vmem>>[vector<16xi32>], vector<16xi32>,
          %shift_left3A_970 = arith.constant 2 : i32
          %shift_left3A_971 = vector.broadcast %shift_left3A_970 : i32 to vector<16xi32>
          %shift_left3A_972 = arith.shli %gather3A_969, %shift_left3A_971 : vector<16xi32>
          %or3A_973 = arith.ori %shift_left3A_972, %and3A_3 : vector<16xi32>
          %swap3A_974 = arith.index_cast %add3A_965 : i32 to index
          %swap3A_975 = tpu.vector_load %arg13[%swap3A_974] {strides = array<i32>} : memref<2048xi32, #tpu.memory_space<vmem>>, vector<16xi32>,
          tpu.vector_store %arg13[%swap3A_974], %or3A_973 {strides = array<i32>} : memref<2048xi32, #tpu.memory_space<vmem>>, vector<16xi32>,
          %mul3A_976 = arith.mulf %mul3A_917, %gather3A_903 : vector<16xf32>
          %mul3A_977 = arith.mulf %get3A_915, %mul3A_976 : vector<16xf32>
          %swap3A_978 = arith.index_cast %add3A_965 : i32 to index
          %swap3A_979 = tpu.vector_load %arg14[%swap3A_978] {strides = array<i32>} : memref<2048xf32, #tpu.memory_space<vmem>>, vector<16xf32>,
          tpu.vector_store %arg14[%swap3A_978], %mul3A_977 {strides = array<i32>} : memref<2048xf32, #tpu.memory_space<vmem>>, vector<16xf32>,
          %mul3A_980 = arith.constant 512 : i32
          %mul3A_981 = arith.muli %scan3A_153, %mul3A_980 : i32
          %add3A_982 = arith.constant 192 : i32
          %add3A_983 = arith.addi %mul3A_981, %add3A_982 : i32
          %add3A_984 = arith.constant 48 : i32
          %add3A_985 = arith.addi %add3A_983, %add3A_984 : i32
          %add3A_986 = arith.constant 48 : i32
          %add3A_987 = vector.broadcast %add3A_986 : i32 to vector<16xi32>
          %add3A_988 = arith.addi %add3A_902, %add3A_987 : vector<16xi32>
          %gather3A_989 = tpu.vector_load_idx %arg10[%add3A_988] : memref<128xi32, #tpu.memory_space<vmem>>[vector<16xi32>], vector<16xi32>,
          %shift_left3A_990 = arith.constant 2 : i32
          %shift_left3A_991 = vector.broadcast %shift_left3A_990 : i32 to vector<16xi32>
          %shift_left3A_992 = arith.shli %gather3A_989, %shift_left3A_991 : vector<16xi32>
          %or3A_993 = arith.ori %shift_left3A_992, %and3A_3 : vector<16xi32>
          %swap3A_994 = arith.index_cast %add3A_985 : i32 to index
          %swap3A_995 = tpu.vector_load %arg13[%swap3A_994] {strides = array<i32>} : memref<2048xi32, #tpu.memory_space<vmem>>, vector<16xi32>,
          tpu.vector_store %arg13[%swap3A_994], %or3A_993 {strides = array<i32>} : memref<2048xi32, #tpu.memory_space<vmem>>, vector<16xi32>,
          %mul3A_996 = arith.mulf %mul3A_917, %gather3A_904 : vector<16xf32>
          %mul3A_997 = arith.mulf %get3A_915, %mul3A_996 : vector<16xf32>
          %swap3A_998 = arith.index_cast %add3A_985 : i32 to index
          %swap3A_999 = tpu.vector_load %arg14[%swap3A_998] {strides = array<i32>} : memref<2048xf32, #tpu.memory_space<vmem>>, vector<16xf32>,
          tpu.vector_store %arg14[%swap3A_998], %mul3A_997 {strides = array<i32>} : memref<2048xf32, #tpu.memory_space<vmem>>, vector<16xf32>,
          %mul3A_1000 = arith.constant 512 : i32
          %mul3A_1001 = arith.muli %scan3A_153, %mul3A_1000 : i32
          %add3A_1002 = arith.constant 256 : i32
          %add3A_1003 = arith.addi %mul3A_1001, %add3A_1002 : i32
          %add3A_1004 = arith.constant 48 : i32
          %add3A_1005 = arith.addi %add3A_1003, %add3A_1004 : i32
          %add3A_1006 = arith.constant 64 : i32
          %add3A_1007 = vector.broadcast %add3A_1006 : i32 to vector<16xi32>
          %add3A_1008 = arith.addi %add3A_902, %add3A_1007 : vector<16xi32>
          %gather3A_1009 = tpu.vector_load_idx %arg10[%add3A_1008] : memref<128xi32, #tpu.memory_space<vmem>>[vector<16xi32>], vector<16xi32>,
          %shift_left3A_1010 = arith.constant 2 : i32
          %shift_left3A_1011 = vector.broadcast %shift_left3A_1010 : i32 to vector<16xi32>
          %shift_left3A_1012 = arith.shli %gather3A_1009, %shift_left3A_1011 : vector<16xi32>
          %or3A_1013 = arith.ori %shift_left3A_1012, %and3A_3 : vector<16xi32>
          %swap3A_1014 = arith.index_cast %add3A_1005 : i32 to index
          %swap3A_1015 = tpu.vector_load %arg13[%swap3A_1014] {strides = array<i32>} : memref<2048xi32, #tpu.memory_space<vmem>>, vector<16xi32>,
          tpu.vector_store %arg13[%swap3A_1014], %or3A_1013 {strides = array<i32>} : memref<2048xi32, #tpu.memory_space<vmem>>, vector<16xi32>,
          %mul3A_1016 = arith.mulf %mul3A_918, %gather3A_903 : vector<16xf32>
          %mul3A_1017 = arith.mulf %get3A_915, %mul3A_1016 : vector<16xf32>
          %swap3A_1018 = arith.index_cast %add3A_1005 : i32 to index
          %swap3A_1019 = tpu.vector_load %arg14[%swap3A_1018] {strides = array<i32>} : memref<2048xf32, #tpu.memory_space<vmem>>, vector<16xf32>,
          tpu.vector_store %arg14[%swap3A_1018], %mul3A_1017 {strides = array<i32>} : memref<2048xf32, #tpu.memory_space<vmem>>, vector<16xf32>,
          %mul3A_1020 = arith.constant 512 : i32
          %mul3A_1021 = arith.muli %scan3A_153, %mul3A_1020 : i32
          %add3A_1022 = arith.constant 320 : i32
          %add3A_1023 = arith.addi %mul3A_1021, %add3A_1022 : i32
          %add3A_1024 = arith.constant 48 : i32
          %add3A_1025 = arith.addi %add3A_1023, %add3A_1024 : i32
          %add3A_1026 = arith.constant 80 : i32
          %add3A_1027 = vector.broadcast %add3A_1026 : i32 to vector<16xi32>
          %add3A_1028 = arith.addi %add3A_902, %add3A_1027 : vector<16xi32>
          %gather3A_1029 = tpu.vector_load_idx %arg10[%add3A_1028] : memref<128xi32, #tpu.memory_space<vmem>>[vector<16xi32>], vector<16xi32>,
          %shift_left3A_1030 = arith.constant 2 : i32
          %shift_left3A_1031 = vector.broadcast %shift_left3A_1030 : i32 to vector<16xi32>
          %shift_left3A_1032 = arith.shli %gather3A_1029, %shift_left3A_1031 : vector<16xi32>
          %or3A_1033 = arith.ori %shift_left3A_1032, %and3A_3 : vector<16xi32>
          %swap3A_1034 = arith.index_cast %add3A_1025 : i32 to index
          %swap3A_1035 = tpu.vector_load %arg13[%swap3A_1034] {strides = array<i32>} : memref<2048xi32, #tpu.memory_space<vmem>>, vector<16xi32>,
          tpu.vector_store %arg13[%swap3A_1034], %or3A_1033 {strides = array<i32>} : memref<2048xi32, #tpu.memory_space<vmem>>, vector<16xi32>,
          %mul3A_1036 = arith.mulf %mul3A_918, %gather3A_904 : vector<16xf32>
          %mul3A_1037 = arith.mulf %get3A_915, %mul3A_1036 : vector<16xf32>
          %swap3A_1038 = arith.index_cast %add3A_1025 : i32 to index
          %swap3A_1039 = tpu.vector_load %arg14[%swap3A_1038] {strides = array<i32>} : memref<2048xf32, #tpu.memory_space<vmem>>, vector<16xf32>,
          tpu.vector_store %arg14[%swap3A_1038], %mul3A_1037 {strides = array<i32>} : memref<2048xf32, #tpu.memory_space<vmem>>, vector<16xf32>,
          %mul3A_1040 = arith.constant 512 : i32
          %mul3A_1041 = arith.muli %scan3A_153, %mul3A_1040 : i32
          %add3A_1042 = arith.constant 384 : i32
          %add3A_1043 = arith.addi %mul3A_1041, %add3A_1042 : i32
          %add3A_1044 = arith.constant 48 : i32
          %add3A_1045 = arith.addi %add3A_1043, %add3A_1044 : i32
          %add3A_1046 = arith.constant 96 : i32
          %add3A_1047 = vector.broadcast %add3A_1046 : i32 to vector<16xi32>
          %add3A_1048 = arith.addi %add3A_902, %add3A_1047 : vector<16xi32>
          %gather3A_1049 = tpu.vector_load_idx %arg10[%add3A_1048] : memref<128xi32, #tpu.memory_space<vmem>>[vector<16xi32>], vector<16xi32>,
          %shift_left3A_1050 = arith.constant 2 : i32
          %shift_left3A_1051 = vector.broadcast %shift_left3A_1050 : i32 to vector<16xi32>
          %shift_left3A_1052 = arith.shli %gather3A_1049, %shift_left3A_1051 : vector<16xi32>
          %or3A_1053 = arith.ori %shift_left3A_1052, %and3A_3 : vector<16xi32>
          %swap3A_1054 = arith.index_cast %add3A_1045 : i32 to index
          %swap3A_1055 = tpu.vector_load %arg13[%swap3A_1054] {strides = array<i32>} : memref<2048xi32, #tpu.memory_space<vmem>>, vector<16xi32>,
          tpu.vector_store %arg13[%swap3A_1054], %or3A_1053 {strides = array<i32>} : memref<2048xi32, #tpu.memory_space<vmem>>, vector<16xi32>,
          %mul3A_1056 = arith.mulf %mul3A_919, %gather3A_903 : vector<16xf32>
          %mul3A_1057 = arith.mulf %get3A_915, %mul3A_1056 : vector<16xf32>
          %swap3A_1058 = arith.index_cast %add3A_1045 : i32 to index
          %swap3A_1059 = tpu.vector_load %arg14[%swap3A_1058] {strides = array<i32>} : memref<2048xf32, #tpu.memory_space<vmem>>, vector<16xf32>,
          tpu.vector_store %arg14[%swap3A_1058], %mul3A_1057 {strides = array<i32>} : memref<2048xf32, #tpu.memory_space<vmem>>, vector<16xf32>,
          %mul3A_1060 = arith.constant 512 : i32
          %mul3A_1061 = arith.muli %scan3A_153, %mul3A_1060 : i32
          %add3A_1062 = arith.constant 448 : i32
          %add3A_1063 = arith.addi %mul3A_1061, %add3A_1062 : i32
          %add3A_1064 = arith.constant 48 : i32
          %add3A_1065 = arith.addi %add3A_1063, %add3A_1064 : i32
          %add3A_1066 = arith.constant 112 : i32
          %add3A_1067 = vector.broadcast %add3A_1066 : i32 to vector<16xi32>
          %add3A_1068 = arith.addi %add3A_902, %add3A_1067 : vector<16xi32>
          %gather3A_1069 = tpu.vector_load_idx %arg10[%add3A_1068] : memref<128xi32, #tpu.memory_space<vmem>>[vector<16xi32>], vector<16xi32>,
          %shift_left3A_1070 = arith.constant 2 : i32
          %shift_left3A_1071 = vector.broadcast %shift_left3A_1070 : i32 to vector<16xi32>
          %shift_left3A_1072 = arith.shli %gather3A_1069, %shift_left3A_1071 : vector<16xi32>
          %or3A_1073 = arith.ori %shift_left3A_1072, %and3A_3 : vector<16xi32>
          %swap3A_1074 = arith.index_cast %add3A_1065 : i32 to index
          %swap3A_1075 = tpu.vector_load %arg13[%swap3A_1074] {strides = array<i32>} : memref<2048xi32, #tpu.memory_space<vmem>>, vector<16xi32>,
          tpu.vector_store %arg13[%swap3A_1074], %or3A_1073 {strides = array<i32>} : memref<2048xi32, #tpu.memory_space<vmem>>, vector<16xi32>,
          %mul3A_1076 = arith.mulf %mul3A_919, %gather3A_904 : vector<16xf32>
          %mul3A_1077 = arith.mulf %get3A_915, %mul3A_1076 : vector<16xf32>
          %swap3A_1078 = arith.index_cast %add3A_1065 : i32 to index
          %swap3A_1079 = tpu.vector_load %arg14[%swap3A_1078] {strides = array<i32>} : memref<2048xf32, #tpu.memory_space<vmem>>, vector<16xf32>,
          tpu.vector_store %arg14[%swap3A_1078], %mul3A_1077 {strides = array<i32>} : memref<2048xf32, #tpu.memory_space<vmem>>, vector<16xf32>,
        }
        %scan3A_150 = arith.constant 4 : i32
        %dma_start3A_151 = arith.constant 0 : i32
        %dma_start3A_152 = tpu.memref_slice %arg6[%dma_start3A_151] : memref<1048576xf32, #tpu.memory_space<vmem_shared>> -> memref<1048576xf32, #tpu.memory_space<vmem_shared>>
        tpu.enqueue_indirect_dma source(%arg14 : memref<2048xf32, #tpu.memory_space<vmem>>) target(%dma_start3A_152 : memref<1048576xf32, #tpu.memory_space<vmem_shared>>) offsets(%arg13 : memref<2048xi32, #tpu.memory_space<vmem>>) semaphore(%arg23 : memref<!tpu.dma_semaphore, #tpu.memory_space<semaphore_mem>>) {add = true}
      }
      %scan3A_39 = arith.constant 64 : i32
    }
    %scan3A_24 = arith.constant 8 : i32
    %dma_wait3A = arith.constant 0 : i32
    %dma_wait3A_25 = tpu.memref_slice %arg6[%dma_wait3A] : memref<1048576xf32, #tpu.memory_space<vmem_shared>> -> memref<1048576xf32, #tpu.memory_space<vmem_shared>>
    tpu.wait_indirect_dma semaphore(%arg22 : memref<!tpu.dma_semaphore, #tpu.memory_space<semaphore_mem>>) src(%arg12 : memref<2048xf32, #tpu.memory_space<vmem>>) dst(%dma_wait3A_25 : memref<1048576xf32, #tpu.memory_space<vmem_shared>>)
    %dma_wait3A_26 = arith.constant 0 : i32
    %dma_wait3A_27 = tpu.memref_slice %arg6[%dma_wait3A_26] : memref<1048576xf32, #tpu.memory_space<vmem_shared>> -> memref<1048576xf32, #tpu.memory_space<vmem_shared>>
    tpu.wait_indirect_dma semaphore(%arg23 : memref<!tpu.dma_semaphore, #tpu.memory_space<semaphore_mem>>) src(%arg14 : memref<2048xf32, #tpu.memory_space<vmem>>) dst(%dma_wait3A_27 : memref<1048576xf32, #tpu.memory_space<vmem_shared>>)
    %barrier3A_28 = arith.constant 0 : index
    tpu.barrier barrier_id(%barrier3A_28)
    "tpu.region"() ({
      %run_scoped3A = tpu.sem_alloc : memref<!tpu.dma_semaphore, #tpu.memory_space<semaphore_mem>>
      %dma_start3A = tpu.memref_slice %arg5[%arg0, %mul3A_10] : memref<2x1048576xf32, #tpu.memory_space<hbm>> -> memref<1x65536xf32, #tpu.memory_space<hbm>>
      %dma_start3A_29 = tpu.memref_squeeze %dma_start3A : memref<1x65536xf32, #tpu.memory_space<hbm>> -> memref<65536xf32, #tpu.memory_space<hbm>>
      %dma_start3A_30 = tpu.memref_slice %arg6[%mul3A_10] : memref<1048576xf32, #tpu.memory_space<vmem_shared>> -> memref<65536xf32, #tpu.memory_space<vmem_shared>>
      tpu.enqueue_dma source(%dma_start3A_30 : memref<65536xf32, #tpu.memory_space<vmem_shared>>) target(%dma_start3A_29 : memref<65536xf32, #tpu.memory_space<hbm>>) target_semaphore(%run_scoped3A : memref<!tpu.dma_semaphore, #tpu.memory_space<semaphore_mem>>)
      %dma_wait3A_31 = tpu.memref_slice %arg5[%arg0, %mul3A_10] : memref<2x1048576xf32, #tpu.memory_space<hbm>> -> memref<1x65536xf32, #tpu.memory_space<hbm>>
      %dma_wait3A_32 = tpu.memref_squeeze %dma_wait3A_31 : memref<1x65536xf32, #tpu.memory_space<hbm>> -> memref<65536xf32, #tpu.memory_space<hbm>>
      %dma_wait3A_33 = tpu.memref_slice %arg6[%mul3A_10] : memref<1048576xf32, #tpu.memory_space<vmem_shared>> -> memref<65536xf32, #tpu.memory_space<vmem_shared>>
      tpu.wait_dma2 semaphore(%run_scoped3A : memref<!tpu.dma_semaphore, #tpu.memory_space<semaphore_mem>>) src(%dma_wait3A_33 : memref<65536xf32, #tpu.memory_space<vmem_shared>>) dst(%dma_wait3A_32 : memref<65536xf32, #tpu.memory_space<hbm>>)
      tpu.yield
    }) : () -> ()
    return
  }
}

</mosaic_0001>

<sc_bundles>
// kernel: kernel.3.cloned.1.call-start
scs
__scs_entry_jumppad:
0x0: {  	(pc) =	sbr.rel $0x88, $3  }
0x1: {  	(tag) =	ssettag $0x0;
	lr =	simm.s32 $0x1  }
0x2: {  	[smem:$0x3F9D] =	sst lr;
	_ =	strace $0xD0000000  }
0x3: {  	_ = 	snop  }
0x4: {  	_ = 	snop  }
0x5: {  	_ = 	snop  }
0x6: {  	_ = 	snop  }
0x7: {  	_ = 	snop  }
__scs_overlays_trampoline_lowered:
0x8: {  	[smem:$0x3FAC] =	sst s0  }
0x9: {  	[smem:$0x3FAD] =	sst s1  }
0xa: {  	[smem:$0x3FAE] =	sst s2  }
0xb: {  	[smem:$0x3FAF] =	sst s3  }
0xc: {  	[smem:$0x3FB0] =	sst s4  }
0xd: {  	[smem:$0x3FB1] =	sst s5  }
0xe: {  	[smem:$0x3FB2] =	sst s6  }
0xf: {  	[smem:$0x3FB3] =	sst s7  }
0x10: {  	[smem:$0x3FB4] =	sst s8  }
0x11: {  	[smem:$0x3FB5] =	sst s9;
	s0 =	simm.s32 @!p0 $0x0  }
0x12: {  	s1 =	sld [smem:$0x3F9B];
	s0 =	simm.s32 @p0 $0x1  }
0x13: {  	[smem:$0x3FB6] =	sst s0;
	s0 =	simm.s32 @!p1 $0x0  }
0x14: {  	s2 =	sld [smem:$0x3F9A];
	s0 =	simm.s32 @p1 $0x1  }
0x15: {  	[smem:$0x3FB7] =	sst s0;
	s0 =	simm.s32 @!p2 $0x0  }
0x16: {  	s3 =	sld [smem:$0x3FDB];
	s0 =	simm.s32 @p2 $0x1  }
0x17: {  	s4 =	simm.s32 $0x1BF5;
	[smem:$0x3FB9] =	sst s0  }
0x18: {  	s0 =	sld [smem:$0x3F9C];
	_ =	swait.ge [sflag:s4], $0x0  }
0x19: {  	s7 =	sld [smem:$0x3F9D]  }
0x1a: {  	s8 =	sadd.s32 $0xFFFFE003, lr  }
0x1b: {  	s9 =	sadd.s32 $0xFFFFFEF7, lr;
	s5 =	simm.s32 $0xFFFFFFFF;
	p2 =	slt.u32 s8, $0xFFFFF086  }
0x1c: {  	p1 =	slt.u32 s9, $0xF7A;
	s5 =	simm.s32 @!p2 $0x0  }
0x1d: {  	s5 =	simm.s32 @p1 $0x1;
	p0 =	seq.s32 s7, s2  }
0x1e: {  	s7 =	smul.u32 @!p0 $0xF7A, s2;
	p2 =	seq.s32 @!p0 s5, $0x0  }
0x1f: {  	s9 =	smul.u32 $0xF7A, s1;
	s8 =	simm.s32 @!p0 $0x1BF5;
	p2 =	por !p2, p0  }
0x20: {  	[sflag:s8] =	ssyncset.s32 @!p0 $0xFFFFF086;
	s6 =	sadd.s32 @!p0 s3, s7;
	s7 =	simm.s32 @!p0 $0x108  }
0x21: {  	s3 =	sadd.s32 s3, s9;
	s6 =	sadd.s32 @!p0 $0x88, s6;
	s7 =	simm.s32 @p2 $0x1082  }
0x22: {  	[simem:s7], [sflag:s8] =	dma.local @!p0 [hbm:s6], $0xF7A  }
0x23: {  	s9 =	sor.u32 $0xD0000000, s2;
	s6 =	simm.s32 $0x108;
	_ =	swait.ge @!p0 [sflag:s8], $0x0  }
0x24: {  	s3 =	sadd.s32 $0x88, s3;
	s6 =	simm.s32 @!p1 $0x1082;
	[sflag:s4] =	ssyncset.s32 $0xFFFFF086  }
0x25: {  	[simem:s6], [sflag:s4] =	dma.local [hbm:s3], $0xF7A  }
0x26: {  	[smem:$0x3F9D] =	sst s1;
	(tag) =	ssettag s2;
	_ =	strace s9  }
0x27: {  	s1 =	sld [smem:$0x3FAD]  }
0x28: {  	s2 =	sld [smem:$0x3FAE]  }
0x29: {  	s4 =	sld [smem:$0x3FB0]  }
0x2a: {  	p0 =	seq.s32 s5, $0x0;
	s5 =	sld [smem:$0x3FB1]  }
0x2b: {  	s6 =	sld [smem:$0x3FB2]  }
0x2c: {  	s7 =	sld [smem:$0x3FB3]  }
0x2d: {  	s3 =	simm.s32 $0x108;
	s8 =	sld [smem:$0x3FB4]  }
0x2e: {  	s3 =	simm.s32 @!p0 $0x1082;
	s9 =	sld [smem:$0x3FB5]  }
0x2f: {  	lr =	sadd.s32 s0, s3;
	s0 =	sld [smem:$0x3FAC]  }
0x30: {  	s3 =	sld [smem:$0x3FAF]  }
0x31: {  	[smem:$0x3FB8] =	sst s10  }
0x32: {  	s10 =	sld [smem:$0x3FB6];
	_ =	sdelay $0x3  }
0x33: {  	p0 =	seq.s32 s10, $0x1;
	s10 =	sld [smem:$0x3FB8];
	_ =	sdelay $0x3  }
0x34: {  	[smem:$0x3FB8] =	sst s10  }
0x35: {  	s10 =	sld [smem:$0x3FB7];
	_ =	sdelay $0x3  }
0x36: {  	p1 =	seq.s32 s10, $0x1;
	s10 =	sld [smem:$0x3FB8];
	_ =	sdelay $0x3  }
0x37: {  	[smem:$0x3FB8] =	sst s10  }
0x38: {  	s10 =	sld [smem:$0x3FB9]  }
0x39: {  	_ = 	snop;
	(pc) =	sbr.ind lr, $3  }
0x3a: {  	_ = 	snop  }
0x3b: {  	_ = 	snop  }
0x3c: {  	p2 =	seq.s32 s10, $0x1;
	s10 =	sld [smem:$0x3FB8]  }
0x3d: {  	_ =	shalt  }
0x3e: {  	_ =	shalt  }
0x3f: {  	_ =	shalt  }
0x40: {  	_ =	shalt  }
0x41: {  	_ =	shalt  }
0x42: {  	_ =	shalt  }
0x43: {  	_ =	shalt  }
0x44: {  	_ =	shalt  }
0x45: {  	_ =	shalt  }
0x46: {  	_ =	shalt  }
0x47: {  	_ =	shalt  }
0x48: {  	_ =	shalt  }
0x49: {  	_ =	shalt  }
0x4a: {  	_ =	shalt  }
0x4b: {  	_ =	shalt  }
0x4c: {  	_ =	shalt  }
0x4d: {  	_ =	shalt  }
0x4e: {  	_ =	shalt  }
0x4f: {  	_ =	shalt  }
0x50: {  	_ =	shalt  }
0x51: {  	_ =	shalt  }
0x52: {  	_ =	shalt  }
0x53: {  	_ =	shalt  }
0x54: {  	_ =	shalt  }
0x55: {  	_ =	shalt  }
0x56: {  	_ =	shalt  }
0x57: {  	_ =	shalt  }
0x58: {  	_ =	shalt  }
0x59: {  	_ =	shalt  }
0x5a: {  	_ =	shalt  }
0x5b: {  	_ =	shalt  }
0x5c: {  	_ =	shalt  }
0x5d: {  	_ =	shalt  }
0x5e: {  	_ =	shalt  }
0x5f: {  	_ =	shalt  }
0x60: {  	_ =	shalt  }
0x61: {  	_ =	shalt  }
0x62: {  	_ =	shalt  }
0x63: {  	_ =	shalt  }
0x64: {  	_ =	shalt  }
0x65: {  	_ =	shalt  }
0x66: {  	_ =	shalt  }
0x67: {  	_ =	shalt  }
0x68: {  	_ =	shalt  }
0x69: {  	_ =	shalt  }
0x6a: {  	_ =	shalt  }
0x6b: {  	_ =	shalt  }
0x6c: {  	_ =	shalt  }
0x6d: {  	_ =	shalt  }
0x6e: {  	_ =	shalt  }
0x6f: {  	_ =	shalt  }
0x70: {  	_ =	shalt  }
0x71: {  	_ =	shalt  }
0x72: {  	_ =	shalt  }
0x73: {  	_ =	shalt  }
0x74: {  	_ =	shalt  }
0x75: {  	_ =	shalt  }
0x76: {  	_ =	shalt  }
0x77: {  	_ =	shalt  }
0x78: {  	_ =	shalt  }
0x79: {  	_ =	shalt  }
0x7a: {  	_ =	shalt  }
0x7b: {  	_ =	shalt  }
0x7c: {  	_ =	shalt  }
0x7d: {  	_ =	shalt  }
0x7e: {  	_ =	shalt  }
0x7f: {  	_ =	shalt  }
0x80: {  	_ =	shalt  }
0x81: {  	_ =	shalt  }
0x82: {  	_ =	shalt  }
0x83: {  	_ =	shalt  }
0x84: {  	_ =	shalt  }
0x85: {  	_ =	shalt  }
0x86: {  	_ =	shalt  }
0x87: {  	_ =	shalt  }
.Lfunc_end0:
.L_simem_size_0:
called_computation.2_lowered:
.L_overlay_start_0:
0x88: {  	s2 =	sld [smem:$0x3FD9]  }
0x89: {  	s3 =	sld [smem:$0x3FFE];
	_ =	sdelay $0x1  }
0x8a: {  	s1 =	srdreg.scid  }
0x8b: {  	s0 =	sand.u32 $0x1, s1  }
0x8c: {  	s17 =	sshll.u32 s0, $0xA;
	s2 =	sadd.s32 s3, s2  }
0x8d: {  	s2 =	sadd.s32 s2, s17  }
0x8e: {  	[smem:$0x3FC4] =	sst s2  }
0x8f: {  	_ = 	snop  }
0x90: {  	s2 =	sld [smem:$0x3FD0];
	(tm) =	ssettm $0x1  }
0x91: {  	s18 =	sld [smem:$0x3FFB];
	_ =	sdelay $0x3  }
0x92: {  	_ =	strace s18  }
0x93: {  	s3 =	sld [smem:$0x3FFC];
	_ =	sdelay $0x3  }
0x94: {  	_ =	strace s3  }
0x95: {  	s3 =	sld [smem:$0x3FFD];
	_ =	sdelay $0x3  }
0x96: {  	_ =	strace s3  }
0x97: {  	_ =	strace $0x8FFFFFFF  }
0x98: {  	s19 =	sld [smem:$0x3FDB];
	_ =	sdelay $0x1  }
0x99: {  	s4 =	simm.s32 $_scs_section_size  }
0x9a: {  	s5 =	simm.s32 $_size__tile_overlayer_lowered;
	s6 =	simm.s32 $_tile_overlayer_lowered  }
0x9b: {  	s22 =	simm.s32 $0x1BFF;
	s21 =	sshll.u32 s6, $0x1;
	s3 =	sadd.s32 s4, s19  }
0x9c: {  	s7 =	simm.s32 $0x0;
	s20 =	sshll.u32 s5, $0x1;
	s5 =	sadd.s32 s21, s3  }
0x9d: {  	[timem:s7], [sflag:s22] =	dma.local [hbm:s5], s20  }
0x9e: {  	_ =	swait.ge [sflag:s22], s20  }
0x9f: {  	s4 =	ssub.s32 $0x0, s20;
	[sflag:s22] =	ssyncset.done $0x0  }
0xa0: {  	[sflag:s22] =	ssyncadd.s32 s4;
	_ =	sdelay $0x1  }
0xa1: {  	s23 =	simm.s32 $0x1B8B  }
0xa2: {  	_ =	swait.ge [sflag:s23], $0x1  }
0xa3: {  	[sflag:s23] =	ssyncset.done $0x0  }
0xa4: {  	s25 =	simm.s32 $0x1B8E;
	s24 =	sld [smem:$0x3FFE];
	[sflag:s23] =	ssyncadd.s32 $0xFFFFFFFF  }
0xa5: {  	s26 =	simm.s32 $execute0_lowered;
	[smem:$0x3FD2] =	sst s25  }
0xa6: {  	s5 =	sshll.u32 s26, $0x1;
	_ =	strace $0x8000004C;
	[dreg:$0x1] =	wrdreg $0xFFFFFFFF  }
0xa7: {  	s28 =	simm.s32 $_size_execute0_lowered;
	s3 =	sadd.s32 s3, s5;
	[dreg:$0x0] =	wrdreg $0x0  }
0xa8: {  	s5 =	sshll.u32 s28, $0x1;
	[dreg:$0x2] =	wrdreg s3  }
0xa9: {  	[dreg:$0x3] =	wrdreg s5  }
0xaa: {  	[dreg:$0x4] =	wrdreg $0xC0  }
0xab: {  	_ =	task [dreg:s7], $0x5FFFF  }
0xac: {  	[dreg:$0x1] =	wrdreg $0xFFFFFFFF  }
0xad: {  	[dreg:$0x0] =	wrdreg $0x60  }
0xae: {  	[dreg:$0x2] =	wrdreg s24  }
0xaf: {  	[dreg:$0x3] =	wrdreg s2  }
0xb0: {  	[dreg:$0x4] =	wrdreg $0x0  }
0xb1: {  	[dreg:$0x5] =	wrdreg $0x9  }
0xb2: {  	_ =	task.clear_ibuf [dreg:s7], $0x6FFFF;
	_ =	strace $0x9000004C  }
0xb3: {  	s29 =	simm.s32 $0x9;
	_ =	strace $0x8000004E  }
0xb4: {  	_ =	swait.ge [sflag:s29], $0x1  }
0xb5: {  	[sflag:s29] =	ssyncadd.s32 $0xFFFFFFFF  }
0xb6: {  	_ =	strace $0x9000004E  }
0xb7: {  	_ =	sfence  }
0xb8: {  	s30 =	sld [smem:$0x0];
	_ =	sdelay $0x2  }
0xb9: {  	s31 =	sshll.u32 s1, $0xD;
	s1 =	sshrl.u32 s1, $0x2  }
0xba: {  	s3 =	sand.u32 $0x4000, s31;
	s1 =	sadd.s32 s1, s30  }
0xbb: {  	s0 =	sor.u32 s3, s0;
	s1 =	sshll.u32 s1, $0x11  }
0xbc: {  	s0 =	sor.u32 s1, s0  }
0xbd: {  	s0 =	sadd.s32 $0x8F2B, s0  }
0xbe: {  	[sflag:s0] =	ssyncadd.remote.s32 $0x1  }
0xbf: {  	_ =	sfence.sel $0xFFFF  }
0xc0: {  	[dreg:$0x0] =	wrdreg $0xFFFFFFFF;
	(pc) =	sbr.abs _section_cstart, $3  }
0xc1: {  	[dreg:$0x1] =	wrdreg $0xFFFFFFFF  }
0xc2: {  	_ =	task.clear_ibuf [dreg:s7], $0x2FFFF;
	_ =	strace $0x9FFFFFFF  }
0xc3: {  	(tm) =	ssettm $0x7FFFFFFF  }
tec
execute0_lowered:
.L_overlay_start_1:
0x0: {  	(tag) =	ssettag $0x1  }
0x1: {  	s0 =	rddreg [dreg:$0x0]  }
0x2: {  	s2 =	rddreg [dreg:$0x1]  }
0x3: {  	s1 =	rddreg [dreg:$0x2];
	s20 =	simm.s32 $0x0;
	s4 =	stileid.u32  }
0x4: {  	[smem:$0x7FF] =	sst s20;
	s5 =	sshll.u32 s4, $0x10;
	s7 =	sadd.s32 $0x201800, s0  }
0x5: {  	_ =	strace $0x8000004D;
	[dreg:$0x5] =	wrdreg s7;
	s21 =	sadd.s32 s5, s1  }
0x6: {  	s13 =	sadd.s32 $0x1000, s21;
	[dreg:$0x6] =	wrdreg s21  }
0x7: {  	s3 =	srdreg.scid;
	s14 =	sadd.s32 $0x2000, s21;
	[dreg:$0x9] =	wrdreg s13  }
0x8: {  	s29 =	simm.s32 $0x3;
	s15 =	sadd.s32 $0x3000, s21;
	[dreg:$0xa] =	wrdreg s14  }
0x9: {  	s3 =	sand.u32 $0x1, s3;
	s16 =	sadd.s32 $0x4000, s21;
	[dreg:$0xb] =	wrdreg s15  }
0xa: {  	s6 =	sshll.u32 s3, $0x14;
	s17 =	sadd.s32 $0x5000, s21;
	[dreg:$0xc] =	wrdreg s16  }
0xb: {  	s9 =	sshll.u32 s3, $0x13;
	s18 =	sadd.s32 $0x6000, s21;
	[dreg:$0xd] =	wrdreg s17  }
0xc: {  	s8 =	ssub.s32 $0x2, s3;
	s19 =	sadd.s32 $0x7000, s21;
	[dreg:$0xe] =	wrdreg s18  }
0xd: {  	s11 =	sshll.u32 s3, $0x11;
	s22 =	sadd.s32 $0x8000, s21;
	[dreg:$0xf] =	wrdreg s19  }
0xe: {  	s7 =	smul.u32 $0x18000, s3;
	s23 =	sadd.s32 $0x9000, s21;
	[dreg:$0x10] =	wrdreg s22  }
0xf: {  	v3 =	vlaneseq.u32;
	s6 =	sor.u32 s5, s6;
	s24 =	sadd.s32 $0xA000, s21;
	[dreg:$0x11] =	wrdreg s23  }
0x10: {  	v0 =	vimm.f32 $0.0e+00;
	v1 =	vshrl.u32 v3, $0x2;
	s9 =	sadd.s32 s9, s0;
	s25 =	sadd.s32 $0xB000, s21;
	[dreg:$0x12] =	wrdreg s24  }
0x11: {  	v2 =	vimm.s32 $0x0;
	v3 =	vand.u32 $0x3, v3;
	v4 =	vor.u32 $0x10, v1;
	s10 =	sshrl.u32 s8, $0x1;
	s26 =	sadd.s32 $0xC000, s21;
	[dreg:$0x13] =	wrdreg s25  }
0x12: {  	v5 =	vor.u32 $0x20, v1;
	v6 =	vor.u32 $0x30, v1;
	v7 =	vor.u32 $0x40, v1;
	s28 =	sadd.s32 $0xD000, s21;
	s30 =	sadd.s32 $0xE000, s21;
	[dreg:$0x14] =	wrdreg s26  }
0x13: {  	v8 =	vor.u32 $0x50, v1;
	v9 =	vor.u32 $0x60, v1;
	v10 =	vor.u32 $0x70, v1;
	s31 =	sadd.s32 $0xF000, s21;
	s6 =	sshrl.u32 s6, $0x3;
	[dreg:$0x15] =	wrdreg s28  }
0x14: {  	v11 =	vor.u32 $0x4, v1;
	v12 =	vor.u32 $0x14, v1;
	v13 =	vor.u32 $0x24, v1;
	s10 =	ssub.s32 s8, s10;
	s8 =	sadd.s32 s2, s11;
	[dreg:$0x16] =	wrdreg s30  }
0x15: {  	v14 =	vor.u32 $0x34, v1;
	v15 =	vor.u32 $0x44, v1;
	v16 =	vor.u32 $0x54, v1;
	s9 =	sadd.s32 $0x1800, s9;
	[dreg:$0x17] =	wrdreg s31;
	s2 =	simm.s32 $0x1D3A0  }
0x16: {  	v17 =	vor.u32 $0x64, v1;
	v18 =	vor.u32 $0x74, v1;
	v19 =	vor.u32 $0x8, v1;
	s11 =	simm.s32 $0x1D3C0;
	s13 =	simm.s32 $0x1D3E0;
	s14 =	simm.s32 $0x1A310  }
0x17: {  	v20 =	vor.u32 $0x18, v1;
	v21 =	vor.u32 $0x28, v1;
	v22 =	vor.u32 $0x38, v1;
	s15 =	simm.s32 $0x800;
	s16 =	simm.s32 $0x1A390;
	s17 =	simm.s32 $0x1AB90  }
0x18: {  	v23 =	vor.u32 $0x48, v1;
	v24 =	vor.u32 $0x58, v1;
	v25 =	vor.u32 $0x68, v1;
	s18 =	simm.s32 $0x1B390;
	s19 =	simm.s32 $0x1BB90;
	s22 =	simm.s32 $0x0  }
0x19: {  	v26 =	vor.u32 $0x78, v1;
	v27 =	vor.u32 $0xC, v1;
	v28 =	vor.u32 $0x1C, v1;
	s0 =	sadd.s32 s6, s0;
	s6 =	sshll.u32 s4, $0xA;
	s12 =	smax.u32 s10, $0x1  }
0x1a: {  	v29 =	vor.u32 $0x2C, v1;
	v30 =	vor.u32 $0x3C, v1;
	v31 =	vor.u32 $0x4C, v1;
	s10 =	simm.s32 $0x1D3B0;
	s0 =	sadd.s32 $0x101800, s0;
	[dreg:$0x8] =	wrdreg s12  }
0x1b: {  	v32 =	vor.u32 $0x5C, v1;
	v33 =	vor.u32 $0x6C, v1;
	v34 =	vor.u32 $0x7C, v1;
	s12 =	simm.s32 $0x1D3D0;
	[dreg:$0x7] =	wrdreg s0;
	s0 =	simm.s32 $0x1D390  }
.LBB2_1:
0x1c: {  	[dreg:$0x4] =	wrdreg s20;
	s3 =	simm.s32 $0x40;
	s5 =	simm.s32 $0x0  }
.LBB2_2:
0x1d: {  	p0 =	sne.s32 s3, $0x3FC0;
	[tilespmem:s5+$0x1C390] =	vst v0;
	s5 =	smov.u32 s3;
	s3 =	sadd.s32 $0x40, s3  }
.Ltmp0:
0x1e: {  	(pc) =	sbr.rel @p0 .LBB2_2-.Ltmp0, $2  }
0x1f: {  	_ =	sdelay $0x2  }
0x20: {  	s5 =	sshra.s32 s5, $0x2  }
0x21: {  	[tilespmem:s5+$0x1C390] =	vst v0;
	s4 =	simm.s32 $0x1C390  }
0x22: {  	[spmem:s21] =	stream.linear.scatter [tilespmem:s4], [sflag:$0x3], $0x1000, $0x38;
	[tilespmem:$0x1D3F0] =	vst v63  }
0x23: {  	_ =	swait.ge [sflag:s29], $0x1000  }
0x24: {  	[sflag:s29] =	ssyncset.done $0x0  }
0x25: {  	s3 =	rddreg [dreg:$0x9];
	[sflag:s29] =	ssyncadd.s32 $0xFFFFF000  }
0x26: {  	[spmem:s3] =	stream.linear.scatter [tilespmem:s4], [sflag:$0x3], $0x1000, $0x38;
	[tilespmem:$0x1D3F0] =	vst v63  }
0x27: {  	_ =	swait.ge [sflag:s29], $0x1000  }
0x28: {  	[sflag:s29] =	ssyncset.done $0x0  }
0x29: {  	s26 =	rddreg [dreg:$0xa];
	[sflag:s29] =	ssyncadd.s32 $0xFFFFF000  }
0x2a: {  	[spmem:s26] =	stream.linear.scatter [tilespmem:s4], [sflag:$0x3], $0x1000, $0x38;
	[tilespmem:$0x1D3F0] =	vst v63  }
0x2b: {  	_ =	swait.ge [sflag:s29], $0x1000  }
0x2c: {  	[sflag:s29] =	ssyncset.done $0x0  }
0x2d: {  	s28 =	rddreg [dreg:$0xb];
	[sflag:s29] =	ssyncadd.s32 $0xFFFFF000  }
0x2e: {  	[spmem:s28] =	stream.linear.scatter [tilespmem:s4], [sflag:$0x3], $0x1000, $0x38;
	[tilespmem:$0x1D3F0] =	vst v63  }
0x2f: {  	_ =	swait.ge [sflag:s29], $0x1000  }
0x30: {  	[sflag:s29] =	ssyncset.done $0x0  }
0x31: {  	s30 =	rddreg [dreg:$0xc];
	[sflag:s29] =	ssyncadd.s32 $0xFFFFF000  }
0x32: {  	[spmem:s30] =	stream.linear.scatter [tilespmem:s4], [sflag:$0x3], $0x1000, $0x38;
	[tilespmem:$0x1D3F0] =	vst v63  }
0x33: {  	_ =	swait.ge [sflag:s29], $0x1000  }
0x34: {  	[sflag:s29] =	ssyncset.done $0x0  }
0x35: {  	s31 =	rddreg [dreg:$0xd];
	[sflag:s29] =	ssyncadd.s32 $0xFFFFF000  }
0x36: {  	[spmem:s31] =	stream.linear.scatter [tilespmem:s4], [sflag:$0x3], $0x1000, $0x38;
	[tilespmem:$0x1D3F0] =	vst v63  }
0x37: {  	_ =	swait.ge [sflag:s29], $0x1000  }
0x38: {  	[sflag:s29] =	ssyncset.done $0x0  }
0x39: {  	s5 =	rddreg [dreg:$0xe];
	[sflag:s29] =	ssyncadd.s32 $0xFFFFF000  }
0x3a: {  	[spmem:s5] =	stream.linear.scatter [tilespmem:s4], [sflag:$0x3], $0x1000, $0x38;
	[tilespmem:$0x1D3F0] =	vst v63  }
0x3b: {  	_ =	swait.ge [sflag:s29], $0x1000  }
0x3c: {  	[sflag:s29] =	ssyncset.done $0x0  }
0x3d: {  	s20 =	rddreg [dreg:$0xf];
	[sflag:s29] =	ssyncadd.s32 $0xFFFFF000  }
0x3e: {  	[spmem:s20] =	stream.linear.scatter [tilespmem:s4], [sflag:$0x3], $0x1000, $0x38;
	[tilespmem:$0x1D3F0] =	vst v63  }
0x3f: {  	_ =	swait.ge [sflag:s29], $0x1000  }
0x40: {  	[sflag:s29] =	ssyncset.done $0x0  }
0x41: {  	s21 =	rddreg [dreg:$0x10];
	[sflag:s29] =	ssyncadd.s32 $0xFFFFF000  }
0x42: {  	[spmem:s21] =	stream.linear.scatter [tilespmem:s4], [sflag:$0x3], $0x1000, $0x38;
	[tilespmem:$0x1D3F0] =	vst v63  }
0x43: {  	_ =	swait.ge [sflag:s29], $0x1000  }
0x44: {  	[sflag:s29] =	ssyncset.done $0x0  }
0x45: {  	s23 =	rddreg [dreg:$0x11];
	[sflag:s29] =	ssyncadd.s32 $0xFFFFF000  }
0x46: {  	[spmem:s23] =	stream.linear.scatter [tilespmem:s4], [sflag:$0x3], $0x1000, $0x38;
	[tilespmem:$0x1D3F0] =	vst v63  }
0x47: {  	_ =	swait.ge [sflag:s29], $0x1000  }
0x48: {  	[sflag:s29] =	ssyncset.done $0x0  }
0x49: {  	s24 =	rddreg [dreg:$0x12];
	[sflag:s29] =	ssyncadd.s32 $0xFFFFF000  }
0x4a: {  	[spmem:s24] =	stream.linear.scatter [tilespmem:s4], [sflag:$0x3], $0x1000, $0x38;
	[tilespmem:$0x1D3F0] =	vst v63  }
0x4b: {  	_ =	swait.ge [sflag:s29], $0x1000  }
0x4c: {  	[sflag:s29] =	ssyncset.done $0x0  }
0x4d: {  	s25 =	rddreg [dreg:$0x13];
	[sflag:s29] =	ssyncadd.s32 $0xFFFFF000  }
0x4e: {  	[spmem:s25] =	stream.linear.scatter [tilespmem:s4], [sflag:$0x3], $0x1000, $0x38;
	[tilespmem:$0x1D3F0] =	vst v63  }
0x4f: {  	_ =	swait.ge [sflag:s29], $0x1000  }
0x50: {  	[sflag:s29] =	ssyncset.done $0x0  }
0x51: {  	s26 =	rddreg [dreg:$0x14];
	[sflag:s29] =	ssyncadd.s32 $0xFFFFF000  }
0x52: {  	[spmem:s26] =	stream.linear.scatter [tilespmem:s4], [sflag:$0x3], $0x1000, $0x38;
	[tilespmem:$0x1D3F0] =	vst v63  }
0x53: {  	_ =	swait.ge [sflag:s29], $0x1000  }
0x54: {  	[sflag:s29] =	ssyncset.done $0x0  }
0x55: {  	s28 =	rddreg [dreg:$0x15];
	[sflag:s29] =	ssyncadd.s32 $0xFFFFF000  }
0x56: {  	[spmem:s28] =	stream.linear.scatter [tilespmem:s4], [sflag:$0x3], $0x1000, $0x38;
	[tilespmem:$0x1D3F0] =	vst v63  }
0x57: {  	_ =	swait.ge [sflag:s29], $0x1000  }
0x58: {  	[sflag:s29] =	ssyncset.done $0x0  }
0x59: {  	s30 =	rddreg [dreg:$0x16];
	[sflag:s29] =	ssyncadd.s32 $0xFFFFF000  }
0x5a: {  	[spmem:s30] =	stream.linear.scatter [tilespmem:s4], [sflag:$0x3], $0x1000, $0x38;
	[tilespmem:$0x1D3F0] =	vst v63  }
0x5b: {  	_ =	swait.ge [sflag:s29], $0x1000  }
0x5c: {  	[sflag:s29] =	ssyncset.done $0x0  }
0x5d: {  	s31 =	rddreg [dreg:$0x17];
	[sflag:s29] =	ssyncadd.s32 $0xFFFFF000  }
0x5e: {  	[spmem:s31] =	stream.linear.scatter [tilespmem:s4], [sflag:$0x3], $0x1000, $0x38;
	[tilespmem:$0x1D3F0] =	vst v63  }
0x5f: {  	_ =	swait.ge [sflag:s29], $0x1000  }
0x60: {  	[sflag:s29] =	ssyncset.done $0x0  }
0x61: {  	[sflag:s29] =	ssyncadd.s32 $0xFFFFF000  }
0x62: {  	s23 =	simm.s32 $0x0;
	[bflag:$0x0] =	sbarrier.arrive $0xFFFF  }
.LBB2_4:
0x63: {  	s3 =	sshll.u32 s23, $0x7  }
0x64: {  	s3 =	sadd.s32 s6, s3  }
0x65: {  	s5 =	smul.u32 $0x6, s3;
	_ =	sdelay $0x1  }
0x66: {  	s5 =	sadd.s32 s7, s5  }
0x67: {  	s4 =	rddreg [dreg:$0x5];
	s5 =	sshrl.u32 s5, $0x3  }
0x68: {  	s25 =	simm.s32 $0x10000;
	s5 =	sadd.s32 s4, s5  }
0x69: {  	[tilespmem:s25], [sflag:$0x3] =	stream.linear.gather [hbm4b:s5+s22], $0x300, $0x38;
	[tilespmem:$0x1D3F0] =	vst v63  }
0x6a: {  	_ =	swait.ge [sflag:s29], $0x300  }
0x6b: {  	s26 =	sshll.u32 s3, $0x3;
	[sflag:s29] =	ssyncset.done $0x0  }
0x6c: {  	s30 =	simm.s32 $0x10310;
	s5 =	sadd.s32 s26, s8;
	[sflag:s29] =	ssyncadd.s32 $0xFFFFFD00  }
0x6d: {  	[tilespmem:s30], [sflag:$0x3] =	stream.linear.gather [hbm4b:s5+s22], $0x2000, $0x38;
	[tilespmem:$0x1D3F0] =	vst v63  }
0x6e: {  	_ =	swait.ge [sflag:s29], $0x2000  }
0x6f: {  	s3 =	sshll.u32 s3, $0x5;
	[sflag:s29] =	ssyncset.done $0x0  }
0x70: {  	s31 =	simm.s32 $0x12310;
	s3 =	sadd.s32 s3, s9;
	[sflag:s29] =	ssyncadd.s32 $0xFFFFE000  }
0x71: {  	[tilespmem:s31], [sflag:$0x3] =	stream.linear.gather [hbm4b:s3+s22], $0x8000, $0x38;
	[tilespmem:$0x1D3F0] =	vst v63  }
0x72: {  	_ =	swait.ge [sflag:s29], $0x8000  }
0x73: {  	s28 =	simm.s32 $0x12330;
	s20 =	simm.s32 $0x12440;
	[sflag:s29] =	ssyncset.done $0x0  }
0x74: {  	s21 =	simm.s32 $0x0;
	s26 =	simm.s32 $0x10350;
	[sflag:s29] =	ssyncadd.s32 $0xFFFF8000  }
.LBB2_5:
0x75: {  	s3 =	sor.u32 s23, s21  }
0x76: {  	p0 =	seq.s32 s3, $0x0  }
0x77: {  	s3 =	simm.s32 @!p0 $0x1  }
0x78: {  	s5 =	smul.u32 $0x30, s21;
	_ =	swait.ge @!p0 [sflag:s3], $0x800  }
0x79: {  	[sflag:s3] =	ssyncset.done @!p0 $0x0  }
0x7a: {  	s24 =	sshra.s32 s5, $0x2;
	[sflag:s3] =	ssyncadd.s32 @!p0 $0xFFFFF800  }
0x7b: {  	v35 =	vld [tilespmem:s24+$0x10000];
	_ =	sdelay $0x4  }
0x7c: {  	(v2sf) =	vpush v35, $0x0  }
0x7d: {  	(v2sf) =	vpush v35, $0x1  }
0x7e: {  	(v2sf) =	vpush v35, $0x2  }
0x7f: {  	(v2sf) =	vpush v35, $0x3  }
0x80: {  	(v2sf) =	vpush v35, $0x4;
	_ =	sdelay $0x1  }
0x81: {  	(v2sf) =	vpush v35, $0x5;
	_ =	sdelay $0x8  }
0x82: {  	s25 =	spop (v2sf)  }
0x83: {  	s31 =	spop (v2sf);
	s3 =	smul.f32 $3.200000000e+01, s25  }
0x84: {  	s24 =	spop (v2sf);
	s5 =	smul.f32 $3.200000000e+01, s31  }
0x85: {  	s25 =	spop (v2sf);
	s3 =	sadd.f32 $3.150000000e+01, s3  }
0x86: {  	s24 =	smul.f32 $3.200000000e+01, s24;
	s31 =	spop (v2sf)  }
0x87: {  	s5 =	sadd.f32 $3.150000000e+01, s5;
	s25 =	smul.f32 $3.200000000e+01, s25  }
0x88: {  	s31 =	smul.f32 $3.200000000e+01, s31;
	s4 =	spop (v2sf)  }
0x89: {  	s24 =	sadd.f32 $3.150000000e+01, s24;
	s4 =	smul.f32 $3.200000000e+01, s4  }
0x8a: {  	v35 =	vmov s3;
	s3 =	simm.s32 $0x0;
	v36 =	vmov s5;
	v38 =	vmov s25  }
0x8b: {  	s5 =	sshll.u32 s21, $0x1;
	s25 =	smov.u32 s28;
	v37 =	vmov s24;
	v39 =	vmov s31;
	s24 =	smov.u32 s30;
	v40 =	vmov s4  }
.LBB2_6:
0x8c: {  	v41 =	vld [tilespmem:s24+$0x0];
	_ =	sdelay $0x4  }
0x8d: {  	v42 =	vmul.f32 v41, v38;
	v45 =	vmul.f32 v41, v39  }
0x8e: {  	v41 =	vmul.f32 v41, v40  }
0x8f: {  	v42 =	vadd.f32 v42, v35;
	v45 =	vadd.f32 v45, v36  }
0x90: {  	v41 =	vadd.f32 v41, v37  }
0x91: {  	v43 =	vtrunc.f32 v42;
	v57 =	vtrunc.f32 v45  }
0x92: {  	v58 =	vtrunc.f32 v41;
	v44 =	vcvt.f32.s32 v43  }
0x93: {  	vm0 =	vlt.f32 v42, v43;
	v49 =	vcvt.f32.s32 v58;
	vm7 =	vlt.f32 v41, v58  }
0x94: {  	v47 =	vcvt.f32.s32 v57;
	v43 =	vsel vm0, $0xFFFFFFFF, v2;
	v51 =	vsel vm7, $0xFFFFFFFF, v2  }
0x95: {  	vm1 =	vlt.f32 v45, v57;
	v43 =	vadd.s32 v44, v43;
	v49 =	vadd.s32 v49, v51  }
0x96: {  	v44 =	vcvt.s32.f32 v43;
	vm15 =	vlt.u32 v43, $0x40;
	v46 =	vadd.s32 $0x1, v43  }
0x97: {  	vm4 =	vgt.s32 v43, $0x0;
	v51 =	vcvt.s32.f32 v49;
	vm12 =	vgt.s32 v49, $0x0  }
0x98: {  	vm13 =	vlt.u32 v49, $0x40;
	v62 =	vadd.s32 $0x1, v49;
	v43 =	vnsel vm4, $0x0, v43  }
0x99: {  	vm5 =	vlt.u32 v46, $0x40;
	vm6 =	vgt.s32 v46, $0x0;
	v61 =	vnsel vm12, $0x0, v49  }
0x9a: {  	vm14 =	vlt.u32 v62, $0x40;
	v42 =	vsub.f32 v42, v44;
	v44 =	vsel vm1, $0xFFFFFFFF, v2  }
0x9b: {  	v43 =	vmin.u32 v43, $0x3F;
	v46 =	vnsel vm6, $0x0, v46;
	v41 =	vsub.f32 v41, v51  }
0x9c: {  	v63 =	vmin.u32 v61, $0x3F;
	v44 =	vadd.s32 v47, v44;
	v46 =	vmin.u32 v46, $0x3F  }
0x9d: {  	v49 =	vshll.u32 v63, $0xC;
	v48 =	vsub.f32 $1.000000000e+00, v42;
	v47 =	vcvt.s32.f32 v44  }
0x9e: {  	v42 =	vnsel vm5, $0x0, v42;
	v59 =	vadd.s32 $0x1, v44;
	vm8 =	vlt.u32 v44, $0x40  }
0x9f: {  	vm10 =	vgt.s32 v44, $0x0;
	v60 =	vsub.f32 $1.000000000e+00, v41;
	v41 =	vnsel vm14, $0x0, v41  }
0xa0: {  	vm9 =	vlt.u32 v59, $0x40;
	v44 =	vnsel vm10, $0x0, v44;
	vm11 =	vgt.s32 v59, $0x0;
	[tilespmem:$0x1D3A0] =	vst v42  }
0xa1: {  	[tilespmem:$0x1D3E0] =	vst v41;
	v48 =	vnsel vm15, $0x0, v48;
	v45 =	vsub.f32 v45, v47;
	v44 =	vmin.u32 v44, $0x3F  }
0xa2: {  	v47 =	vnsel vm11, $0x0, v59;
	v44 =	vshll.u32 v44, $0x6;
	[tilespmem:$0x1D390] =	vst v48;
	v48 =	vnsel vm13, $0x0, v60  }
0xa3: {  	v50 =	vsub.f32 $1.000000000e+00, v45;
	v45 =	vnsel vm9, $0x0, v45;
	[tilespmem:$0x1D3D0] =	vst v48;
	v52 =	vor.u32 v44, v49  }
0xa4: {  	vm15 =	vgt.s32 v62, $0x0;
	v47 =	vmin.u32 v47, $0x3F;
	[tilespmem:$0x1D3C0] =	vst v45;
	v53 =	vor.u32 v43, v52  }
0xa5: {  	v42 =	vnsel vm15, $0x0, v62;
	v47 =	vshll.u32 v47, $0x6;
	v55 =	vor.u32 v46, v52;
	[tilespmem:$0x1A310] =	vst v53  }
0xa6: {  	v42 =	vmin.u32 v42, $0x3F;
	v54 =	vor.u32 v49, v47;
	v50 =	vnsel vm8, $0x0, v50;
	[tilespmem:$0x1A320] =	vst v55  }
0xa7: {  	v42 =	vshll.u32 v42, $0xC;
	v56 =	vor.u32 v43, v54;
	[tilespmem:$0x1D3B0] =	vst v50  }
0xa8: {  	v44 =	vor.u32 v44, v42;
	v57 =	vor.u32 v46, v54;
	[tilespmem:$0x1A330] =	vst v56  }
0xa9: {  	[tilespmem:$0x1A340] =	vst v57;
	v58 =	vor.u32 v43, v44  }
0xaa: {  	v42 =	vor.u32 v47, v42;
	v59 =	vor.u32 v46, v44;
	[tilespmem:$0x1A350] =	vst v58  }
0xab: {  	v60 =	vor.u32 v43, v42;
	[tilespmem:$0x1A360] =	vst v59  }
0xac: {  	v61 =	vor.u32 v46, v42;
	[tilespmem:$0x1A370] =	vst v60  }
0xad: {  	[tilespmem:$0x1A380] =	vst v61  }
0xae: {  	v41 =	vld.idx.msk [tilespmem:v1+s10+$0x0], $0xffff  }
0xaf: {  	v62 =	vld.idx.msk [tilespmem:v1+s12+$0x0], $0xffff;
	_ =	sdelay $0x1  }
0xb0: {  	v63 =	vld.idx.msk [tilespmem:v1+s0+$0x0], $0xffff  }
0xb1: {  	v52 =	vld.idx.msk [tilespmem:v1+s14+$0x0], $0xffff  }
0xb2: {  	v53 =	vld [tilespmem:s25+$0xFFFFFFE0]  }
0xb3: {  	v54 =	vmul.f32 v62, v41;
	_ =	sdelay $0x1  }
0xb4: {  	v56 =	vmul.f32 v54, v63  }
0xb5: {  	v55 =	vld.idx.msk [tilespmem:v1+s2+$0x0], $0xffff;
	v44 =	vshll.u32 v52, $0x2  }
0xb6: {  	s31 =	sshra.s32 s3, $0x2;
	v57 =	vld.idx.msk [tilespmem:v1+s11+$0x0], $0xffff;
	v44 =	vor.u32 v3, v44;
	v48 =	vmul.f32 v56, v53  }
0xb7: {  	v50 =	vld.idx.msk [tilespmem:v1+s13+$0x0], $0xffff;
	[tilespmem:s31+$0x1A390] =	vst v44  }
0xb8: {  	[tilespmem:s31+$0x1AB90] =	vst v48  }
0xb9: {  	v44 =	vld.idx.msk [tilespmem:v4+s14+$0x0], $0xffff;
	_ =	sdelay $0x1  }
0xba: {  	v46 =	vmul.f32 v54, v55;
	_ =	sdelay $0x1  }
0xbb: {  	v46 =	vmul.f32 v46, v53  }
0xbc: {  	v44 =	vshll.u32 v44, $0x2  }
0xbd: {  	[tilespmem:s31+$0x1ABD0] =	vst v46;
	v44 =	vor.u32 v3, v44  }
0xbe: {  	[tilespmem:s31+$0x1A3D0] =	vst v44  }
0xbf: {  	v42 =	vmul.f32 v62, v57;
	v44 =	vld.idx.msk [tilespmem:v5+s14+$0x0], $0xffff;
	_ =	sdelay $0x1  }
0xc0: {  	v58 =	vmul.f32 v42, v63;
	_ =	sdelay $0x1  }
0xc1: {  	v46 =	vmul.f32 v58, v53  }
0xc2: {  	v44 =	vshll.u32 v44, $0x2  }
0xc3: {  	[tilespmem:s31+$0x1AC10] =	vst v46;
	v44 =	vor.u32 v3, v44  }
0xc4: {  	[tilespmem:s31+$0x1A410] =	vst v44  }
0xc5: {  	v44 =	vld.idx.msk [tilespmem:v6+s14+$0x0], $0xffff;
	_ =	sdelay $0x1  }
0xc6: {  	v42 =	vmul.f32 v42, v55;
	_ =	sdelay $0x1  }
0xc7: {  	v42 =	vmul.f32 v42, v53  }
0xc8: {  	v44 =	vshll.u32 v44, $0x2  }
0xc9: {  	[tilespmem:s31+$0x1AC50] =	vst v42;
	v44 =	vor.u32 v3, v44  }
0xca: {  	[tilespmem:s31+$0x1A450] =	vst v44  }
0xcb: {  	v41 =	vmul.f32 v50, v41;
	v42 =	vld.idx.msk [tilespmem:v7+s14+$0x0], $0xffff;
	_ =	sdelay $0x1  }
0xcc: {  	v59 =	vmul.f32 v41, v63;
	_ =	sdelay $0x1  }
0xcd: {  	v44 =	vmul.f32 v59, v53  }
0xce: {  	v42 =	vshll.u32 v42, $0x2  }
0xcf: {  	[tilespmem:s31+$0x1AC90] =	vst v44;
	v42 =	vor.u32 v3, v42  }
0xd0: {  	[tilespmem:s31+$0x1A490] =	vst v42  }
0xd1: {  	v42 =	vld.idx.msk [tilespmem:v8+s14+$0x0], $0xffff;
	_ =	sdelay $0x1  }
0xd2: {  	v41 =	vmul.f32 v41, v55;
	_ =	sdelay $0x1  }
0xd3: {  	v41 =	vmul.f32 v41, v53  }
0xd4: {  	v42 =	vshll.u32 v42, $0x2  }
0xd5: {  	[tilespmem:s31+$0x1ACD0] =	vst v41;
	v42 =	vor.u32 v3, v42  }
0xd6: {  	[tilespmem:s31+$0x1A4D0] =	vst v42  }
0xd7: {  	v60 =	vmul.f32 v50, v57;
	v41 =	vld.idx.msk [tilespmem:v9+s14+$0x0], $0xffff;
	_ =	sdelay $0x1  }
0xd8: {  	v43 =	vmul.f32 v60, v63;
	_ =	sdelay $0x1  }
0xd9: {  	v43 =	vmul.f32 v43, v53  }
0xda: {  	v41 =	vshll.u32 v41, $0x2  }
0xdb: {  	[tilespmem:s31+$0x1AD10] =	vst v43;
	v41 =	vor.u32 v3, v41  }
0xdc: {  	[tilespmem:s31+$0x1A510] =	vst v41  }
0xdd: {  	v41 =	vld.idx.msk [tilespmem:v10+s14+$0x0], $0xffff;
	_ =	sdelay $0x1  }
0xde: {  	v42 =	vmul.f32 v60, v55;
	_ =	sdelay $0x1  }
0xdf: {  	v42 =	vmul.f32 v42, v53  }
0xe0: {  	v41 =	vshll.u32 v41, $0x2  }
0xe1: {  	[tilespmem:s31+$0x1AD50] =	vst v42;
	v41 =	vor.u32 v3, v41  }
0xe2: {  	[tilespmem:s31+$0x1A550] =	vst v41  }
0xe3: {  	v41 =	vld.idx.msk [tilespmem:v11+s10+$0x0], $0xffff  }
0xe4: {  	v42 =	vld.idx.msk [tilespmem:v11+s12+$0x0], $0xffff;
	_ =	sdelay $0x1  }
0xe5: {  	v43 =	vld.idx.msk [tilespmem:v11+s0+$0x0], $0xffff  }
0xe6: {  	v44 =	vld.idx.msk [tilespmem:v11+s14+$0x0], $0xffff  }
0xe7: {  	v61 =	vld [tilespmem:s25+$0xFFFFFFF0]  }
0xe8: {  	v62 =	vmul.f32 v42, v41;
	_ =	sdelay $0x1  }
0xe9: {  	v52 =	vmul.f32 v62, v43  }
0xea: {  	v63 =	vld.idx.msk [tilespmem:v11+s2+$0x0], $0xffff;
	v44 =	vshll.u32 v44, $0x2  }
0xeb: {  	v53 =	vld.idx.msk [tilespmem:v11+s11+$0x0], $0xffff;
	v44 =	vor.u32 v3, v44;
	v48 =	vmul.f32 v52, v61  }
0xec: {  	v54 =	vld.idx.msk [tilespmem:v11+s13+$0x0], $0xffff;
	[tilespmem:s31+$0x1A3A0] =	vst v44  }
0xed: {  	[tilespmem:s31+$0x1ABA0] =	vst v48  }
0xee: {  	v44 =	vld.idx.msk [tilespmem:v12+s14+$0x0], $0xffff;
	_ =	sdelay $0x1  }
0xef: {  	v46 =	vmul.f32 v62, v63;
	_ =	sdelay $0x1  }
0xf0: {  	v46 =	vmul.f32 v46, v61  }
0xf1: {  	v44 =	vshll.u32 v44, $0x2  }
0xf2: {  	[tilespmem:s31+$0x1ABE0] =	vst v46;
	v44 =	vor.u32 v3, v44  }
0xf3: {  	[tilespmem:s31+$0x1A3E0] =	vst v44  }
0xf4: {  	v42 =	vmul.f32 v42, v53;
	v44 =	vld.idx.msk [tilespmem:v13+s14+$0x0], $0xffff;
	_ =	sdelay $0x1  }
0xf5: {  	v55 =	vmul.f32 v42, v43;
	_ =	sdelay $0x1  }
0xf6: {  	v46 =	vmul.f32 v55, v61  }
0xf7: {  	v44 =	vshll.u32 v44, $0x2  }
0xf8: {  	[tilespmem:s31+$0x1AC20] =	vst v46;
	v44 =	vor.u32 v3, v44  }
0xf9: {  	[tilespmem:s31+$0x1A420] =	vst v44  }
0xfa: {  	v44 =	vld.idx.msk [tilespmem:v14+s14+$0x0], $0xffff;
	_ =	sdelay $0x1  }
0xfb: {  	v42 =	vmul.f32 v42, v63;
	_ =	sdelay $0x1  }
0xfc: {  	v42 =	vmul.f32 v42, v61  }
0xfd: {  	v44 =	vshll.u32 v44, $0x2  }
0xfe: {  	[tilespmem:s31+$0x1AC60] =	vst v42;
	v44 =	vor.u32 v3, v44  }
0xff: {  	[tilespmem:s31+$0x1A460] =	vst v44  }
0x100: {  	v41 =	vmul.f32 v54, v41;
	v42 =	vld.idx.msk [tilespmem:v15+s14+$0x0], $0xffff;
	_ =	sdelay $0x1  }
0x101: {  	v56 =	vmul.f32 v41, v43;
	_ =	sdelay $0x1  }
0x102: {  	v44 =	vmul.f32 v56, v61  }
0x103: {  	v42 =	vshll.u32 v42, $0x2  }
0x104: {  	[tilespmem:s31+$0x1ACA0] =	vst v44;
	v42 =	vor.u32 v3, v42  }
0x105: {  	[tilespmem:s31+$0x1A4A0] =	vst v42  }
0x106: {  	v42 =	vld.idx.msk [tilespmem:v16+s14+$0x0], $0xffff;
	_ =	sdelay $0x1  }
0x107: {  	v41 =	vmul.f32 v41, v63;
	_ =	sdelay $0x1  }
0x108: {  	v41 =	vmul.f32 v41, v61  }
0x109: {  	v42 =	vshll.u32 v42, $0x2  }
0x10a: {  	[tilespmem:s31+$0x1ACE0] =	vst v41;
	v42 =	vor.u32 v3, v42  }
0x10b: {  	[tilespmem:s31+$0x1A4E0] =	vst v42  }
0x10c: {  	v57 =	vmul.f32 v54, v53;
	v41 =	vld.idx.msk [tilespmem:v17+s14+$0x0], $0xffff;
	_ =	sdelay $0x1  }
0x10d: {  	v43 =	vmul.f32 v57, v43;
	_ =	sdelay $0x1  }
0x10e: {  	v43 =	vmul.f32 v43, v61  }
0x10f: {  	v41 =	vshll.u32 v41, $0x2  }
0x110: {  	[tilespmem:s31+$0x1AD20] =	vst v43;
	v41 =	vor.u32 v3, v41  }
0x111: {  	[tilespmem:s31+$0x1A520] =	vst v41  }
0x112: {  	v41 =	vld.idx.msk [tilespmem:v18+s14+$0x0], $0xffff;
	_ =	sdelay $0x1  }
0x113: {  	v42 =	vmul.f32 v57, v63;
	_ =	sdelay $0x1  }
0x114: {  	v42 =	vmul.f32 v42, v61  }
0x115: {  	v41 =	vshll.u32 v41, $0x2  }
0x116: {  	[tilespmem:s31+$0x1AD60] =	vst v42;
	v41 =	vor.u32 v3, v41  }
0x117: {  	[tilespmem:s31+$0x1A560] =	vst v41  }
0x118: {  	v41 =	vld.idx.msk [tilespmem:v19+s10+$0x0], $0xffff  }
0x119: {  	v42 =	vld.idx.msk [tilespmem:v19+s12+$0x0], $0xffff;
	_ =	sdelay $0x1  }
0x11a: {  	v43 =	vld.idx.msk [tilespmem:v19+s0+$0x0], $0xffff  }
0x11b: {  	v44 =	vld.idx.msk [tilespmem:v19+s14+$0x0], $0xffff  }
0x11c: {  	v58 =	vld [tilespmem:s25+$0x0]  }
0x11d: {  	v59 =	vmul.f32 v42, v41;
	_ =	sdelay $0x1  }
0x11e: {  	v61 =	vmul.f32 v59, v43  }
0x11f: {  	v60 =	vld.idx.msk [tilespmem:v19+s2+$0x0], $0xffff;
	v44 =	vshll.u32 v44, $0x2  }
0x120: {  	v62 =	vld.idx.msk [tilespmem:v19+s11+$0x0], $0xffff;
	v44 =	vor.u32 v3, v44;
	v48 =	vmul.f32 v61, v58  }
0x121: {  	v63 =	vld.idx.msk [tilespmem:v19+s13+$0x0], $0xffff;
	[tilespmem:s31+$0x1A3B0] =	vst v44  }
0x122: {  	[tilespmem:s31+$0x1ABB0] =	vst v48  }
0x123: {  	v44 =	vld.idx.msk [tilespmem:v20+s14+$0x0], $0xffff;
	_ =	sdelay $0x1  }
0x124: {  	v46 =	vmul.f32 v59, v60;
	_ =	sdelay $0x1  }
0x125: {  	v46 =	vmul.f32 v46, v58  }
0x126: {  	v44 =	vshll.u32 v44, $0x2  }
0x127: {  	[tilespmem:s31+$0x1ABF0] =	vst v46;
	v44 =	vor.u32 v3, v44  }
0x128: {  	[tilespmem:s31+$0x1A3F0] =	vst v44  }
0x129: {  	v42 =	vmul.f32 v42, v62;
	v44 =	vld.idx.msk [tilespmem:v21+s14+$0x0], $0xffff;
	_ =	sdelay $0x1  }
0x12a: {  	v52 =	vmul.f32 v42, v43;
	_ =	sdelay $0x1  }
0x12b: {  	v46 =	vmul.f32 v52, v58  }
0x12c: {  	v44 =	vshll.u32 v44, $0x2  }
0x12d: {  	[tilespmem:s31+$0x1AC30] =	vst v46;
	v44 =	vor.u32 v3, v44  }
0x12e: {  	[tilespmem:s31+$0x1A430] =	vst v44  }
0x12f: {  	v44 =	vld.idx.msk [tilespmem:v22+s14+$0x0], $0xffff;
	_ =	sdelay $0x1  }
0x130: {  	v42 =	vmul.f32 v42, v60;
	_ =	sdelay $0x1  }
0x131: {  	v42 =	vmul.f32 v42, v58  }
0x132: {  	v44 =	vshll.u32 v44, $0x2  }
0x133: {  	[tilespmem:s31+$0x1AC70] =	vst v42;
	v44 =	vor.u32 v3, v44  }
0x134: {  	[tilespmem:s31+$0x1A470] =	vst v44  }
0x135: {  	v41 =	vmul.f32 v63, v41;
	v42 =	vld.idx.msk [tilespmem:v23+s14+$0x0], $0xffff;
	_ =	sdelay $0x1  }
0x136: {  	v53 =	vmul.f32 v41, v43;
	_ =	sdelay $0x1  }
0x137: {  	v44 =	vmul.f32 v53, v58  }
0x138: {  	v42 =	vshll.u32 v42, $0x2  }
0x139: {  	[tilespmem:s31+$0x1ACB0] =	vst v44;
	v42 =	vor.u32 v3, v42  }
0x13a: {  	[tilespmem:s31+$0x1A4B0] =	vst v42  }
0x13b: {  	v42 =	vld.idx.msk [tilespmem:v24+s14+$0x0], $0xffff;
	_ =	sdelay $0x1  }
0x13c: {  	v41 =	vmul.f32 v41, v60;
	_ =	sdelay $0x1  }
0x13d: {  	v41 =	vmul.f32 v41, v58  }
0x13e: {  	v42 =	vshll.u32 v42, $0x2  }
0x13f: {  	[tilespmem:s31+$0x1ACF0] =	vst v41;
	v42 =	vor.u32 v3, v42  }
0x140: {  	[tilespmem:s31+$0x1A4F0] =	vst v42  }
0x141: {  	v54 =	vmul.f32 v63, v62;
	v41 =	vld.idx.msk [tilespmem:v25+s14+$0x0], $0xffff;
	_ =	sdelay $0x1  }
0x142: {  	v43 =	vmul.f32 v54, v43;
	_ =	sdelay $0x1  }
0x143: {  	v43 =	vmul.f32 v43, v58  }
0x144: {  	v41 =	vshll.u32 v41, $0x2  }
0x145: {  	[tilespmem:s31+$0x1AD30] =	vst v43;
	v41 =	vor.u32 v3, v41  }
0x146: {  	[tilespmem:s31+$0x1A530] =	vst v41  }
0x147: {  	v41 =	vld.idx.msk [tilespmem:v26+s14+$0x0], $0xffff;
	_ =	sdelay $0x1  }
0x148: {  	v42 =	vmul.f32 v54, v60;
	_ =	sdelay $0x1  }
0x149: {  	v42 =	vmul.f32 v42, v58  }
0x14a: {  	v41 =	vshll.u32 v41, $0x2  }
0x14b: {  	[tilespmem:s31+$0x1AD70] =	vst v42;
	v41 =	vor.u32 v3, v41  }
0x14c: {  	[tilespmem:s31+$0x1A570] =	vst v41  }
0x14d: {  	v41 =	vld.idx.msk [tilespmem:v27+s10+$0x0], $0xffff  }
0x14e: {  	v42 =	vld.idx.msk [tilespmem:v27+s12+$0x0], $0xffff;
	_ =	sdelay $0x1  }
0x14f: {  	v43 =	vld.idx.msk [tilespmem:v27+s0+$0x0], $0xffff  }
0x150: {  	v44 =	vld.idx.msk [tilespmem:v27+s14+$0x0], $0xffff  }
0x151: {  	v55 =	vld [tilespmem:s25+$0x10]  }
0x152: {  	v56 =	vmul.f32 v42, v41;
	_ =	sdelay $0x1  }
0x153: {  	v58 =	vmul.f32 v56, v43  }
0x154: {  	v57 =	vld.idx.msk [tilespmem:v27+s2+$0x0], $0xffff;
	v44 =	vshll.u32 v44, $0x2  }
0x155: {  	v59 =	vld.idx.msk [tilespmem:v27+s11+$0x0], $0xffff;
	v44 =	vor.u32 v3, v44;
	v48 =	vmul.f32 v58, v55  }
0x156: {  	v60 =	vld.idx.msk [tilespmem:v27+s13+$0x0], $0xffff;
	[tilespmem:s31+$0x1A3C0] =	vst v44  }
0x157: {  	[tilespmem:s31+$0x1ABC0] =	vst v48  }
0x158: {  	v44 =	vld.idx.msk [tilespmem:v28+s14+$0x0], $0xffff;
	_ =	sdelay $0x1  }
0x159: {  	v46 =	vmul.f32 v56, v57;
	_ =	sdelay $0x1  }
0x15a: {  	v46 =	vmul.f32 v46, v55  }
0x15b: {  	v44 =	vshll.u32 v44, $0x2  }
0x15c: {  	[tilespmem:s31+$0x1AC00] =	vst v46;
	v44 =	vor.u32 v3, v44  }
0x15d: {  	[tilespmem:s31+$0x1A400] =	vst v44  }
0x15e: {  	v42 =	vmul.f32 v42, v59;
	v44 =	vld.idx.msk [tilespmem:v29+s14+$0x0], $0xffff;
	_ =	sdelay $0x1  }
0x15f: {  	v61 =	vmul.f32 v42, v43;
	_ =	sdelay $0x1  }
0x160: {  	v46 =	vmul.f32 v61, v55  }
0x161: {  	v44 =	vshll.u32 v44, $0x2  }
0x162: {  	[tilespmem:s31+$0x1AC40] =	vst v46;
	v44 =	vor.u32 v3, v44  }
0x163: {  	[tilespmem:s31+$0x1A440] =	vst v44  }
0x164: {  	v44 =	vld.idx.msk [tilespmem:v30+s14+$0x0], $0xffff;
	_ =	sdelay $0x1  }
0x165: {  	v42 =	vmul.f32 v42, v57;
	_ =	sdelay $0x1  }
0x166: {  	v42 =	vmul.f32 v42, v55  }
0x167: {  	v44 =	vshll.u32 v44, $0x2  }
0x168: {  	[tilespmem:s31+$0x1AC80] =	vst v42;
	v44 =	vor.u32 v3, v44  }
0x169: {  	[tilespmem:s31+$0x1A480] =	vst v44  }
0x16a: {  	v41 =	vmul.f32 v60, v41;
	v42 =	vld.idx.msk [tilespmem:v31+s14+$0x0], $0xffff;
	_ =	sdelay $0x1  }
0x16b: {  	v62 =	vmul.f32 v41, v43;
	_ =	sdelay $0x1  }
0x16c: {  	v44 =	vmul.f32 v62, v55  }
0x16d: {  	v42 =	vshll.u32 v42, $0x2  }
0x16e: {  	[tilespmem:s31+$0x1ACC0] =	vst v44;
	v42 =	vor.u32 v3, v42  }
0x16f: {  	[tilespmem:s31+$0x1A4C0] =	vst v42  }
0x170: {  	v42 =	vld.idx.msk [tilespmem:v32+s14+$0x0], $0xffff;
	_ =	sdelay $0x1  }
0x171: {  	v41 =	vmul.f32 v41, v57;
	_ =	sdelay $0x1  }
0x172: {  	v41 =	vmul.f32 v41, v55  }
0x173: {  	v42 =	vshll.u32 v42, $0x2  }
0x174: {  	[tilespmem:s31+$0x1AD00] =	vst v41;
	v42 =	vor.u32 v3, v42  }
0x175: {  	[tilespmem:s31+$0x1A500] =	vst v42  }
0x176: {  	v63 =	vmul.f32 v60, v59;
	v41 =	vld.idx.msk [tilespmem:v33+s14+$0x0], $0xffff;
	_ =	sdelay $0x1  }
0x177: {  	v43 =	vmul.f32 v63, v43;
	_ =	sdelay $0x1  }
0x178: {  	v43 =	vmul.f32 v43, v55  }
0x179: {  	v41 =	vshll.u32 v41, $0x2  }
0x17a: {  	[tilespmem:s31+$0x1AD40] =	vst v43;
	v41 =	vor.u32 v3, v41  }
0x17b: {  	[tilespmem:s31+$0x1A540] =	vst v41  }
0x17c: {  	v41 =	vld.idx.msk [tilespmem:v34+s14+$0x0], $0xffff;
	_ =	sdelay $0x1  }
0x17d: {  	p1 =	sne.s32 s3, $0x1800;
	v42 =	vmul.f32 v63, v57  }
.Ltmp1:
0x17e: {  	_ = 	snop;
	(pc) =	sbr.rel @p1 .LBB2_6-.Ltmp1, $4  }
0x17f: {  	v42 =	vmul.f32 v42, v55  }
0x180: {  	v41 =	vshll.u32 v41, $0x2  }
0x181: {  	[tilespmem:s31+$0x1AD80] =	vst v42;
	v41 =	vor.u32 v3, v41  }
0x182: {  	s24 =	sadd.s32 $0x10, s24;
	s3 =	sadd.s32 $0x800, s3;
	s25 =	sadd.s32 $0x40, s25;
	[tilespmem:s31+$0x1A580] =	vst v41  }
0x183: {  	[spmem:s1] =	stream.indirect.scatter.add.f32 [tilespmem:s17], [sflag:$0x1], $0x1, s16, s15, $0xb8;
	[tilespmem:$0x1D3F0] =	vst v63  }
0x184: {  	s3 =	sor.u32 $0x1, s5;
	s4 =	simm.s32 @!p0 $0x2  }
0x185: {  	_ =	swait.ge @!p0 [sflag:s4], $0x800;
	s3 =	smul.u32 $0x18, s3  }
0x186: {  	[sflag:s4] =	ssyncset.done @!p0 $0x0  }
0x187: {  	[sflag:s4] =	ssyncadd.s32 @!p0 $0xFFFFF800;
	s3 =	sshra.s32 s3, $0x2  }
0x188: {  	v35 =	vld [tilespmem:s3+$0x10000];
	_ =	sdelay $0x4  }
0x189: {  	(v2sf) =	vpush v35, $0x0  }
0x18a: {  	(v2sf) =	vpush v35, $0x1  }
0x18b: {  	(v2sf) =	vpush v35, $0x2  }
0x18c: {  	(v2sf) =	vpush v35, $0x3  }
0x18d: {  	(v2sf) =	vpush v35, $0x4;
	_ =	sdelay $0x1  }
0x18e: {  	(v2sf) =	vpush v35, $0x5;
	_ =	sdelay $0x8  }
0x18f: {  	s24 =	spop (v2sf)  }
0x190: {  	s25 =	spop (v2sf);
	s3 =	smul.f32 $3.200000000e+01, s24  }
0x191: {  	s31 =	spop (v2sf);
	s4 =	smul.f32 $3.200000000e+01, s25  }
0x192: {  	s24 =	spop (v2sf);
	s3 =	sadd.f32 $3.150000000e+01, s3  }
0x193: {  	s5 =	smul.f32 $3.200000000e+01, s31;
	s25 =	spop (v2sf)  }
0x194: {  	s4 =	sadd.f32 $3.150000000e+01, s4;
	s24 =	smul.f32 $3.200000000e+01, s24  }
0x195: {  	s25 =	smul.f32 $3.200000000e+01, s25;
	s31 =	spop (v2sf)  }
0x196: {  	s5 =	sadd.f32 $3.150000000e+01, s5;
	s31 =	smul.f32 $3.200000000e+01, s31  }
0x197: {  	v35 =	vmov s3;
	v36 =	vmov s4;
	v38 =	vmov s24  }
0x198: {  	s3 =	simm.s32 $0x0;
	s24 =	smov.u32 s26;
	v37 =	vmov s5;
	v39 =	vmov s25;
	s5 =	smov.u32 s20;
	v40 =	vmov s31  }
.LBB2_8:
0x199: {  	v41 =	vld [tilespmem:s24+$0x0];
	_ =	sdelay $0x4  }
0x19a: {  	v42 =	vmul.f32 v41, v38;
	v45 =	vmul.f32 v41, v39  }
0x19b: {  	v41 =	vmul.f32 v41, v40  }
0x19c: {  	v42 =	vadd.f32 v42, v35;
	v45 =	vadd.f32 v45, v36  }
0x19d: {  	v41 =	vadd.f32 v41, v37  }
0x19e: {  	v43 =	vtrunc.f32 v42;
	v57 =	vtrunc.f32 v45  }
0x19f: {  	v58 =	vtrunc.f32 v41;
	v44 =	vcvt.f32.s32 v43  }
0x1a0: {  	vm0 =	vlt.f32 v42, v43;
	v49 =	vcvt.f32.s32 v58;
	vm7 =	vlt.f32 v41, v58  }
0x1a1: {  	v47 =	vcvt.f32.s32 v57;
	v43 =	vsel vm0, $0xFFFFFFFF, v2;
	v51 =	vsel vm7, $0xFFFFFFFF, v2  }
0x1a2: {  	vm1 =	vlt.f32 v45, v57;
	v43 =	vadd.s32 v44, v43;
	v49 =	vadd.s32 v49, v51  }
0x1a3: {  	v44 =	vcvt.s32.f32 v43;
	vm15 =	vlt.u32 v43, $0x40;
	v46 =	vadd.s32 $0x1, v43  }
0x1a4: {  	vm4 =	vgt.s32 v43, $0x0;
	v51 =	vcvt.s32.f32 v49;
	vm12 =	vgt.s32 v49, $0x0  }
0x1a5: {  	vm13 =	vlt.u32 v49, $0x40;
	v62 =	vadd.s32 $0x1, v49;
	v43 =	vnsel vm4, $0x0, v43  }
0x1a6: {  	vm5 =	vlt.u32 v46, $0x40;
	vm6 =	vgt.s32 v46, $0x0;
	v61 =	vnsel vm12, $0x0, v49  }
0x1a7: {  	vm14 =	vlt.u32 v62, $0x40;
	v42 =	vsub.f32 v42, v44;
	v44 =	vsel vm1, $0xFFFFFFFF, v2  }
0x1a8: {  	v43 =	vmin.u32 v43, $0x3F;
	v46 =	vnsel vm6, $0x0, v46;
	v41 =	vsub.f32 v41, v51  }
0x1a9: {  	v63 =	vmin.u32 v61, $0x3F;
	v44 =	vadd.s32 v47, v44;
	v46 =	vmin.u32 v46, $0x3F  }
0x1aa: {  	v49 =	vshll.u32 v63, $0xC;
	v48 =	vsub.f32 $1.000000000e+00, v42;
	v47 =	vcvt.s32.f32 v44  }
0x1ab: {  	v42 =	vnsel vm5, $0x0, v42;
	v59 =	vadd.s32 $0x1, v44;
	vm8 =	vlt.u32 v44, $0x40  }
0x1ac: {  	vm10 =	vgt.s32 v44, $0x0;
	v60 =	vsub.f32 $1.000000000e+00, v41;
	v41 =	vnsel vm14, $0x0, v41  }
0x1ad: {  	vm9 =	vlt.u32 v59, $0x40;
	v44 =	vnsel vm10, $0x0, v44;
	vm11 =	vgt.s32 v59, $0x0;
	[tilespmem:$0x1D3A0] =	vst v42  }
0x1ae: {  	[tilespmem:$0x1D3E0] =	vst v41;
	v48 =	vnsel vm15, $0x0, v48;
	v45 =	vsub.f32 v45, v47;
	v44 =	vmin.u32 v44, $0x3F  }
0x1af: {  	v47 =	vnsel vm11, $0x0, v59;
	v44 =	vshll.u32 v44, $0x6;
	[tilespmem:$0x1D390] =	vst v48;
	v48 =	vnsel vm13, $0x0, v60  }
0x1b0: {  	v50 =	vsub.f32 $1.000000000e+00, v45;
	v45 =	vnsel vm9, $0x0, v45;
	[tilespmem:$0x1D3D0] =	vst v48;
	v52 =	vor.u32 v44, v49  }
0x1b1: {  	vm15 =	vgt.s32 v62, $0x0;
	v47 =	vmin.u32 v47, $0x3F;
	[tilespmem:$0x1D3C0] =	vst v45;
	v53 =	vor.u32 v43, v52  }
0x1b2: {  	v42 =	vnsel vm15, $0x0, v62;
	v47 =	vshll.u32 v47, $0x6;
	v55 =	vor.u32 v46, v52;
	[tilespmem:$0x1A310] =	vst v53  }
0x1b3: {  	v42 =	vmin.u32 v42, $0x3F;
	v54 =	vor.u32 v49, v47;
	v50 =	vnsel vm8, $0x0, v50;
	[tilespmem:$0x1A320] =	vst v55  }
0x1b4: {  	v42 =	vshll.u32 v42, $0xC;
	v56 =	vor.u32 v43, v54;
	[tilespmem:$0x1D3B0] =	vst v50  }
0x1b5: {  	v44 =	vor.u32 v44, v42;
	v57 =	vor.u32 v46, v54;
	[tilespmem:$0x1A330] =	vst v56  }
0x1b6: {  	[tilespmem:$0x1A340] =	vst v57;
	v58 =	vor.u32 v43, v44  }
0x1b7: {  	v42 =	vor.u32 v47, v42;
	v59 =	vor.u32 v46, v44;
	[tilespmem:$0x1A350] =	vst v58  }
0x1b8: {  	v60 =	vor.u32 v43, v42;
	[tilespmem:$0x1A360] =	vst v59  }
0x1b9: {  	v61 =	vor.u32 v46, v42;
	[tilespmem:$0x1A370] =	vst v60  }
0x1ba: {  	[tilespmem:$0x1A380] =	vst v61  }
0x1bb: {  	v41 =	vld.idx.msk [tilespmem:v1+s10+$0x0], $0xffff  }
0x1bc: {  	v62 =	vld.idx.msk [tilespmem:v1+s12+$0x0], $0xffff;
	_ =	sdelay $0x1  }
0x1bd: {  	v63 =	vld.idx.msk [tilespmem:v1+s0+$0x0], $0xffff  }
0x1be: {  	v52 =	vld.idx.msk [tilespmem:v1+s14+$0x0], $0xffff  }
0x1bf: {  	v53 =	vld [tilespmem:s5+$0xFFFFFFD0]  }
0x1c0: {  	v54 =	vmul.f32 v62, v41;
	_ =	sdelay $0x1  }
0x1c1: {  	v56 =	vmul.f32 v54, v63  }
0x1c2: {  	v55 =	vld.idx.msk [tilespmem:v1+s2+$0x0], $0xffff;
	v44 =	vshll.u32 v52, $0x2  }
0x1c3: {  	s25 =	sshra.s32 s3, $0x2;
	v57 =	vld.idx.msk [tilespmem:v1+s11+$0x0], $0xffff;
	v44 =	vor.u32 v3, v44;
	v48 =	vmul.f32 v56, v53  }
0x1c4: {  	v50 =	vld.idx.msk [tilespmem:v1+s13+$0x0], $0xffff;
	[tilespmem:s25+$0x1B390] =	vst v44  }
0x1c5: {  	[tilespmem:s25+$0x1BB90] =	vst v48  }
0x1c6: {  	v44 =	vld.idx.msk [tilespmem:v4+s14+$0x0], $0xffff;
	_ =	sdelay $0x1  }
0x1c7: {  	v46 =	vmul.f32 v54, v55;
	_ =	sdelay $0x1  }
0x1c8: {  	v46 =	vmul.f32 v46, v53  }
0x1c9: {  	v44 =	vshll.u32 v44, $0x2  }
0x1ca: {  	[tilespmem:s25+$0x1BBD0] =	vst v46;
	v44 =	vor.u32 v3, v44  }
0x1cb: {  	[tilespmem:s25+$0x1B3D0] =	vst v44  }
0x1cc: {  	v42 =	vmul.f32 v62, v57;
	v44 =	vld.idx.msk [tilespmem:v5+s14+$0x0], $0xffff;
	_ =	sdelay $0x1  }
0x1cd: {  	v58 =	vmul.f32 v42, v63;
	_ =	sdelay $0x1  }
0x1ce: {  	v46 =	vmul.f32 v58, v53  }
0x1cf: {  	v44 =	vshll.u32 v44, $0x2  }
0x1d0: {  	[tilespmem:s25+$0x1BC10] =	vst v46;
	v44 =	vor.u32 v3, v44  }
0x1d1: {  	[tilespmem:s25+$0x1B410] =	vst v44  }
0x1d2: {  	v44 =	vld.idx.msk [tilespmem:v6+s14+$0x0], $0xffff;
	_ =	sdelay $0x1  }
0x1d3: {  	v42 =	vmul.f32 v42, v55;
	_ =	sdelay $0x1  }
0x1d4: {  	v42 =	vmul.f32 v42, v53  }
0x1d5: {  	v44 =	vshll.u32 v44, $0x2  }
0x1d6: {  	[tilespmem:s25+$0x1BC50] =	vst v42;
	v44 =	vor.u32 v3, v44  }
0x1d7: {  	[tilespmem:s25+$0x1B450] =	vst v44  }
0x1d8: {  	v41 =	vmul.f32 v50, v41;
	v42 =	vld.idx.msk [tilespmem:v7+s14+$0x0], $0xffff;
	_ =	sdelay $0x1  }
0x1d9: {  	v59 =	vmul.f32 v41, v63;
	_ =	sdelay $0x1  }
0x1da: {  	v44 =	vmul.f32 v59, v53  }
0x1db: {  	v42 =	vshll.u32 v42, $0x2  }
0x1dc: {  	[tilespmem:s25+$0x1BC90] =	vst v44;
	v42 =	vor.u32 v3, v42  }
0x1dd: {  	[tilespmem:s25+$0x1B490] =	vst v42  }
0x1de: {  	v42 =	vld.idx.msk [tilespmem:v8+s14+$0x0], $0xffff;
	_ =	sdelay $0x1  }
0x1df: {  	v41 =	vmul.f32 v41, v55;
	_ =	sdelay $0x1  }
0x1e0: {  	v41 =	vmul.f32 v41, v53  }
0x1e1: {  	v42 =	vshll.u32 v42, $0x2  }
0x1e2: {  	[tilespmem:s25+$0x1BCD0] =	vst v41;
	v42 =	vor.u32 v3, v42  }
0x1e3: {  	[tilespmem:s25+$0x1B4D0] =	vst v42  }
0x1e4: {  	v60 =	vmul.f32 v50, v57;
	v41 =	vld.idx.msk [tilespmem:v9+s14+$0x0], $0xffff;
	_ =	sdelay $0x1  }
0x1e5: {  	v43 =	vmul.f32 v60, v63;
	_ =	sdelay $0x1  }
0x1e6: {  	v43 =	vmul.f32 v43, v53  }
0x1e7: {  	v41 =	vshll.u32 v41, $0x2  }
0x1e8: {  	[tilespmem:s25+$0x1BD10] =	vst v43;
	v41 =	vor.u32 v3, v41  }
0x1e9: {  	[tilespmem:s25+$0x1B510] =	vst v41  }
0x1ea: {  	v41 =	vld.idx.msk [tilespmem:v10+s14+$0x0], $0xffff;
	_ =	sdelay $0x1  }
0x1eb: {  	v42 =	vmul.f32 v60, v55;
	_ =	sdelay $0x1  }
0x1ec: {  	v42 =	vmul.f32 v42, v53  }
0x1ed: {  	v41 =	vshll.u32 v41, $0x2  }
0x1ee: {  	[tilespmem:s25+$0x1BD50] =	vst v42;
	v41 =	vor.u32 v3, v41  }
0x1ef: {  	[tilespmem:s25+$0x1B550] =	vst v41  }
0x1f0: {  	v41 =	vld.idx.msk [tilespmem:v11+s10+$0x0], $0xffff  }
0x1f1: {  	v42 =	vld.idx.msk [tilespmem:v11+s12+$0x0], $0xffff;
	_ =	sdelay $0x1  }
0x1f2: {  	v43 =	vld.idx.msk [tilespmem:v11+s0+$0x0], $0xffff  }
0x1f3: {  	v44 =	vld.idx.msk [tilespmem:v11+s14+$0x0], $0xffff  }
0x1f4: {  	v61 =	vld [tilespmem:s5+$0xFFFFFFE0]  }
0x1f5: {  	v62 =	vmul.f32 v42, v41;
	_ =	sdelay $0x1  }
0x1f6: {  	v52 =	vmul.f32 v62, v43  }
0x1f7: {  	v63 =	vld.idx.msk [tilespmem:v11+s2+$0x0], $0xffff;
	v44 =	vshll.u32 v44, $0x2  }
0x1f8: {  	v53 =	vld.idx.msk [tilespmem:v11+s11+$0x0], $0xffff;
	v44 =	vor.u32 v3, v44;
	v48 =	vmul.f32 v52, v61  }
0x1f9: {  	v54 =	vld.idx.msk [tilespmem:v11+s13+$0x0], $0xffff;
	[tilespmem:s25+$0x1B3A0] =	vst v44  }
0x1fa: {  	[tilespmem:s25+$0x1BBA0] =	vst v48  }
0x1fb: {  	v44 =	vld.idx.msk [tilespmem:v12+s14+$0x0], $0xffff;
	_ =	sdelay $0x1  }
0x1fc: {  	v46 =	vmul.f32 v62, v63;
	_ =	sdelay $0x1  }
0x1fd: {  	v46 =	vmul.f32 v46, v61  }
0x1fe: {  	v44 =	vshll.u32 v44, $0x2  }
0x1ff: {  	[tilespmem:s25+$0x1BBE0] =	vst v46;
	v44 =	vor.u32 v3, v44  }
0x200: {  	[tilespmem:s25+$0x1B3E0] =	vst v44  }
0x201: {  	v42 =	vmul.f32 v42, v53;
	v44 =	vld.idx.msk [tilespmem:v13+s14+$0x0], $0xffff;
	_ =	sdelay $0x1  }
0x202: {  	v55 =	vmul.f32 v42, v43;
	_ =	sdelay $0x1  }
0x203: {  	v46 =	vmul.f32 v55, v61  }
0x204: {  	v44 =	vshll.u32 v44, $0x2  }
0x205: {  	[tilespmem:s25+$0x1BC20] =	vst v46;
	v44 =	vor.u32 v3, v44  }
0x206: {  	[tilespmem:s25+$0x1B420] =	vst v44  }
0x207: {  	v44 =	vld.idx.msk [tilespmem:v14+s14+$0x0], $0xffff;
	_ =	sdelay $0x1  }
0x208: {  	v42 =	vmul.f32 v42, v63;
	_ =	sdelay $0x1  }
0x209: {  	v42 =	vmul.f32 v42, v61  }
0x20a: {  	v44 =	vshll.u32 v44, $0x2  }
0x20b: {  	[tilespmem:s25+$0x1BC60] =	vst v42;
	v44 =	vor.u32 v3, v44  }
0x20c: {  	[tilespmem:s25+$0x1B460] =	vst v44  }
0x20d: {  	v41 =	vmul.f32 v54, v41;
	v42 =	vld.idx.msk [tilespmem:v15+s14+$0x0], $0xffff;
	_ =	sdelay $0x1  }
0x20e: {  	v56 =	vmul.f32 v41, v43;
	_ =	sdelay $0x1  }
0x20f: {  	v44 =	vmul.f32 v56, v61  }
0x210: {  	v42 =	vshll.u32 v42, $0x2  }
0x211: {  	[tilespmem:s25+$0x1BCA0] =	vst v44;
	v42 =	vor.u32 v3, v42  }
0x212: {  	[tilespmem:s25+$0x1B4A0] =	vst v42  }
0x213: {  	v42 =	vld.idx.msk [tilespmem:v16+s14+$0x0], $0xffff;
	_ =	sdelay $0x1  }
0x214: {  	v41 =	vmul.f32 v41, v63;
	_ =	sdelay $0x1  }
0x215: {  	v41 =	vmul.f32 v41, v61  }
0x216: {  	v42 =	vshll.u32 v42, $0x2  }
0x217: {  	[tilespmem:s25+$0x1BCE0] =	vst v41;
	v42 =	vor.u32 v3, v42  }
0x218: {  	[tilespmem:s25+$0x1B4E0] =	vst v42  }
0x219: {  	v57 =	vmul.f32 v54, v53;
	v41 =	vld.idx.msk [tilespmem:v17+s14+$0x0], $0xffff;
	_ =	sdelay $0x1  }
0x21a: {  	v43 =	vmul.f32 v57, v43;
	_ =	sdelay $0x1  }
0x21b: {  	v43 =	vmul.f32 v43, v61  }
0x21c: {  	v41 =	vshll.u32 v41, $0x2  }
0x21d: {  	[tilespmem:s25+$0x1BD20] =	vst v43;
	v41 =	vor.u32 v3, v41  }
0x21e: {  	[tilespmem:s25+$0x1B520] =	vst v41  }
0x21f: {  	v41 =	vld.idx.msk [tilespmem:v18+s14+$0x0], $0xffff;
	_ =	sdelay $0x1  }
0x220: {  	v42 =	vmul.f32 v57, v63;
	_ =	sdelay $0x1  }
0x221: {  	v42 =	vmul.f32 v42, v61  }
0x222: {  	v41 =	vshll.u32 v41, $0x2  }
0x223: {  	[tilespmem:s25+$0x1BD60] =	vst v42;
	v41 =	vor.u32 v3, v41  }
0x224: {  	[tilespmem:s25+$0x1B560] =	vst v41  }
0x225: {  	v41 =	vld.idx.msk [tilespmem:v19+s10+$0x0], $0xffff  }
0x226: {  	v42 =	vld.idx.msk [tilespmem:v19+s12+$0x0], $0xffff;
	_ =	sdelay $0x1  }
0x227: {  	v43 =	vld.idx.msk [tilespmem:v19+s0+$0x0], $0xffff  }
0x228: {  	v44 =	vld.idx.msk [tilespmem:v19+s14+$0x0], $0xffff  }
0x229: {  	v58 =	vld [tilespmem:s5+$0xFFFFFFF0]  }
0x22a: {  	v59 =	vmul.f32 v42, v41;
	_ =	sdelay $0x1  }
0x22b: {  	v61 =	vmul.f32 v59, v43  }
0x22c: {  	v60 =	vld.idx.msk [tilespmem:v19+s2+$0x0], $0xffff;
	v44 =	vshll.u32 v44, $0x2  }
0x22d: {  	v62 =	vld.idx.msk [tilespmem:v19+s11+$0x0], $0xffff;
	v44 =	vor.u32 v3, v44;
	v48 =	vmul.f32 v61, v58  }
0x22e: {  	v63 =	vld.idx.msk [tilespmem:v19+s13+$0x0], $0xffff;
	[tilespmem:s25+$0x1B3B0] =	vst v44  }
0x22f: {  	[tilespmem:s25+$0x1BBB0] =	vst v48  }
0x230: {  	v44 =	vld.idx.msk [tilespmem:v20+s14+$0x0], $0xffff;
	_ =	sdelay $0x1  }
0x231: {  	v46 =	vmul.f32 v59, v60;
	_ =	sdelay $0x1  }
0x232: {  	v46 =	vmul.f32 v46, v58  }
0x233: {  	v44 =	vshll.u32 v44, $0x2  }
0x234: {  	[tilespmem:s25+$0x1BBF0] =	vst v46;
	v44 =	vor.u32 v3, v44  }
0x235: {  	[tilespmem:s25+$0x1B3F0] =	vst v44  }
0x236: {  	v42 =	vmul.f32 v42, v62;
	v44 =	vld.idx.msk [tilespmem:v21+s14+$0x0], $0xffff;
	_ =	sdelay $0x1  }
0x237: {  	v52 =	vmul.f32 v42, v43;
	_ =	sdelay $0x1  }
0x238: {  	v46 =	vmul.f32 v52, v58  }
0x239: {  	v44 =	vshll.u32 v44, $0x2  }
0x23a: {  	[tilespmem:s25+$0x1BC30] =	vst v46;
	v44 =	vor.u32 v3, v44  }
0x23b: {  	[tilespmem:s25+$0x1B430] =	vst v44  }
0x23c: {  	v44 =	vld.idx.msk [tilespmem:v22+s14+$0x0], $0xffff;
	_ =	sdelay $0x1  }
0x23d: {  	v42 =	vmul.f32 v42, v60;
	_ =	sdelay $0x1  }
0x23e: {  	v42 =	vmul.f32 v42, v58  }
0x23f: {  	v44 =	vshll.u32 v44, $0x2  }
0x240: {  	[tilespmem:s25+$0x1BC70] =	vst v42;
	v44 =	vor.u32 v3, v44  }
0x241: {  	[tilespmem:s25+$0x1B470] =	vst v44  }
0x242: {  	v41 =	vmul.f32 v63, v41;
	v42 =	vld.idx.msk [tilespmem:v23+s14+$0x0], $0xffff;
	_ =	sdelay $0x1  }
0x243: {  	v53 =	vmul.f32 v41, v43;
	_ =	sdelay $0x1  }
0x244: {  	v44 =	vmul.f32 v53, v58  }
0x245: {  	v42 =	vshll.u32 v42, $0x2  }
0x246: {  	[tilespmem:s25+$0x1BCB0] =	vst v44;
	v42 =	vor.u32 v3, v42  }
0x247: {  	[tilespmem:s25+$0x1B4B0] =	vst v42  }
0x248: {  	v42 =	vld.idx.msk [tilespmem:v24+s14+$0x0], $0xffff;
	_ =	sdelay $0x1  }
0x249: {  	v41 =	vmul.f32 v41, v60;
	_ =	sdelay $0x1  }
0x24a: {  	v41 =	vmul.f32 v41, v58  }
0x24b: {  	v42 =	vshll.u32 v42, $0x2  }
0x24c: {  	[tilespmem:s25+$0x1BCF0] =	vst v41;
	v42 =	vor.u32 v3, v42  }
0x24d: {  	[tilespmem:s25+$0x1B4F0] =	vst v42  }
0x24e: {  	v54 =	vmul.f32 v63, v62;
	v41 =	vld.idx.msk [tilespmem:v25+s14+$0x0], $0xffff;
	_ =	sdelay $0x1  }
0x24f: {  	v43 =	vmul.f32 v54, v43;
	_ =	sdelay $0x1  }
0x250: {  	v43 =	vmul.f32 v43, v58  }
0x251: {  	v41 =	vshll.u32 v41, $0x2  }
0x252: {  	[tilespmem:s25+$0x1BD30] =	vst v43;
	v41 =	vor.u32 v3, v41  }
0x253: {  	[tilespmem:s25+$0x1B530] =	vst v41  }
0x254: {  	v41 =	vld.idx.msk [tilespmem:v26+s14+$0x0], $0xffff;
	_ =	sdelay $0x1  }
0x255: {  	v42 =	vmul.f32 v54, v60;
	_ =	sdelay $0x1  }
0x256: {  	v42 =	vmul.f32 v42, v58  }
0x257: {  	v41 =	vshll.u32 v41, $0x2  }
0x258: {  	[tilespmem:s25+$0x1BD70] =	vst v42;
	v41 =	vor.u32 v3, v41  }
0x259: {  	[tilespmem:s25+$0x1B570] =	vst v41  }
0x25a: {  	v41 =	vld.idx.msk [tilespmem:v27+s10+$0x0], $0xffff  }
0x25b: {  	v42 =	vld.idx.msk [tilespmem:v27+s12+$0x0], $0xffff;
	_ =	sdelay $0x1  }
0x25c: {  	v43 =	vld.idx.msk [tilespmem:v27+s0+$0x0], $0xffff  }
0x25d: {  	v44 =	vld.idx.msk [tilespmem:v27+s14+$0x0], $0xffff  }
0x25e: {  	v55 =	vld [tilespmem:s5+$0x0]  }
0x25f: {  	v56 =	vmul.f32 v42, v41;
	_ =	sdelay $0x1  }
0x260: {  	v58 =	vmul.f32 v56, v43  }
0x261: {  	v57 =	vld.idx.msk [tilespmem:v27+s2+$0x0], $0xffff;
	v44 =	vshll.u32 v44, $0x2  }
0x262: {  	v59 =	vld.idx.msk [tilespmem:v27+s11+$0x0], $0xffff;
	v44 =	vor.u32 v3, v44;
	v48 =	vmul.f32 v58, v55  }
0x263: {  	v60 =	vld.idx.msk [tilespmem:v27+s13+$0x0], $0xffff;
	[tilespmem:s25+$0x1B3C0] =	vst v44  }
0x264: {  	[tilespmem:s25+$0x1BBC0] =	vst v48  }
0x265: {  	v44 =	vld.idx.msk [tilespmem:v28+s14+$0x0], $0xffff;
	_ =	sdelay $0x1  }
0x266: {  	v46 =	vmul.f32 v56, v57;
	_ =	sdelay $0x1  }
0x267: {  	v46 =	vmul.f32 v46, v55  }
0x268: {  	v44 =	vshll.u32 v44, $0x2  }
0x269: {  	[tilespmem:s25+$0x1BC00] =	vst v46;
	v44 =	vor.u32 v3, v44  }
0x26a: {  	[tilespmem:s25+$0x1B400] =	vst v44  }
0x26b: {  	v42 =	vmul.f32 v42, v59;
	v44 =	vld.idx.msk [tilespmem:v29+s14+$0x0], $0xffff;
	_ =	sdelay $0x1  }
0x26c: {  	v61 =	vmul.f32 v42, v43;
	_ =	sdelay $0x1  }
0x26d: {  	v46 =	vmul.f32 v61, v55  }
0x26e: {  	v44 =	vshll.u32 v44, $0x2  }
0x26f: {  	[tilespmem:s25+$0x1BC40] =	vst v46;
	v44 =	vor.u32 v3, v44  }
0x270: {  	[tilespmem:s25+$0x1B440] =	vst v44  }
0x271: {  	v44 =	vld.idx.msk [tilespmem:v30+s14+$0x0], $0xffff;
	_ =	sdelay $0x1  }
0x272: {  	v42 =	vmul.f32 v42, v57;
	_ =	sdelay $0x1  }
0x273: {  	v42 =	vmul.f32 v42, v55  }
0x274: {  	v44 =	vshll.u32 v44, $0x2  }
0x275: {  	[tilespmem:s25+$0x1BC80] =	vst v42;
	v44 =	vor.u32 v3, v44  }
0x276: {  	[tilespmem:s25+$0x1B480] =	vst v44  }
0x277: {  	v41 =	vmul.f32 v60, v41;
	v42 =	vld.idx.msk [tilespmem:v31+s14+$0x0], $0xffff;
	_ =	sdelay $0x1  }
0x278: {  	v62 =	vmul.f32 v41, v43;
	_ =	sdelay $0x1  }
0x279: {  	v44 =	vmul.f32 v62, v55  }
0x27a: {  	v42 =	vshll.u32 v42, $0x2  }
0x27b: {  	[tilespmem:s25+$0x1BCC0] =	vst v44;
	v42 =	vor.u32 v3, v42  }
0x27c: {  	[tilespmem:s25+$0x1B4C0] =	vst v42  }
0x27d: {  	v42 =	vld.idx.msk [tilespmem:v32+s14+$0x0], $0xffff;
	_ =	sdelay $0x1  }
0x27e: {  	v41 =	vmul.f32 v41, v57;
	_ =	sdelay $0x1  }
0x27f: {  	v41 =	vmul.f32 v41, v55  }
0x280: {  	v42 =	vshll.u32 v42, $0x2  }
0x281: {  	[tilespmem:s25+$0x1BD00] =	vst v41;
	v42 =	vor.u32 v3, v42  }
0x282: {  	[tilespmem:s25+$0x1B500] =	vst v42  }
0x283: {  	v63 =	vmul.f32 v60, v59;
	v41 =	vld.idx.msk [tilespmem:v33+s14+$0x0], $0xffff;
	_ =	sdelay $0x1  }
0x284: {  	v43 =	vmul.f32 v63, v43;
	_ =	sdelay $0x1  }
0x285: {  	v43 =	vmul.f32 v43, v55  }
0x286: {  	v41 =	vshll.u32 v41, $0x2  }
0x287: {  	[tilespmem:s25+$0x1BD40] =	vst v43;
	v41 =	vor.u32 v3, v41  }
0x288: {  	[tilespmem:s25+$0x1B540] =	vst v41  }
0x289: {  	v41 =	vld.idx.msk [tilespmem:v34+s14+$0x0], $0xffff;
	_ =	sdelay $0x1  }
0x28a: {  	p0 =	sne.s32 s3, $0x1800;
	v42 =	vmul.f32 v63, v57  }
.Ltmp2:
0x28b: {  	_ = 	snop;
	(pc) =	sbr.rel @p0 .LBB2_8-.Ltmp2, $4  }
0x28c: {  	v42 =	vmul.f32 v42, v55  }
0x28d: {  	v41 =	vshll.u32 v41, $0x2  }
0x28e: {  	[tilespmem:s25+$0x1BD80] =	vst v42;
	v41 =	vor.u32 v3, v41  }
0x28f: {  	s24 =	sadd.s32 $0x10, s24;
	s3 =	sadd.s32 $0x800, s3;
	s5 =	sadd.s32 $0x40, s5;
	[tilespmem:s25+$0x1B580] =	vst v41  }
0x290: {  	s21 =	sadd.s32 $0x1, s21  }
0x291: {  	p0 =	sne.s32 s21, $0x40  }
.Ltmp3:
0x292: {  	_ = 	snop;
	(pc) =	sbr.rel @p0 .LBB2_5-.Ltmp3, $4  }
0x293: {  	_ = 	snop  }
0x294: {  	[spmem:s1] =	stream.indirect.scatter.add.f32 [tilespmem:s19], [sflag:$0x2], $0x1, s18, s15, $0xb8;
	[tilespmem:$0x1D3F0] =	vst v63  }
0x295: {  	s30 =	sadd.s32 $0x80, s30  }
0x296: {  	s28 =	sadd.s32 $0x200, s28;
	s26 =	sadd.s32 $0x80, s26;
	s20 =	sadd.s32 $0x200, s20  }
0x297: {  	s23 =	sadd.s32 $0x1, s23  }
0x298: {  	p0 =	sne.s32 s23, $0x8  }
.Ltmp4:
0x299: {  	_ = 	snop;
	(pc) =	sbr.rel @p0 .LBB2_4-.Ltmp4, $1  }
0x29a: {  	_ =	sdelay $0x3  }
0x29b: {  	s3 =	simm.s32 $0x1  }
0x29c: {  	_ =	swait.ge [sflag:s3], $0x800  }
0x29d: {  	[sflag:s3] =	ssyncset.done $0x0  }
0x29e: {  	s28 =	simm.s32 $0x2;
	[sflag:s3] =	ssyncadd.s32 $0xFFFFF800  }
0x29f: {  	_ =	swait.ge [sflag:s28], $0x800  }
0x2a0: {  	[sflag:s28] =	ssyncset.done $0x0  }
0x2a1: {  	[sflag:s28] =	ssyncadd.s32 $0xFFFFF800  }
0x2a2: {  	s30 =	stileid.u32;
	[bflag:$0x0] =	sbarrier.arrive $0xFFFF  }
0x2a3: {  	s3 =	sshll.u32 s30, $0x6;
	s21 =	rddreg [dreg:$0x6]  }
0x2a4: {  	s3 =	sor.u32 $0x1C03, s3;
	s5 =	rddreg [dreg:$0x7];
	s4 =	sshrl.u32 s21, $0x3  }
0x2a5: {  	[hbm:s5], [sflag:s3] =	dma.local [spmem:s4], $0x2000  }
0x2a6: {  	_ =	swait.ge [sflag:s29], $0x2000  }
0x2a7: {  	s20 =	rddreg [dreg:$0x4]  }
0x2a8: {  	s31 =	rddreg [dreg:$0x8];
	s20 =	sadd.s32 $0x1, s20  }
0x2a9: {  	p0 =	sne.s32 s20, s31  }
.Ltmp5:
0x2aa: {  	_ = 	snop;
	(pc) =	sbr.rel @p0 .LBB2_1-.Ltmp5, $3  }
0x2ab: {  	_ =	sdelay $0x1  }
0x2ac: {  	[sflag:s29] =	ssyncset.done $0x0  }
0x2ad: {  	[sflag:s29] =	ssyncadd.s32 $0xFFFFE000  }
0x2ae: {  	_ =	sfence.sel $0x180000  }
0x2af: {  	[bflag:$0x0] =	sbarrier.arrive $0xFFFF  }
0x2b0: {  	_ =	strace $0x9000004D  }
0x2b1: {  	s0 =	stileid.u32;
	[bflag:$0x2] =	sbarrier.arrive $0xFFFF  }
0x2b2: {  	p0 =	sne.s32 s0, $0x0;
	s0 =	rddreg [dreg:$0x3]  }
0x2b3: {  	s0 =	sadd.s32 @!p0 $0x100000, s0  }
0x2b4: {  	[sflag:s0] =	ssyncadd.tile.s32 @!p0 $0x1;
	_ =	shalt  }
.Lfunc_end2:
_tile_overlayer_lowered:
.L_overlay_start_2:
0x2b5: {  	(tag) =	ssettag $0x2  }
0x2b6: {  	s0 =	rddreg [dreg:$0x0];
	s2 =	stileid.u32  }
0x2b7: {  	s1 =	rddreg [dreg:$0x1];
	p0 =	sne.s32 s2, $0x0  }
0x2b8: {  	s3 =	rddreg [dreg:$0x2];
	[bflag:$0x3] =	sbarrier.arrive $0xFFFF;
	s2 =	simm.s32 @!p0 $0x1C03  }
0x2b9: {  	[timem:s3], [sflag:s2] =	dma.local @!p0 [hbm:s0], s1  }
0x2ba: {  	s0 =	simm.s32 @!p0 $0x3  }
0x2bb: {  	_ =	swait.ge @!p0 [sflag:s0], s1  }
0x2bc: {  	s1 =	ssub.s32 @!p0 $0x0, s1;
	[sflag:s0] =	ssyncset.done @!p0 $0x0  }
0x2bd: {  	[sflag:s0] =	ssyncadd.s32 @!p0 s1  }
0x2be: {  	[bflag:$0x3] =	sbarrier.arrive $0xFFFF  }
0x2bf: {  	_ =	shalt  }

// kernel: sparse-core-data-format-call.1.cloned.1.call-start
scs
called_computation.1_lowered:
.L_overlay_start_0:
0x0: {  	s1 =	sld [smem:$0x3FD9]  }
0x1: {  	s2 =	sld [smem:$0x3FFE];
	_ =	sdelay $0x1  }
0x2: {  	s3 =	srdreg.scid  }
0x3: {  	s0 =	sand.u32 $0x1, s3  }
0x4: {  	s17 =	sshll.u32 s0, $0xA;
	s1 =	sadd.s32 s2, s1  }
0x5: {  	s1 =	sadd.s32 s1, s17  }
0x6: {  	[smem:$0x3FC4] =	sst s1  }
0x7: {  	_ = 	snop  }
0x8: {  	(tm) =	ssettm $0x1  }
0x9: {  	s18 =	sld [smem:$0x3FFB];
	_ =	sdelay $0x3  }
0xa: {  	_ =	strace s18  }
0xb: {  	s1 =	sld [smem:$0x3FFC];
	_ =	sdelay $0x3  }
0xc: {  	_ =	strace s1  }
0xd: {  	s1 =	sld [smem:$0x3FFD];
	_ =	sdelay $0x3  }
0xe: {  	_ =	strace s1  }
0xf: {  	_ =	strace $0x8FFFFFFF  }
0x10: {  	s19 =	sld [smem:$0x3FDB];
	_ =	sdelay $0x1  }
0x11: {  	s20 =	simm.s32 $_scs_section_size  }
0x12: {  	s4 =	simm.s32 $_size__tile_overlayer_lowered;
	s5 =	simm.s32 $_tile_overlayer_lowered  }
0x13: {  	s23 =	simm.s32 $0x1BFF;
	s22 =	sshll.u32 s5, $0x1;
	s1 =	sadd.s32 s20, s19  }
0x14: {  	s6 =	simm.s32 $0x0;
	s21 =	sshll.u32 s4, $0x1;
	s4 =	sadd.s32 s22, s1  }
0x15: {  	[timem:s6], [sflag:s23] =	dma.local [hbm:s4], s21  }
0x16: {  	_ =	swait.ge [sflag:s23], s21  }
0x17: {  	s2 =	ssub.s32 $0x0, s21;
	[sflag:s23] =	ssyncset.done $0x0  }
0x18: {  	[sflag:s23] =	ssyncadd.s32 s2;
	_ =	sdelay $0x1  }
0x19: {  	s24 =	simm.s32 $0x1B8B  }
0x1a: {  	_ =	swait.ge [sflag:s24], $0x1  }
0x1b: {  	[sflag:s24] =	ssyncset.done $0x0  }
0x1c: {  	s26 =	simm.s32 $0x1B8E;
	s25 =	sld [smem:$0x3FFE];
	[sflag:s24] =	ssyncadd.s32 $0xFFFFFFFF  }
0x1d: {  	s27 =	simm.s32 $execute0_lowered;
	[smem:$0x3FD2] =	sst s26  }
0x1e: {  	s4 =	sshll.u32 s27, $0x1;
	_ =	strace $0x80000046;
	[dreg:$0x1] =	wrdreg $0xFFFFFFFF  }
0x1f: {  	s28 =	simm.s32 $_size_execute0_lowered;
	s1 =	sadd.s32 s1, s4;
	[dreg:$0x0] =	wrdreg $0x0  }
0x20: {  	s4 =	sshll.u32 s28, $0x1;
	[dreg:$0x2] =	wrdreg s1  }
0x21: {  	[dreg:$0x3] =	wrdreg s4  }
0x22: {  	[dreg:$0x4] =	wrdreg $0xC0  }
0x23: {  	_ =	task [dreg:s6], $0x5FFFF  }
0x24: {  	[dreg:$0x1] =	wrdreg $0xFFFFFFFF  }
0x25: {  	[dreg:$0x0] =	wrdreg $0x60  }
0x26: {  	[dreg:$0x2] =	wrdreg s25  }
0x27: {  	[dreg:$0x3] =	wrdreg $0x9  }
0x28: {  	_ =	task.clear_ibuf [dreg:s6], $0x4FFFF;
	_ =	strace $0x90000046  }
0x29: {  	s29 =	simm.s32 $0x9;
	_ =	strace $0x80000048  }
0x2a: {  	_ =	swait.ge [sflag:s29], $0x1  }
0x2b: {  	[sflag:s29] =	ssyncadd.s32 $0xFFFFFFFF  }
0x2c: {  	_ =	strace $0x90000048  }
0x2d: {  	_ =	sfence  }
0x2e: {  	s30 =	sld [smem:$0x0];
	_ =	sdelay $0x2  }
0x2f: {  	s31 =	sshll.u32 s3, $0xD;
	s3 =	sshrl.u32 s3, $0x2  }
0x30: {  	s2 =	sand.u32 $0x4000, s31;
	s1 =	sadd.s32 s3, s30  }
0x31: {  	s0 =	sor.u32 s2, s0;
	s1 =	sshll.u32 s1, $0x11  }
0x32: {  	s0 =	sor.u32 s1, s0  }
0x33: {  	s0 =	sadd.s32 $0x8F2B, s0  }
0x34: {  	[sflag:s0] =	ssyncadd.remote.s32 $0x1  }
0x35: {  	_ =	sfence.sel $0xFFFF  }
0x36: {  	[dreg:$0x0] =	wrdreg $0xFFFFFFFF;
	(pc) =	sbr.abs _section_cstart, $3  }
0x37: {  	[dreg:$0x1] =	wrdreg $0xFFFFFFFF  }
0x38: {  	_ =	task.clear_ibuf [dreg:s6], $0x2FFFF;
	_ =	strace $0x9FFFFFFF  }
0x39: {  	(tm) =	ssettm $0x7FFFFFFF  }
tec
execute0_lowered:
.L_overlay_start_1:
0x0: {  	(tag) =	ssettag $0x1  }
0x1: {  	s0 =	stileid.u32  }
0x2: {  	s8 =	rddreg [dreg:$0x0];
	s2 =	srdreg.scid  }
0x3: {  	s31 =	simm.s32 $0x2;
	s17 =	simm.s32 $0x0;
	s10 =	simm.s32 $0x800  }
0x4: {  	s16 =	simm.s32 $0x0;
	s15 =	simm.s32 $0x0;
	s14 =	simm.s32 $0x0  }
0x5: {  	s1 =	sshll.u32 s0, $0x7;
	s4 =	sshll.u32 s0, $0x5;
	s5 =	sshll.u32 s2, $0x9  }
0x6: {  	s3 =	sshrl.u32 s0, $0x1;
	s1 =	sand.u32 $0x80, s1;
	s25 =	sor.u32 s4, s5  }
0x7: {  	s2 =	sand.u32 $0x1, s3;
	s6 =	ssub.s32 $0x100, s1;
	s3 =	sand.u32 $0x380, s25  }
0x8: {  	s28 =	ssub.s32 $0x2, s2;
	s12 =	smov.u32 s2;
	s13 =	smov.u32 s1  }
0x9: {  	s26 =	sshrl.u32 s6, $0x7;
	s27 =	sshrl.u32 s6, $0x8;
	s29 =	ssub.s32 $0x4000, s3  }
0xa: {  	s7 =	sshrl.u32 s28, $0x1;
	s5 =	sand.u32 $0x1, s28;
	s4 =	sand.u32 $0x1, s26  }
0xb: {  	s9 =	sand.u32 $0x380, s29;
	s5 =	sadd.s32 s5, s7;
	s4 =	sadd.s32 s27, s4  }
0xc: {  	s7 =	simm.s32 $0x1;
	p0 =	sne.s32 s9, $0x0;
	s30 =	smul.u32 s5, s4  }
.Ltmp0:
0xd: {  	s6 =	sshrl.u32 s29, $0xA;
	s7 =	simm.s32 @!p0 $0x0;
	(pc) =	sbr.rel .LBB1_1-.Ltmp0, $4  }
0xe: {  	s11 =	smov.u32 s3;
	s4 =	rddreg [dreg:$0x1];
	s6 =	sadd.s32 s7, s6  }
0xf: {  	_ =	strace $0x80000047;
	s5 =	simm.s32 $0x1;
	s6 =	smul.u32 s6, s30  }
0x10: {  	p0 =	por $0x0, $0x0;
	s7 =	sadd.s32 $0x1800, s8;
	[sflag:s5] =	ssyncpa.u1 $0x0  }
0x11: {  	s8 =	sadd.s32 $0x101800, s8;
	[sflag:s31] =	ssyncpa.u1 $0x0;
	s9 =	sadd.s32 $0x1, s6  }
.LBB1_4:
0x12: {  	v5 =	vld [tilespmem:s21+$0xFFFFFFD0]  }
0x13: {  	[tilespmem:s19+$0x2040 ss:$0x81] =	vst.msk $0xffff, v1;
	v58 =	vld [tilespmem:s21+$0xFFFFFFE0]  }
0x14: {  	[tilespmem:s19+$0x2850 ss:$0x81] =	vst.msk $0xffff, v2;
	v59 =	vld [tilespmem:s21+$0xFFFFFFF0]  }
0x15: {  	s22 =	sshra.s32 s22, $0x2;
	[tilespmem:s19+$0x3060 ss:$0x81] =	vst.msk $0xffff, v3;
	v60 =	vld [tilespmem:s21+$0x0]  }
0x16: {  	v61 =	vld [tilespmem:s21+$0x10];
	[tilespmem:s19+$0x0 ss:$0x81] =	vst.msk $0xffff, v0;
	s20 =	sadd.s32 s22, s20  }
0x17: {  	s25 =	sshll.u32 s17, $0x8;
	v62 =	vld [tilespmem:s21+$0x20];
	[tilespmem:s20+$0x3870 ss:$0x81] =	vst.msk $0xffff, v4  }
0x18: {  	s23 =	sshll.u32 s15, $0x3;
	v63 =	vld [tilespmem:s21+$0xFFFFFFC0];
	s30 =	sand.u32 $0x78, s15;
	s16 =	sshll.u32 s16, $0x13;
	[tilespmem:s20+$0x810 ss:$0x81] =	vst.msk $0xffff, v5  }
0x19: {  	s28 =	sshll.u32 s17, $0x7;
	s26 =	sand.u32 $0x3FF800, s25;
	s27 =	sand.u32 $0x3FFC00, s23;
	[tilespmem:s20+$0x1020 ss:$0x81] =	vst.msk $0xffff, v58  }
0x1a: {  	s29 =	sand.u32 $0x300, s28;
	s17 =	sand.u32 $0x80, s28;
	s19 =	sadd.s32 s27, s26;
	[tilespmem:s20+$0x1830 ss:$0x81] =	vst.msk $0xffff, v59  }
0x1b: {  	s31 =	sand.u32 $0x7, s15;
	s17 =	sor.u32 s30, s17;
	s19 =	sor.u32 s29, s19;
	[tilespmem:s20+$0x2040 ss:$0x81] =	vst.msk $0xffff, v60  }
0x1c: {  	s16 =	sadd.s32 s8, s16;
	s17 =	sshrl.u32 s17, $0x3;
	s19 =	sshrl.u32 s19, $0x3;
	[tilespmem:s20+$0x2850 ss:$0x81] =	vst.msk $0xffff, v61  }
0x1d: {  	s15 =	sshll.u32 s31, $0x12;
	s16 =	sadd.s32 s17, s16;
	[tilespmem:s20+$0x3060 ss:$0x81] =	vst.msk $0xffff, v62;
	s19 =	sand.u32 $0x7FFE0, s19  }
0x1e: {  	s15 =	sor.u32 $0x400, s15;
	[tilespmem:s20+$0x0 ss:$0x81] =	vst.msk $0xffff, v63;
	s16 =	sadd.s32 s19, s16  }
0x1f: {  	[hbm4b:s16+s15] =	stream.strided.scatter [tilespmem:s18], [sflag:$0x2], $0x4000, s10, s15, $0x20;
	[tilespmem:$0x10100] =	vst v63  }
.LBB1_5:
0x20: {  	s18 =	sadd.s32 $0x400, s11  }
0x21: {  	s15 =	sadd.s32 $0x2, s12;
	s19 =	smov.u32 s12;
	p2 =	sgt.s32 s18, $0x3FFF  }
0x22: {  	s19 =	smov.u32 @p2 s15  }
0x23: {  	s21 =	smov.u32 s13;
	s15 =	sadd.s32 $0x100, s13;
	p3 =	sgt.s32 s19, $0x1  }
0x24: {  	s21 =	smov.u32 @p3 s15  }
0x25: {  	s18 =	smov.u32 @p2 s3;
	p2 =	sgt.s32 s21, $0xFF  }
0x26: {  	p1 =	slt.u32 s14, $0x2;
	s21 =	smov.u32 @p2 s1;
	p2 =	sne.s32 s14, s9  }
.Ltmp1:
0x27: {  	s20 =	simm.s32 @!p1 $0x2;
	(pc) =	sbr.rel @!p2 .LBB1_6-.Ltmp1, $4  }
0x28: {  	s17 =	smov.u32 s11;
	s16 =	smov.u32 s12;
	_ =	swait.ge @!p1 [sflag:s20], $0x4000  }
0x29: {  	p0 =	por !p0, !p0;
	[sflag:s20] =	ssyncset.done @!p1 $0x0;
	s11 =	smov.u32 s18  }
0x2a: {  	s19 =	smov.u32 @p3 s2;
	s15 =	smov.u32 s13;
	[sflag:s20] =	ssyncadd.s32 @!p1 $0xFFFFC000  }
0x2b: {  	s12 =	smov.u32 s19;
	s14 =	sadd.s32 $0x1, s14;
	s13 =	smov.u32 s21  }
.LBB1_1:
0x2c: {  	p1 =	sge.u32 s14, s6  }
0x2d: {  	s18 =	sshll.u32 @!p1 s12, $0x7  }
0x2e: {  	s19 =	sand.u32 @!p1 $0x78, s11;
	s20 =	sshll.u32 @!p1 s11, $0x1;
	s18 =	sand.u32 @!p1 $0x80, s18  }
0x2f: {  	s31 =	sadd.s32 $0xFFFFFFFF, s14;
	s20 =	sand.u32 @!p1 $0x3F00, s20;
	s18 =	sor.u32 @!p1 s18, s19  }
0x30: {  	s19 =	sshll.u32 @!p1 s13, $0xC;
	s18 =	sor.u32 @!p1 s20, s18;
	s20 =	sshrl.u32 @!p1 s11, $0x2  }
0x31: {  	s21 =	sxor.u32 @!p1 $0xFFFFFFFF, s14;
	s19 =	sadd.s32 @!p1 s7, s19;
	s20 =	sand.u32 @!p1 $0x800, s20  }
0x32: {  	s21 =	sshll.u32 @!p1 s21, $0xE;
	s19 =	sadd.s32 @!p1 s20, s19;
	s20 =	sand.u32 @!p1 $0x7, s11  }
0x33: {  	s21 =	sand.u32 @!p1 $0x4000, s21;
	s18 =	sshrl.u32 @!p1 s18, $0x3;
	s20 =	sshll.u32 @!p1 s20, $0x12  }
0x34: {  	s18 =	sadd.s32 @!p1 s18, s19;
	s19 =	sor.u32 @!p1 $0x80, s20;
	s20 =	simm.s32 @!p1 $0x8000  }
0x35: {  	[tilespmem:s21], [sflag:$0x1] =	stream.strided.gather @!p1 [hbm4b:s18+s19], $0x4000, s20, s19, $0x38;
	[tilespmem:$0x10100] =	vst v63  }
0x36: {  	p1 =	sge.u32 s31, s6  }
.Ltmp2:
0x37: {  	_ = 	snop;
	(pc) =	sbr.rel @p1 .LBB1_5-.Ltmp2, $1  }
0x38: {  	_ =	sdelay $0x3  }
0x39: {  	s18 =	simm.s32 $0x1  }
0x3a: {  	_ =	swait.ge [sflag:s5], $0x4000;
	s18 =	simm.s32 @!p0 $0x0  }
0x3b: {  	[sflag:s5] =	ssyncset.done $0x0;
	s19 =	sshll.u32 s18, $0xE  }
0x3c: {  	[sflag:s5] =	ssyncadd.s32 $0xFFFFC000;
	s21 =	sor.u32 $0x40, s19  }
0x3d: {  	s18 =	smul.u32 $0x10200, s18;
	v0 =	vld [tilespmem:s21+$0x30]  }
0x3e: {  	v3 =	vld [tilespmem:s21+$0xFFFFFFD0]  }
0x3f: {  	s18 =	sshrl.u32 s18, $0x2;
	v4 =	vld [tilespmem:s21+$0xFFFFFFE0]  }
0x40: {  	v5 =	vld [tilespmem:s21+$0xFFFFFFF0];
	s20 =	sor.u32 $0x8000, s18  }
0x41: {  	s31 =	sand.u32 $0x1, s14;
	v1 =	vld [tilespmem:s21+$0x0];
	s19 =	sadd.s32 $0x0, s20  }
0x42: {  	v2 =	vld [tilespmem:s21+$0x10];
	s18 =	smul.u32 $0x10200, s31;
	[tilespmem:s19+$0x3870 ss:$0x81] =	vst.msk $0xffff, v0  }
0x43: {  	[tilespmem:s19+$0x810 ss:$0x81] =	vst.msk $0xffff, v3;
	v3 =	vld [tilespmem:s21+$0x20]  }
0x44: {  	s18 =	sshrl.u32 s18, $0x2;
	v0 =	vld [tilespmem:s21+$0xFFFFFFC0];
	[tilespmem:s19+$0x1020 ss:$0x81] =	vst.msk $0xffff, v4;
	s21 =	sadd.s32 $0x80, s21  }
0x45: {  	s22 =	simm.s32 $0x4;
	s23 =	simm.s32 $0x8;
	s18 =	sor.u32 $0x8000, s18;
	[tilespmem:s19+$0x1830 ss:$0x81] =	vst.msk $0xffff, v5;
	v4 =	vld [tilespmem:s21+$0x30]  }
.LBB1_3:
0x46: {  	p1 =	sne.s32 s23, $0x1FC;
	v5 =	vld [tilespmem:s21+$0xFFFFFFD0];
	[tilespmem:s19+$0x2040 ss:$0x81] =	vst.msk $0xffff, v1  }
0x47: {  	v6 =	vld [tilespmem:s21+$0xFFFFFFE0];
	[tilespmem:s19+$0x2850 ss:$0x81] =	vst.msk $0xffff, v2  }
0x48: {  	s24 =	sshra.s32 s22, $0x2;
	s22 =	smov.u32 s23;
	v7 =	vld [tilespmem:s21+$0xFFFFFFF0];
	[tilespmem:s19+$0x3060 ss:$0x81] =	vst.msk $0xffff, v3  }
.Ltmp3:
0x49: {  	v1 =	vld [tilespmem:s21+$0x0];
	[tilespmem:s19+$0x0 ss:$0x81] =	vst.msk $0xffff, v0;
	s19 =	sadd.s32 s24, s20;
	(pc) =	sbr.rel @p1 .LBB1_3-.Ltmp3, $4  }
0x4a: {  	v2 =	vld [tilespmem:s21+$0x10];
	[tilespmem:s19+$0x3870 ss:$0x81] =	vst.msk $0xffff, v4  }
0x4b: {  	[tilespmem:s19+$0x810 ss:$0x81] =	vst.msk $0xffff, v5;
	v3 =	vld [tilespmem:s21+$0x20]  }
0x4c: {  	v0 =	vld [tilespmem:s21+$0xFFFFFFC0];
	[tilespmem:s19+$0x1020 ss:$0x81] =	vst.msk $0xffff, v6;
	s21 =	sadd.s32 $0x80, s21  }
0x4d: {  	s23 =	sadd.s32 $0x4, s23;
	v4 =	vld [tilespmem:s21+$0x30];
	[tilespmem:s19+$0x1830 ss:$0x81] =	vst.msk $0xffff, v7  }
.Ltmp4:
0x4e: {  	_ = 	snop;
	(pc) =	sbr.rel .LBB1_4-.Ltmp4, $1  }
0x4f: {  	_ =	sdelay $0x3  }
.LBB1_6:
0x50: {  	_ =	sfence.sel $0x180000  }
0x51: {  	s1 =	simm.s32 $0x1;
	[bflag:$0x0] =	sbarrier.arrive $0xFFFF  }
0x52: {  	s31 =	simm.s32 $0x2;
	[sflag:s1] =	ssyncpa.u1 $0x1  }
0x53: {  	[sflag:s31] =	ssyncpa.u1 $0x1  }
0x54: {  	p0 =	sne.s32 s0, $0x0;
	_ =	strace $0x90000047  }
0x55: {  	s0 =	sadd.s32 @!p0 $0x100000, s4;
	[bflag:$0x2] =	sbarrier.arrive $0xFFFF  }
0x56: {  	[sflag:s0] =	ssyncadd.tile.s32 @!p0 $0x1;
	_ =	shalt  }
.Lfunc_end1:
_tile_overlayer_lowered:
.L_overlay_start_2:
0x57: {  	(tag) =	ssettag $0x2  }
0x58: {  	s0 =	rddreg [dreg:$0x0];
	s2 =	stileid.u32  }
0x59: {  	s1 =	rddreg [dreg:$0x1];
	p0 =	sne.s32 s2, $0x0  }
0x5a: {  	s3 =	rddreg [dreg:$0x2];
	[bflag:$0x3] =	sbarrier.arrive $0xFFFF;
	s2 =	simm.s32 @!p0 $0x1C01  }
0x5b: {  	[timem:s3], [sflag:s2] =	dma.local @!p0 [hbm:s0], s1  }
0x5c: {  	s0 =	simm.s32 @!p0 $0x1  }
0x5d: {  	_ =	swait.ge @!p0 [sflag:s0], s1  }
0x5e: {  	s1 =	ssub.s32 @!p0 $0x0, s1;
	[sflag:s0] =	ssyncset.done @!p0 $0x0  }
0x5f: {  	[sflag:s0] =	ssyncadd.s32 @!p0 s1  }
0x60: {  	[bflag:$0x3] =	sbarrier.arrive $0xFFFF  }
0x61: {  	_ =	shalt  }

// kernel: sparse-core-data-format-call.cloned.1.call-start
scs
called_computation_lowered:
.L_overlay_start_0:
0x0: {  	s1 =	sld [smem:$0x3FD9]  }
0x1: {  	s2 =	sld [smem:$0x3FFE];
	_ =	sdelay $0x1  }
0x2: {  	s3 =	srdreg.scid  }
0x3: {  	s0 =	sand.u32 $0x1, s3  }
0x4: {  	s17 =	sshll.u32 s0, $0xA;
	s1 =	sadd.s32 s2, s1  }
0x5: {  	s1 =	sadd.s32 s1, s17  }
0x6: {  	[smem:$0x3FC4] =	sst s1  }
0x7: {  	_ = 	snop  }
0x8: {  	(tm) =	ssettm $0x1  }
0x9: {  	s18 =	sld [smem:$0x3FFB];
	_ =	sdelay $0x3  }
0xa: {  	_ =	strace s18  }
0xb: {  	s1 =	sld [smem:$0x3FFC];
	_ =	sdelay $0x3  }
0xc: {  	_ =	strace s1  }
0xd: {  	s1 =	sld [smem:$0x3FFD];
	_ =	sdelay $0x3  }
0xe: {  	_ =	strace s1  }
0xf: {  	_ =	strace $0x8FFFFFFF  }
0x10: {  	s19 =	sld [smem:$0x3FDB];
	_ =	sdelay $0x1  }
0x11: {  	s20 =	simm.s32 $_scs_section_size  }
0x12: {  	s4 =	simm.s32 $_size__tile_overlayer_lowered;
	s5 =	simm.s32 $_tile_overlayer_lowered  }
0x13: {  	s23 =	simm.s32 $0x1BFF;
	s22 =	sshll.u32 s5, $0x1;
	s1 =	sadd.s32 s20, s19  }
0x14: {  	s6 =	simm.s32 $0x0;
	s21 =	sshll.u32 s4, $0x1;
	s4 =	sadd.s32 s22, s1  }
0x15: {  	[timem:s6], [sflag:s23] =	dma.local [hbm:s4], s21  }
0x16: {  	_ =	swait.ge [sflag:s23], s21  }
0x17: {  	s2 =	ssub.s32 $0x0, s21;
	[sflag:s23] =	ssyncset.done $0x0  }
0x18: {  	[sflag:s23] =	ssyncadd.s32 s2;
	_ =	sdelay $0x1  }
0x19: {  	s24 =	simm.s32 $0x1B8B  }
0x1a: {  	_ =	swait.ge [sflag:s24], $0x1  }
0x1b: {  	[sflag:s24] =	ssyncset.done $0x0  }
0x1c: {  	s26 =	simm.s32 $0x1B8E;
	s25 =	sld [smem:$0x3FFE];
	[sflag:s24] =	ssyncadd.s32 $0xFFFFFFFF  }
0x1d: {  	s27 =	simm.s32 $execute0_lowered;
	[smem:$0x3FD2] =	sst s26  }
0x1e: {  	s4 =	sshll.u32 s27, $0x1;
	_ =	strace $0x80000049;
	[dreg:$0x1] =	wrdreg $0xFFFFFFFF  }
0x1f: {  	s28 =	simm.s32 $_size_execute0_lowered;
	s1 =	sadd.s32 s1, s4;
	[dreg:$0x0] =	wrdreg $0x0  }
0x20: {  	s4 =	sshll.u32 s28, $0x1;
	[dreg:$0x2] =	wrdreg s1  }
0x21: {  	[dreg:$0x3] =	wrdreg s4  }
0x22: {  	[dreg:$0x4] =	wrdreg $0xC0  }
0x23: {  	_ =	task [dreg:s6], $0x5FFFF  }
0x24: {  	[dreg:$0x1] =	wrdreg $0xFFFFFFFF  }
0x25: {  	[dreg:$0x0] =	wrdreg $0x60  }
0x26: {  	[dreg:$0x2] =	wrdreg s25  }
0x27: {  	[dreg:$0x3] =	wrdreg $0x9  }
0x28: {  	_ =	task.clear_ibuf [dreg:s6], $0x4FFFF;
	_ =	strace $0x90000049  }
0x29: {  	s29 =	simm.s32 $0x9;
	_ =	strace $0x8000004B  }
0x2a: {  	_ =	swait.ge [sflag:s29], $0x1  }
0x2b: {  	[sflag:s29] =	ssyncadd.s32 $0xFFFFFFFF  }
0x2c: {  	_ =	strace $0x9000004B  }
0x2d: {  	_ =	sfence  }
0x2e: {  	s30 =	sld [smem:$0x0];
	_ =	sdelay $0x2  }
0x2f: {  	s31 =	sshll.u32 s3, $0xD;
	s3 =	sshrl.u32 s3, $0x2  }
0x30: {  	s2 =	sand.u32 $0x4000, s31;
	s1 =	sadd.s32 s3, s30  }
0x31: {  	s0 =	sor.u32 s2, s0;
	s1 =	sshll.u32 s1, $0x11  }
0x32: {  	s0 =	sor.u32 s1, s0  }
0x33: {  	s0 =	sadd.s32 $0x8F2B, s0  }
0x34: {  	[sflag:s0] =	ssyncadd.remote.s32 $0x1  }
0x35: {  	_ =	sfence.sel $0xFFFF  }
0x36: {  	[dreg:$0x0] =	wrdreg $0xFFFFFFFF;
	(pc) =	sbr.abs _section_cstart, $3  }
0x37: {  	[dreg:$0x1] =	wrdreg $0xFFFFFFFF  }
0x38: {  	_ =	task.clear_ibuf [dreg:s6], $0x2FFFF;
	_ =	strace $0x9FFFFFFF  }
0x39: {  	(tm) =	ssettm $0x7FFFFFFF  }
tec
execute0_lowered:
.L_overlay_start_1:
0x0: {  	(tag) =	ssettag $0x1  }
0x1: {  	s0 =	srdreg.scid  }
0x2: {  	s1 =	sshll.u32 s0, $0x4  }
0x3: {  	s4 =	rddreg [dreg:$0x0];
	s0 =	stileid.u32;
	s1 =	sand.u32 $0x10, s1  }
0x4: {  	s7 =	simm.s32 $0x1;
	s8 =	simm.s32 $0x2;
	s2 =	sor.u32 s0, s1  }
0x5: {  	s9 =	simm.s32 $0x0;
	s12 =	simm.s32 $0x0;
	s2 =	sshll.u32 s2, $0x3  }
0x6: {  	s11 =	simm.s32 $0x0;
	s3 =	sadd.s32 $0x101800, s4;
	s6 =	ssub.s32 $0x1000, s2  }
.Ltmp0:
0x7: {  	s4 =	sadd.s32 $0x1800, s4;
	s5 =	sand.u32 $0xF8, s6;
	(pc) =	sbr.rel .LBB1_1-.Ltmp0, $4  }
0x8: {  	s1 =	rddreg [dreg:$0x1];
	_ =	strace $0x8000004A;
	p0 =	sne.s32 s5, $0x0  }
0x9: {  	s6 =	sshrl.u32 s6, $0x8;
	s5 =	simm.s32 $0x1;
	s7 =	simm.s32 @!p0 $0x0  }
0xa: {  	s10 =	smov.u32 s2;
	[sflag:s5] =	ssyncpa.u1 $0x0;
	s6 =	sadd.s32 s7, s6  }
0xb: {  	[sflag:s8] =	ssyncpa.u1 $0x0;
	s8 =	simm.s32 $0x0;
	s7 =	sadd.s32 $0x1, s6  }
.LBB1_9:
0xc: {  	s14 =	sadd.s32 $0x100, s10  }
0xd: {  	p1 =	sgt.s32 s14, $0xFFF  }
0xe: {  	s14 =	smov.u32 @p1 s2;
	p1 =	sne.s32 s11, s7  }
.Ltmp1:
0xf: {  	p0 =	slt.u32 s11, $0x2;
	(pc) =	sbr.rel @!p1 .LBB1_10-.Ltmp1, $4  }
0x10: {  	s13 =	simm.s32 @!p0 $0x2  }
0x11: {  	s15 =	sadd.s32 $0x1, s11;
	_ =	swait.ge @!p0 [sflag:s13], $0x4000  }
0x12: {  	s12 =	smov.u32 s10;
	s9 =	sadd.s32 $0x4000, s9;
	[sflag:s13] =	ssyncset.done @!p0 $0x0  }
0x13: {  	s11 =	smov.u32 s15;
	s10 =	smov.u32 s14;
	[sflag:s13] =	ssyncadd.s32 @!p0 $0xFFFFC000  }
.LBB1_1:
0x14: {  	p0 =	sge.u32 s11, s6  }
0x15: {  	s13 =	sxor.u32 @!p0 $0xFFFFFFFF, s11  }
0x16: {  	s31 =	sadd.s32 $0xFFFFFFFF, s11;
	s14 =	sshll.u32 @!p0 s10, $0x8;
	s13 =	sshll.u32 @!p0 s13, $0xE  }
0x17: {  	s15 =	simm.s32 @!p0 $0x0;
	s14 =	sadd.s32 @!p0 s3, s14;
	s13 =	sand.u32 @!p0 $0x4000, s13  }
0x18: {  	[tilespmem:s13], [sflag:$0x1] =	stream.linear.gather @!p0 [hbm4b:s14+s15], $0x4000, $0x38;
	[tilespmem:$0x10000] =	vst v63  }
0x19: {  	p0 =	sge.u32 s31, s6  }
.Ltmp2:
0x1a: {  	_ = 	snop;
	(pc) =	sbr.rel @p0 .LBB1_9-.Ltmp2, $1  }
0x1b: {  	_ =	sdelay $0x3  }
0x1c: {  	s13 =	sshll.u32 s9, $0x2;
	_ =	swait.ge [sflag:s5], $0x4000;
	s14 =	sshll.u32 s11, $0xE  }
0x1d: {  	s16 =	simm.s32 $0x0;
	s17 =	simm.s32 $0x0;
	s15 =	sand.u32 $0x10000, s13  }
0x1e: {  	[sflag:s5] =	ssyncset.done $0x0;
	s31 =	sand.u32 $0x4000, s14;
	s14 =	sshrl.u32 s15, $0x2  }
0x1f: {  	[sflag:s5] =	ssyncadd.s32 $0xFFFFC000;
	s13 =	sor.u32 $0x8000, s31;
	s15 =	sor.u32 $0x8000, s14  }
.LBB1_3:
0x20: {  	s18 =	sshra.s32 s16, $0x2  }
0x21: {  	v0 =	vmov s18;
	_ =	sdelay $0x3  }
0x22: {  	p1 =	por $0x1, $0x1;
	s18 =	simm.s32 $0x0  }
.LBB1_4:
0x23: {  	_ = 	snop  }
0x24: {  	s19 =	sshll.u32 s18, $0xA  }
0x25: {  	s19 =	sand.u32 $0x3FFFFC00, s19  }
0x26: {  	s19 =	sadd.s32 s19, s14  }
0x27: {  	v5 =	vld.idx.msk [tilespmem:v0+s19+$0x70 ss:$0x1], $0xffff  }
0x28: {  	v6 =	vld.idx.msk [tilespmem:v0+s19+$0x10 ss:$0x1], $0xffff  }
0x29: {  	v7 =	vld.idx.msk [tilespmem:v0+s19+$0x20 ss:$0x1], $0xffff  }
0x2a: {  	s31 =	sshll.u32 s18, $0x7;
	v1 =	vld.idx.msk [tilespmem:v0+s19+$0x30 ss:$0x1], $0xffff  }
0x2b: {  	s18 =	sand.u32 $0x3FFFFF80, s31;
	v2 =	vld.idx.msk [tilespmem:v0+s19+$0x40 ss:$0x1], $0xffff  }
0x2c: {  	s18 =	sadd.s32 s18, s15;
	v3 =	vld.idx.msk [tilespmem:v0+s19+$0x50 ss:$0x1], $0xffff  }
0x2d: {  	v4 =	vld.idx.msk [tilespmem:v0+s19+$0x60 ss:$0x1], $0xffff;
	[tilespmem:v0+s18+$0x70 ss:$0x1] =	vst.idx.msk $0xffff, v5  }
0x2e: {  	v5 =	vld.idx.msk [tilespmem:v0+s19+$0x0 ss:$0x1], $0xffff;
	[tilespmem:v0+s18+$0x10 ss:$0x1] =	vst.idx.msk $0xffff, v6;
	s19 =	sadd.s32 $0x80, s19  }
0x2f: {  	p0 =	por p1, p1;
	s20 =	simm.s32 $0x6;
	[tilespmem:v0+s18+$0x20 ss:$0x1] =	vst.idx.msk $0xffff, v7;
	v6 =	vld.idx.msk [tilespmem:v0+s19+$0x70 ss:$0x1], $0xffff  }
.LBB1_5:
0x30: {  	p1 =	sne.s32 s20, $0x1;
	v7 =	vld.idx.msk [tilespmem:v0+s19+$0x10 ss:$0x1], $0xffff;
	[tilespmem:v0+s18+$0x30 ss:$0x1] =	vst.idx.msk $0xffff, v1  }
0x31: {  	v8 =	vld.idx.msk [tilespmem:v0+s19+$0x20 ss:$0x1], $0xffff;
	[tilespmem:v0+s18+$0x40 ss:$0x1] =	vst.idx.msk $0xffff, v2  }
0x32: {  	v1 =	vld.idx.msk [tilespmem:v0+s19+$0x30 ss:$0x1], $0xffff;
	[tilespmem:v0+s18+$0x50 ss:$0x1] =	vst.idx.msk $0xffff, v3  }
.Ltmp3:
0x33: {  	v2 =	vld.idx.msk [tilespmem:v0+s19+$0x40 ss:$0x1], $0xffff;
	[tilespmem:v0+s18+$0x60 ss:$0x1] =	vst.idx.msk $0xffff, v4;
	(pc) =	sbr.rel @p1 .LBB1_5-.Ltmp3, $4  }
0x34: {  	v3 =	vld.idx.msk [tilespmem:v0+s19+$0x50 ss:$0x1], $0xffff;
	[tilespmem:v0+s18+$0x0 ss:$0x1] =	vst.idx.msk $0xffff, v5;
	s18 =	sadd.s32 $0x100, s18  }
0x35: {  	v4 =	vld.idx.msk [tilespmem:v0+s19+$0x60 ss:$0x1], $0xffff;
	[tilespmem:v0+s18+$0x70 ss:$0x1] =	vst.idx.msk $0xffff, v6  }
0x36: {  	v5 =	vld.idx.msk [tilespmem:v0+s19+$0x0 ss:$0x1], $0xffff;
	[tilespmem:v0+s18+$0x10 ss:$0x1] =	vst.idx.msk $0xffff, v7;
	s19 =	sadd.s32 $0x80, s19  }
0x37: {  	s20 =	sadd.s32 $0xFFFFFFFF, s20;
	v6 =	vld.idx.msk [tilespmem:v0+s19+$0x70 ss:$0x1], $0xffff;
	[tilespmem:v0+s18+$0x20 ss:$0x1] =	vst.idx.msk $0xffff, v8  }
0x38: {  	_ =	sdelay $0x3  }
0x39: {  	[tilespmem:v0+s18+$0x30 ss:$0x1] =	vst.idx.msk $0xffff, v1  }
0x3a: {  	v1 =	vld.idx.msk [tilespmem:v0+s19+$0x10 ss:$0x1], $0xffff;
	[tilespmem:v0+s18+$0x40 ss:$0x1] =	vst.idx.msk $0xffff, v2  }
0x3b: {  	v2 =	vld.idx.msk [tilespmem:v0+s19+$0x20 ss:$0x1], $0xffff;
	[tilespmem:v0+s18+$0x50 ss:$0x1] =	vst.idx.msk $0xffff, v3  }
0x3c: {  	v61 =	vld.idx.msk [tilespmem:v0+s19+$0x40 ss:$0x1], $0xffff;
	[tilespmem:v0+s18+$0x60 ss:$0x1] =	vst.idx.msk $0xffff, v4  }
0x3d: {  	s31 =	sadd.s32 $0x100, s18;
	v62 =	vld.idx.msk [tilespmem:v0+s19+$0x50 ss:$0x1], $0xffff;
	[tilespmem:v0+s18+$0x0 ss:$0x1] =	vst.idx.msk $0xffff, v5  }
0x3e: {  	v63 =	vld.idx.msk [tilespmem:v0+s19+$0x60 ss:$0x1], $0xffff;
	[tilespmem:v0+s31+$0x70 ss:$0x1] =	vst.idx.msk $0xffff, v6  }
0x3f: {  	v3 =	vld.idx.msk [tilespmem:v0+s19+$0x30 ss:$0x1], $0xffff;
	[tilespmem:v0+s31+$0x10 ss:$0x1] =	vst.idx.msk $0xffff, v1  }
0x40: {  	v1 =	vld.idx.msk [tilespmem:v0+s19+$0x0 ss:$0x1], $0xffff;
	[tilespmem:v0+s31+$0x20 ss:$0x1] =	vst.idx.msk $0xffff, v2  }
.Ltmp4:
0x41: {  	[tilespmem:v0+s31+$0x40 ss:$0x1] =	vst.idx.msk $0xffff, v61;
	(pc) =	sbr.rel @p0 .LBB1_4-.Ltmp4, $4  }
0x42: {  	[tilespmem:v0+s31+$0x50 ss:$0x1] =	vst.idx.msk $0xffff, v62  }
0x43: {  	[tilespmem:v0+s31+$0x60 ss:$0x1] =	vst.idx.msk $0xffff, v63  }
0x44: {  	[tilespmem:v0+s31+$0x30 ss:$0x1] =	vst.idx.msk $0xffff, v3  }
0x45: {  	p1 =	por $0x0, $0x0;
	s18 =	simm.s32 $0x1;
	[tilespmem:v0+s31+$0x0 ss:$0x1] =	vst.idx.msk $0xffff, v1  }
0x46: {  	s17 =	sadd.s32 $0x1, s17  }
0x47: {  	p0 =	sne.s32 s17, $0x8  }
.Ltmp5:
0x48: {  	_ = 	snop;
	(pc) =	sbr.rel @p0 .LBB1_3-.Ltmp5, $2  }
0x49: {  	_ =	sdelay $0x2  }
0x4a: {  	s16 =	sadd.s32 $0x2000, s16  }
.Ltmp6:
0x4b: {  	(pc) =	sbr.rel .LBB1_9-.Ltmp6, $4  }
0x4c: {  	_ = 	snop  }
0x4d: {  	s12 =	sshll.u32 s12, $0x8  }
0x4e: {  	s12 =	sadd.s32 s4, s12  }
0x4f: {  	[hbm4b:s12+s8] =	stream.linear.scatter [tilespmem:s13], [sflag:$0x2], $0x4000, $0x38;
	[tilespmem:$0x10000] =	vst v63  }
.LBB1_10:
0x50: {  	_ =	sfence.sel $0x180000  }
0x51: {  	s2 =	simm.s32 $0x1;
	[bflag:$0x0] =	sbarrier.arrive $0xFFFF  }
0x52: {  	s31 =	simm.s32 $0x2;
	[sflag:s2] =	ssyncpa.u1 $0x1  }
0x53: {  	[sflag:s31] =	ssyncpa.u1 $0x1  }
0x54: {  	p0 =	sne.s32 s0, $0x0;
	_ =	strace $0x9000004A  }
0x55: {  	s0 =	sadd.s32 @!p0 $0x100000, s1;
	[bflag:$0x2] =	sbarrier.arrive $0xFFFF  }
0x56: {  	[sflag:s0] =	ssyncadd.tile.s32 @!p0 $0x1;
	_ =	shalt  }
.Lfunc_end1:
_tile_overlayer_lowered:
.L_overlay_start_2:
0x57: {  	(tag) =	ssettag $0x2  }
0x58: {  	s0 =	rddreg [dreg:$0x0];
	s2 =	stileid.u32  }
0x59: {  	s1 =	rddreg [dreg:$0x1];
	p0 =	sne.s32 s2, $0x0  }
0x5a: {  	s3 =	rddreg [dreg:$0x2];
	[bflag:$0x3] =	sbarrier.arrive $0xFFFF;
	s2 =	simm.s32 @!p0 $0x1C01  }
0x5b: {  	[timem:s3], [sflag:s2] =	dma.local @!p0 [hbm:s0], s1  }
0x5c: {  	s0 =	simm.s32 @!p0 $0x1  }
0x5d: {  	_ =	swait.ge @!p0 [sflag:s0], s1  }
0x5e: {  	s1 =	ssub.s32 @!p0 $0x0, s1;
	[sflag:s0] =	ssyncset.done @!p0 $0x0  }
0x5f: {  	[sflag:s0] =	ssyncadd.s32 @!p0 s1  }
0x60: {  	[bflag:$0x3] =	sbarrier.arrive $0xFFFF  }
0x61: {  	_ =	shalt  }

</sc_bundles>
